<compile_context>
chip_gen: v7x
topology: tpu7x:2x2x1
jax: 0.10.2.dev20260603
libtpu: 0.0.44.dev20260713+nightly
codegen_flags: <defaults>
</compile_context>

<pallas_src>
import functools

import jax
import jax.numpy as jnp
from jax import lax
from jax.experimental import pallas as pl
from jax.experimental.pallas import tpu as pltpu
from jax.experimental.pallas import tpu_sc as plsc

DIM = 128
NACT = 8
NSEG = 16
TOTAL = 32768
BLK = 16384
NB = TOTAL // BLK
BLKA = 16384
NBA = TOTAL // BLKA

NC = 2
NS = 16
NW = NC * NS
CHUNK = TOTAL // NW
NV = CHUNK // 16

_NEG_INF = float("-inf")


def _proj_body(x_ref, w_ref, la_ref, d_ref):
    yt = lax.dot_general(
        w_ref[...], x_ref[...], (((1,), (1,)), ((), ())),
        preferred_element_type=jnp.float32,
    ) * (1.0 / DIM)
    d_ref[...] = yt[NACT]
    a = yt[:NACT, :]
    m8 = jnp.max(a, axis=0, keepdims=True)
    lse = jnp.log(jnp.sum(jnp.exp(a - m8), axis=0, keepdims=True))
    la_ref[...] = a - m8 - lse


def _lane_reduce(vec, tbuf, op):
    iota = lax.iota(jnp.int32, 16)
    x = vec
    for sh in (8, 4, 2, 1):
        tbuf[...] = x
        x = op(x, plsc.load_gather(tbuf, [lax.bitwise_xor(iota, sh)]))
    return x


def _sc_stats_body(d_hbm, seg_hbm, mout_hbm, sout_hbm, d_v, seg_v, mbuf_v, obuf_v,
                   tbuf_v):
    wid = lax.axis_index("s") * NC + lax.axis_index("c")
    base = wid * CHUNK
    pltpu.sync_copy(d_hbm.at[pl.ds(base, CHUNK)], d_v)
    pltpu.sync_copy(seg_hbm.at[pl.ds(base, CHUNK)], seg_v)

    iota = lax.iota(jnp.int32, 16)
    ninf = jnp.full((16,), _NEG_INF, jnp.float32)

    def max_step(k, acc):
        dv = d_v[pl.ds(k * 16, 16)]
        sv = seg_v[pl.ds(k * 16, 16)]
        return tuple(
            jnp.maximum(acc[s], jnp.where(sv == s, dv, _NEG_INF))
            for s in range(NSEG)
        )

    acc = lax.fori_loop(0, NV, max_step, tuple(ninf for _ in range(NSEG)), unroll=4)
    m_vec = ninf
    for s in range(NSEG):
        m_vec = jnp.where(iota == s, _lane_reduce(acc[s], tbuf_v, jnp.maximum), m_vec)
    mbuf_v[...] = m_vec

    zero = jnp.zeros((16,), jnp.float32)

    def sum_step(k, acc):
        dv = d_v[pl.ds(k * 16, 16)]
        sv = seg_v[pl.ds(k * 16, 16)]
        cm = plsc.load_gather(mbuf_v, [sv])
        ev = jnp.exp(dv - cm)
        return tuple(
            acc[s] + jnp.where(sv == s, ev, 0.0) for s in range(NSEG)
        )

    sacc = lax.fori_loop(0, NV, sum_step, tuple(zero for _ in range(NSEG)), unroll=4)
    s_vec = zero
    for s in range(NSEG):
        s_vec = jnp.where(iota == s, _lane_reduce(sacc[s], tbuf_v, jnp.add), s_vec)

    obuf_v[...] = s_vec
    pltpu.sync_copy(mbuf_v, mout_hbm.at[wid])
    pltpu.sync_copy(obuf_v, sout_hbm.at[wid])


def _apply_body(la_ref, d_ref, seg_ref, mp_ref, sp_ref, out_ref):
    mp = mp_ref[...]
    sp = sp_ref[...]
    m_g = jnp.max(mp, axis=0, keepdims=True)
    scale = jnp.where(mp == m_g, 1.0, jnp.exp(mp - m_g))
    s_g = jnp.sum(sp * scale, axis=0, keepdims=True)
    m_cl = jnp.where(m_g == _NEG_INF, 0.0, m_g)
    c = m_cl + jnp.log(s_g + 1e-12)

    segr = seg_ref[0]
    onehot = lax.broadcasted_iota(jnp.int32, (NSEG, BLKA), 0) == segr
    c_b = jnp.broadcast_to(c.reshape(NSEG, 1), (NSEG, BLKA))
    cg = jnp.sum(jnp.where(onehot, c_b, 0.0), axis=0, keepdims=True)
    ld = d_ref[...].reshape(1, BLKA) - cg
    o_t = la_ref[...] + ld
    out_ref[...] = o_t.T


def _sc_mesh():
    return plsc.VectorSubcoreMesh(
        core_axis_name="c", subcore_axis_name="s",
        num_cores=NC, num_subcores=NS,
    )


_sc_stats = functools.partial(
    pl.kernel,
    out_type=[
        jax.ShapeDtypeStruct((NW, NSEG), jnp.float32),
        jax.ShapeDtypeStruct((NW, NSEG), jnp.float32),
    ],
    mesh=_sc_mesh(),
    scratch_types=[
        pltpu.VMEM((CHUNK,), jnp.float32),
        pltpu.VMEM((CHUNK,), jnp.int32),
        pltpu.VMEM((NSEG,), jnp.float32),
        pltpu.VMEM((NSEG,), jnp.float32),
        pltpu.VMEM((NSEG,), jnp.float32),
    ],
    compiler_params=pltpu.CompilerParams(needs_layout_passes=False),
)(_sc_stats_body)


@jax.jit
def kernel(embedded_state, batch_index, state_index, Wa, Wd):
    del state_index
    x = embedded_state
    seg = batch_index.astype(jnp.int32)
    seg3 = seg.reshape(NBA, 1, BLKA)
    w = jnp.zeros((NSEG, DIM), jnp.float32)
    w = w.at[:NACT].set(Wa).at[NACT].set(Wd[0])

    la_t, d_t = pl.pallas_call(
        _proj_body,
        grid=(NB,),
        in_specs=[
            pl.BlockSpec((BLK, DIM), lambda i: (i, 0)),
            pl.BlockSpec((NSEG, DIM), lambda i: (0, 0)),
        ],
        out_specs=[
            pl.BlockSpec((NACT, BLK), lambda i: (0, i)),
            pl.BlockSpec((BLK,), lambda i: (i,)),
        ],
        out_shape=[
            jax.ShapeDtypeStruct((NACT, TOTAL), jnp.float32),
            jax.ShapeDtypeStruct((TOTAL,), jnp.float32),
        ],
    )(x, w)

    mpart, spart = _sc_stats(d_t, seg)

    out = pl.pallas_call(
        _apply_body,
        grid=(NBA,),
        in_specs=[
            pl.BlockSpec((NACT, BLKA), lambda i: (0, i)),
            pl.BlockSpec((BLKA,), lambda i: (i,)),
            pl.BlockSpec((1, 1, BLKA), lambda i: (i, 0, 0)),
            pl.BlockSpec((NW, NSEG), lambda i: (0, 0)),
            pl.BlockSpec((NW, NSEG), lambda i: (0, 0)),
        ],
        out_specs=pl.BlockSpec((BLKA, NACT), lambda i: (i, 0)),
        out_shape=jax.ShapeDtypeStruct((TOTAL, NACT), jnp.float32),
    )(la_t, d_t, seg3, mpart, spart)
    return out

# --- scband reference (transcript-rebuilt; emitter-appended) ---
"""Pipeline reference for scband-actor-1580547975181 (READ-ONLY COPY).

The authoritative reference and input builder live on the scoring server;
editing this copy changes nothing except your own understanding.
"""

import jax, jax.numpy as jnp
import numpy as np

DIM = 128
ACTION_DIM = 8
TOTAL = 32768
B = 16


def setup_inputs(seed: int = 0) -> dict:
    key = jax.random.key(seed)
    k1, k2, k3, k4, k5 = jax.random.split(key, 5)
    embedded_state = jax.random.normal(k1, (TOTAL, DIM), dtype=jnp.float32)
    batch_index = jnp.sort(jax.random.randint(k2, (TOTAL,), 0, B, dtype=jnp.int64))
    state_index = jnp.sort(jax.random.randint(k3, (B + 1,), 0, TOTAL, dtype=jnp.int32))
    # learned parameters: original stores complex weights; input here is real-valued,
    # so real(conj(x) @ W^T) reduces to x @ Re(W)^T. Materialize the real parts.
    Wa = jax.random.normal(k4, (ACTION_DIM, DIM), dtype=jnp.float32) * 0.02
    Wd = jax.random.normal(k5, (1, DIM), dtype=jnp.float32) * 0.02
    return {"embedded_state": embedded_state, "batch_index": batch_index,
            "state_index": state_index, "Wa": Wa, "Wd": Wd}


def _scatter_log_softmax(vals, seg, num_segments):
    seg_max = jax.ops.segment_max(vals, seg, num_segments=num_segments)
    seg_max = jnp.where(jnp.isfinite(seg_max), seg_max, 0.0)
    shifted = vals - seg_max[seg]
    seg_sum = jax.ops.segment_sum(jnp.exp(shifted), seg, num_segments=num_segments)
    log_norm = jnp.log(seg_sum + 1e-12)
    return shifted - log_norm[seg]


def reference(embedded_state, batch_index, state_index, Wa, Wd):
    # action_select = real(self._action(conj(x))) / dim  -> x @ Wa^T / dim for real x
    action_select = (embedded_state @ Wa.T) / DIM
    device_select = (embedded_state @ Wd.T) / DIM
    # b = batch_index.unique().numel() > 1 -> per-segment (per-batch-group) log-softmax
    log_prob_dev = _scatter_log_softmax(device_select[:, 0], batch_index, B).reshape(-1, 1)
    log_prob_act = jax.nn.log_softmax(action_select, axis=-1)
    return log_prob_act + log_prob_dev

if __name__ == "__main__":
    import jax
    _d = setup_inputs()
    print(jax.jit(kernel)(*tuple(_d.values())))

</pallas_src>

<mosaic_0001>
#map = affine_map<(d0, d1) -> (0)>
#map1 = affine_map<(d0, d1) -> (0, 0)>
module attributes {stable_mosaic.version = 14 : i64} {
  func.func @_sc_stats_body(%arg0: i32, %arg1: i32, %arg2: memref<32768xf32, #tpu.memory_space<hbm>>, %arg3: memref<32768xi32, #tpu.memory_space<hbm>>, %arg4: memref<32x16xf32, #tpu.memory_space<hbm>>, %arg5: memref<32x16xf32, #tpu.memory_space<hbm>>, %arg6: memref<1024xf32, #tpu.memory_space<vmem>>, %arg7: memref<1024xi32, #tpu.memory_space<vmem>>, %arg8: memref<16xf32, #tpu.memory_space<vmem>>, %arg9: memref<16xf32, #tpu.memory_space<vmem>>, %arg10: memref<16xf32, #tpu.memory_space<vmem>>) attributes {dimension_semantics = [#tpu.dimension_semantics<core_parallel>, #tpu.dimension_semantics<subcore_parallel>], iteration_bounds = array<i64: 2, 16>, scalar_prefetch = 0 : i64, scratch_operands = 5 : i64, tpu.core_type = #tpu.core_type<sc_vector_subcore>, window_params = [{transform_indices = #map}, {transform_indices = #map}, {transform_indices = #map1}, {transform_indices = #map1}]} {
    %mul3A = arith.constant 2 : i32
    %mul3A_0 = arith.muli %arg1, %mul3A : i32
    %add3A = arith.addi %mul3A_0, %arg0 : i32
    %mul3A_1 = arith.constant 1024 : i32
    %mul3A_2 = arith.muli %add3A, %mul3A_1 : i32
    "tpu.region"() ({
      %run_scoped3A = tpu.sem_alloc : memref<!tpu.dma_semaphore, #tpu.memory_space<semaphore_mem>>
      %dma_start3A = tpu.memref_slice %arg2[%mul3A_2] : memref<32768xf32, #tpu.memory_space<hbm>> -> memref<1024xf32, #tpu.memory_space<hbm>>
      %dma_start3A_1071 = tpu.memref_slice %arg2[%mul3A_2] : memref<32768xf32, #tpu.memory_space<hbm>> -> memref<1024xf32, #tpu.memory_space<hbm>>
      tpu.enqueue_dma source(%dma_start3A_1071 : memref<1024xf32, #tpu.memory_space<hbm>>) target(%arg6 : memref<1024xf32, #tpu.memory_space<vmem>>) target_semaphore(%run_scoped3A : memref<!tpu.dma_semaphore, #tpu.memory_space<semaphore_mem>>)
      %dma_wait3A = tpu.memref_slice %arg2[%mul3A_2] : memref<32768xf32, #tpu.memory_space<hbm>> -> memref<1024xf32, #tpu.memory_space<hbm>>
      %dma_wait3A_1072 = tpu.memref_slice %arg2[%mul3A_2] : memref<32768xf32, #tpu.memory_space<hbm>> -> memref<1024xf32, #tpu.memory_space<hbm>>
      tpu.wait_dma2 semaphore(%run_scoped3A : memref<!tpu.dma_semaphore, #tpu.memory_space<semaphore_mem>>) src(%dma_wait3A_1072 : memref<1024xf32, #tpu.memory_space<hbm>>) dst(%arg6 : memref<1024xf32, #tpu.memory_space<vmem>>)
      tpu.yield
    }) : () -> ()
    "tpu.region"() ({
      %run_scoped3A = tpu.sem_alloc : memref<!tpu.dma_semaphore, #tpu.memory_space<semaphore_mem>>
      %dma_start3A = tpu.memref_slice %arg3[%mul3A_2] : memref<32768xi32, #tpu.memory_space<hbm>> -> memref<1024xi32, #tpu.memory_space<hbm>>
      %dma_start3A_1071 = tpu.memref_slice %arg3[%mul3A_2] : memref<32768xi32, #tpu.memory_space<hbm>> -> memref<1024xi32, #tpu.memory_space<hbm>>
      tpu.enqueue_dma source(%dma_start3A_1071 : memref<1024xi32, #tpu.memory_space<hbm>>) target(%arg7 : memref<1024xi32, #tpu.memory_space<vmem>>) target_semaphore(%run_scoped3A : memref<!tpu.dma_semaphore, #tpu.memory_space<semaphore_mem>>)
      %dma_wait3A = tpu.memref_slice %arg3[%mul3A_2] : memref<32768xi32, #tpu.memory_space<hbm>> -> memref<1024xi32, #tpu.memory_space<hbm>>
      %dma_wait3A_1072 = tpu.memref_slice %arg3[%mul3A_2] : memref<32768xi32, #tpu.memory_space<hbm>> -> memref<1024xi32, #tpu.memory_space<hbm>>
      tpu.wait_dma2 semaphore(%run_scoped3A : memref<!tpu.dma_semaphore, #tpu.memory_space<semaphore_mem>>) src(%dma_wait3A_1072 : memref<1024xi32, #tpu.memory_space<hbm>>) dst(%arg7 : memref<1024xi32, #tpu.memory_space<vmem>>)
      tpu.yield
    }) : () -> ()
    %iota3A = tpu.iota {dimensions = array<i32: 0>} : vector<16xi32>
    %broadcast_in_dim3A = arith.constant 0xFF800000 : f32
    %broadcast_in_dim3A_3 = vector.broadcast %broadcast_in_dim3A : f32 to vector<16xf32>
    %scan3A = arith.constant 0 : i32
    %scan3A_4 = arith.constant 64 : i32
    %scan3A_5 = arith.addi %scan3A, %scan3A_4 : i32
    %scan3A_6 = arith.constant 4 : i32
    %scan3A_7:16 = scf.for %scan3A_1071 = %scan3A to %scan3A_5 step %scan3A_6 iter_args(%scan3A_1072 = %broadcast_in_dim3A_3, %scan3A_1073 = %broadcast_in_dim3A_3, %scan3A_1074 = %broadcast_in_dim3A_3, %scan3A_1075 = %broadcast_in_dim3A_3, %scan3A_1076 = %broadcast_in_dim3A_3, %scan3A_1077 = %broadcast_in_dim3A_3, %scan3A_1078 = %broadcast_in_dim3A_3, %scan3A_1079 = %broadcast_in_dim3A_3, %scan3A_1080 = %broadcast_in_dim3A_3, %scan3A_1081 = %broadcast_in_dim3A_3, %scan3A_1082 = %broadcast_in_dim3A_3, %scan3A_1083 = %broadcast_in_dim3A_3, %scan3A_1084 = %broadcast_in_dim3A_3, %scan3A_1085 = %broadcast_in_dim3A_3, %scan3A_1086 = %broadcast_in_dim3A_3, %scan3A_1087 = %broadcast_in_dim3A_3) -> (vector<16xf32>, vector<16xf32>, vector<16xf32>, vector<16xf32>, vector<16xf32>, vector<16xf32>, vector<16xf32>, vector<16xf32>, vector<16xf32>, vector<16xf32>, vector<16xf32>, vector<16xf32>, vector<16xf32>, vector<16xf32>, vector<16xf32>, vector<16xf32>)  : i32 {
      %mul3A_1088 = arith.constant 16 : i32
      %mul3A_1089 = arith.muli %scan3A_1071, %mul3A_1088 : i32
      %get3A = arith.index_cast %mul3A_1089 : i32 to index
      %get3A_1090 = tpu.vector_load %arg6[%get3A] {strides = array<i32>} : memref<1024xf32, #tpu.memory_space<vmem>>, vector<16xf32>,
      %mul3A_1091 = arith.constant 16 : i32
      %mul3A_1092 = arith.muli %scan3A_1071, %mul3A_1091 : i32
      %get3A_1093 = arith.index_cast %mul3A_1092 : i32 to index
      %get3A_1094 = tpu.vector_load %arg7[%get3A_1093] {strides = array<i32>} : memref<1024xi32, #tpu.memory_space<vmem>>, vector<16xi32>,
      %eq3A_1095 = arith.constant 0 : i32
      %eq3A_1096 = vector.broadcast %eq3A_1095 : i32 to vector<16xi32>
      %eq3A_1097 = arith.cmpi eq, %get3A_1094, %eq3A_1096 : vector<16xi32>
      %jit3A = arith.constant 0xFF800000 : f32
      %broadcast_in_dim3A_1098 = vector.broadcast %jit3A : f32 to vector<16xf32>
      %select_n3A_1099 = arith.select %eq3A_1097, %get3A_1090, %broadcast_in_dim3A_1098 : vector<16xi1>, vector<16xf32>
      %max3A_1100 = arith.maximumf %scan3A_1072, %select_n3A_1099 : vector<16xf32>
      %eq3A_1101 = arith.constant 1 : i32
      %eq3A_1102 = vector.broadcast %eq3A_1101 : i32 to vector<16xi32>
      %eq3A_1103 = arith.cmpi eq, %get3A_1094, %eq3A_1102 : vector<16xi32>
      %jit3A_1104 = arith.constant 0xFF800000 : f32
      %broadcast_in_dim3A_1105 = vector.broadcast %jit3A_1104 : f32 to vector<16xf32>
      %select_n3A_1106 = arith.select %eq3A_1103, %get3A_1090, %broadcast_in_dim3A_1105 : vector<16xi1>, vector<16xf32>
      %max3A_1107 = arith.maximumf %scan3A_1073, %select_n3A_1106 : vector<16xf32>
      %eq3A_1108 = arith.constant 2 : i32
      %eq3A_1109 = vector.broadcast %eq3A_1108 : i32 to vector<16xi32>
      %eq3A_1110 = arith.cmpi eq, %get3A_1094, %eq3A_1109 : vector<16xi32>
      %jit3A_1111 = arith.constant 0xFF800000 : f32
      %broadcast_in_dim3A_1112 = vector.broadcast %jit3A_1111 : f32 to vector<16xf32>
      %select_n3A_1113 = arith.select %eq3A_1110, %get3A_1090, %broadcast_in_dim3A_1112 : vector<16xi1>, vector<16xf32>
      %max3A_1114 = arith.maximumf %scan3A_1074, %select_n3A_1113 : vector<16xf32>
      %eq3A_1115 = arith.constant 3 : i32
      %eq3A_1116 = vector.broadcast %eq3A_1115 : i32 to vector<16xi32>
      %eq3A_1117 = arith.cmpi eq, %get3A_1094, %eq3A_1116 : vector<16xi32>
      %jit3A_1118 = arith.constant 0xFF800000 : f32
      %broadcast_in_dim3A_1119 = vector.broadcast %jit3A_1118 : f32 to vector<16xf32>
      %select_n3A_1120 = arith.select %eq3A_1117, %get3A_1090, %broadcast_in_dim3A_1119 : vector<16xi1>, vector<16xf32>
      %max3A_1121 = arith.maximumf %scan3A_1075, %select_n3A_1120 : vector<16xf32>
      %eq3A_1122 = arith.constant 4 : i32
      %eq3A_1123 = vector.broadcast %eq3A_1122 : i32 to vector<16xi32>
      %eq3A_1124 = arith.cmpi eq, %get3A_1094, %eq3A_1123 : vector<16xi32>
      %jit3A_1125 = arith.constant 0xFF800000 : f32
      %broadcast_in_dim3A_1126 = vector.broadcast %jit3A_1125 : f32 to vector<16xf32>
      %select_n3A_1127 = arith.select %eq3A_1124, %get3A_1090, %broadcast_in_dim3A_1126 : vector<16xi1>, vector<16xf32>
      %max3A_1128 = arith.maximumf %scan3A_1076, %select_n3A_1127 : vector<16xf32>
      %eq3A_1129 = arith.constant 5 : i32
      %eq3A_1130 = vector.broadcast %eq3A_1129 : i32 to vector<16xi32>
      %eq3A_1131 = arith.cmpi eq, %get3A_1094, %eq3A_1130 : vector<16xi32>
      %jit3A_1132 = arith.constant 0xFF800000 : f32
      %broadcast_in_dim3A_1133 = vector.broadcast %jit3A_1132 : f32 to vector<16xf32>
      %select_n3A_1134 = arith.select %eq3A_1131, %get3A_1090, %broadcast_in_dim3A_1133 : vector<16xi1>, vector<16xf32>
      %max3A_1135 = arith.maximumf %scan3A_1077, %select_n3A_1134 : vector<16xf32>
      %eq3A_1136 = arith.constant 6 : i32
      %eq3A_1137 = vector.broadcast %eq3A_1136 : i32 to vector<16xi32>
      %eq3A_1138 = arith.cmpi eq, %get3A_1094, %eq3A_1137 : vector<16xi32>
      %jit3A_1139 = arith.constant 0xFF800000 : f32
      %broadcast_in_dim3A_1140 = vector.broadcast %jit3A_1139 : f32 to vector<16xf32>
      %select_n3A_1141 = arith.select %eq3A_1138, %get3A_1090, %broadcast_in_dim3A_1140 : vector<16xi1>, vector<16xf32>
      %max3A_1142 = arith.maximumf %scan3A_1078, %select_n3A_1141 : vector<16xf32>
      %eq3A_1143 = arith.constant 7 : i32
      %eq3A_1144 = vector.broadcast %eq3A_1143 : i32 to vector<16xi32>
      %eq3A_1145 = arith.cmpi eq, %get3A_1094, %eq3A_1144 : vector<16xi32>
      %jit3A_1146 = arith.constant 0xFF800000 : f32
      %broadcast_in_dim3A_1147 = vector.broadcast %jit3A_1146 : f32 to vector<16xf32>
      %select_n3A_1148 = arith.select %eq3A_1145, %get3A_1090, %broadcast_in_dim3A_1147 : vector<16xi1>, vector<16xf32>
      %max3A_1149 = arith.maximumf %scan3A_1079, %select_n3A_1148 : vector<16xf32>
      %eq3A_1150 = arith.constant 8 : i32
      %eq3A_1151 = vector.broadcast %eq3A_1150 : i32 to vector<16xi32>
      %eq3A_1152 = arith.cmpi eq, %get3A_1094, %eq3A_1151 : vector<16xi32>
      %jit3A_1153 = arith.constant 0xFF800000 : f32
      %broadcast_in_dim3A_1154 = vector.broadcast %jit3A_1153 : f32 to vector<16xf32>
      %select_n3A_1155 = arith.select %eq3A_1152, %get3A_1090, %broadcast_in_dim3A_1154 : vector<16xi1>, vector<16xf32>
      %max3A_1156 = arith.maximumf %scan3A_1080, %select_n3A_1155 : vector<16xf32>
      %eq3A_1157 = arith.constant 9 : i32
      %eq3A_1158 = vector.broadcast %eq3A_1157 : i32 to vector<16xi32>
      %eq3A_1159 = arith.cmpi eq, %get3A_1094, %eq3A_1158 : vector<16xi32>
      %jit3A_1160 = arith.constant 0xFF800000 : f32
      %broadcast_in_dim3A_1161 = vector.broadcast %jit3A_1160 : f32 to vector<16xf32>
      %select_n3A_1162 = arith.select %eq3A_1159, %get3A_1090, %broadcast_in_dim3A_1161 : vector<16xi1>, vector<16xf32>
      %max3A_1163 = arith.maximumf %scan3A_1081, %select_n3A_1162 : vector<16xf32>
      %eq3A_1164 = arith.constant 10 : i32
      %eq3A_1165 = vector.broadcast %eq3A_1164 : i32 to vector<16xi32>
      %eq3A_1166 = arith.cmpi eq, %get3A_1094, %eq3A_1165 : vector<16xi32>
      %jit3A_1167 = arith.constant 0xFF800000 : f32
      %broadcast_in_dim3A_1168 = vector.broadcast %jit3A_1167 : f32 to vector<16xf32>
      %select_n3A_1169 = arith.select %eq3A_1166, %get3A_1090, %broadcast_in_dim3A_1168 : vector<16xi1>, vector<16xf32>
      %max3A_1170 = arith.maximumf %scan3A_1082, %select_n3A_1169 : vector<16xf32>
      %eq3A_1171 = arith.constant 11 : i32
      %eq3A_1172 = vector.broadcast %eq3A_1171 : i32 to vector<16xi32>
      %eq3A_1173 = arith.cmpi eq, %get3A_1094, %eq3A_1172 : vector<16xi32>
      %jit3A_1174 = arith.constant 0xFF800000 : f32
      %broadcast_in_dim3A_1175 = vector.broadcast %jit3A_1174 : f32 to vector<16xf32>
      %select_n3A_1176 = arith.select %eq3A_1173, %get3A_1090, %broadcast_in_dim3A_1175 : vector<16xi1>, vector<16xf32>
      %max3A_1177 = arith.maximumf %scan3A_1083, %select_n3A_1176 : vector<16xf32>
      %eq3A_1178 = arith.constant 12 : i32
      %eq3A_1179 = vector.broadcast %eq3A_1178 : i32 to vector<16xi32>
      %eq3A_1180 = arith.cmpi eq, %get3A_1094, %eq3A_1179 : vector<16xi32>
      %jit3A_1181 = arith.constant 0xFF800000 : f32
      %broadcast_in_dim3A_1182 = vector.broadcast %jit3A_1181 : f32 to vector<16xf32>
      %select_n3A_1183 = arith.select %eq3A_1180, %get3A_1090, %broadcast_in_dim3A_1182 : vector<16xi1>, vector<16xf32>
      %max3A_1184 = arith.maximumf %scan3A_1084, %select_n3A_1183 : vector<16xf32>
      %eq3A_1185 = arith.constant 13 : i32
      %eq3A_1186 = vector.broadcast %eq3A_1185 : i32 to vector<16xi32>
      %eq3A_1187 = arith.cmpi eq, %get3A_1094, %eq3A_1186 : vector<16xi32>
      %jit3A_1188 = arith.constant 0xFF800000 : f32
      %broadcast_in_dim3A_1189 = vector.broadcast %jit3A_1188 : f32 to vector<16xf32>
      %select_n3A_1190 = arith.select %eq3A_1187, %get3A_1090, %broadcast_in_dim3A_1189 : vector<16xi1>, vector<16xf32>
      %max3A_1191 = arith.maximumf %scan3A_1085, %select_n3A_1190 : vector<16xf32>
      %eq3A_1192 = arith.constant 14 : i32
      %eq3A_1193 = vector.broadcast %eq3A_1192 : i32 to vector<16xi32>
      %eq3A_1194 = arith.cmpi eq, %get3A_1094, %eq3A_1193 : vector<16xi32>
      %jit3A_1195 = arith.constant 0xFF800000 : f32
      %broadcast_in_dim3A_1196 = vector.broadcast %jit3A_1195 : f32 to vector<16xf32>
      %select_n3A_1197 = arith.select %eq3A_1194, %get3A_1090, %broadcast_in_dim3A_1196 : vector<16xi1>, vector<16xf32>
      %max3A_1198 = arith.maximumf %scan3A_1086, %select_n3A_1197 : vector<16xf32>
      %eq3A_1199 = arith.constant 15 : i32
      %eq3A_1200 = vector.broadcast %eq3A_1199 : i32 to vector<16xi32>
      %eq3A_1201 = arith.cmpi eq, %get3A_1094, %eq3A_1200 : vector<16xi32>
      %jit3A_1202 = arith.constant 0xFF800000 : f32
      %broadcast_in_dim3A_1203 = vector.broadcast %jit3A_1202 : f32 to vector<16xf32>
      %select_n3A_1204 = arith.select %eq3A_1201, %get3A_1090, %broadcast_in_dim3A_1203 : vector<16xi1>, vector<16xf32>
      %max3A_1205 = arith.maximumf %scan3A_1087, %select_n3A_1204 : vector<16xf32>
      %scan3A_1206 = arith.constant 1 : i32
      %scan3A_1207 = arith.addi %scan3A_1071, %scan3A_1206 : i32
      %mul3A_1208 = arith.constant 16 : i32
      %mul3A_1209 = arith.muli %scan3A_1207, %mul3A_1208 : i32
      %get3A_1210 = arith.index_cast %mul3A_1209 : i32 to index
      %get3A_1211 = tpu.vector_load %arg6[%get3A_1210] {strides = array<i32>} : memref<1024xf32, #tpu.memory_space<vmem>>, vector<16xf32>,
      %mul3A_1212 = arith.constant 16 : i32
      %mul3A_1213 = arith.muli %scan3A_1207, %mul3A_1212 : i32
      %get3A_1214 = arith.index_cast %mul3A_1213 : i32 to index
      %get3A_1215 = tpu.vector_load %arg7[%get3A_1214] {strides = array<i32>} : memref<1024xi32, #tpu.memory_space<vmem>>, vector<16xi32>,
      %eq3A_1216 = arith.constant 0 : i32
      %eq3A_1217 = vector.broadcast %eq3A_1216 : i32 to vector<16xi32>
      %eq3A_1218 = arith.cmpi eq, %get3A_1215, %eq3A_1217 : vector<16xi32>
      %jit3A_1219 = arith.constant 0xFF800000 : f32
      %broadcast_in_dim3A_1220 = vector.broadcast %jit3A_1219 : f32 to vector<16xf32>
      %select_n3A_1221 = arith.select %eq3A_1218, %get3A_1211, %broadcast_in_dim3A_1220 : vector<16xi1>, vector<16xf32>
      %max3A_1222 = arith.maximumf %max3A_1100, %select_n3A_1221 : vector<16xf32>
      %eq3A_1223 = arith.constant 1 : i32
      %eq3A_1224 = vector.broadcast %eq3A_1223 : i32 to vector<16xi32>
      %eq3A_1225 = arith.cmpi eq, %get3A_1215, %eq3A_1224 : vector<16xi32>
      %jit3A_1226 = arith.constant 0xFF800000 : f32
      %broadcast_in_dim3A_1227 = vector.broadcast %jit3A_1226 : f32 to vector<16xf32>
      %select_n3A_1228 = arith.select %eq3A_1225, %get3A_1211, %broadcast_in_dim3A_1227 : vector<16xi1>, vector<16xf32>
      %max3A_1229 = arith.maximumf %max3A_1107, %select_n3A_1228 : vector<16xf32>
      %eq3A_1230 = arith.constant 2 : i32
      %eq3A_1231 = vector.broadcast %eq3A_1230 : i32 to vector<16xi32>
      %eq3A_1232 = arith.cmpi eq, %get3A_1215, %eq3A_1231 : vector<16xi32>
      %jit3A_1233 = arith.constant 0xFF800000 : f32
      %broadcast_in_dim3A_1234 = vector.broadcast %jit3A_1233 : f32 to vector<16xf32>
      %select_n3A_1235 = arith.select %eq3A_1232, %get3A_1211, %broadcast_in_dim3A_1234 : vector<16xi1>, vector<16xf32>
      %max3A_1236 = arith.maximumf %max3A_1114, %select_n3A_1235 : vector<16xf32>
      %eq3A_1237 = arith.constant 3 : i32
      %eq3A_1238 = vector.broadcast %eq3A_1237 : i32 to vector<16xi32>
      %eq3A_1239 = arith.cmpi eq, %get3A_1215, %eq3A_1238 : vector<16xi32>
      %jit3A_1240 = arith.constant 0xFF800000 : f32
      %broadcast_in_dim3A_1241 = vector.broadcast %jit3A_1240 : f32 to vector<16xf32>
      %select_n3A_1242 = arith.select %eq3A_1239, %get3A_1211, %broadcast_in_dim3A_1241 : vector<16xi1>, vector<16xf32>
      %max3A_1243 = arith.maximumf %max3A_1121, %select_n3A_1242 : vector<16xf32>
      %eq3A_1244 = arith.constant 4 : i32
      %eq3A_1245 = vector.broadcast %eq3A_1244 : i32 to vector<16xi32>
      %eq3A_1246 = arith.cmpi eq, %get3A_1215, %eq3A_1245 : vector<16xi32>
      %jit3A_1247 = arith.constant 0xFF800000 : f32
      %broadcast_in_dim3A_1248 = vector.broadcast %jit3A_1247 : f32 to vector<16xf32>
      %select_n3A_1249 = arith.select %eq3A_1246, %get3A_1211, %broadcast_in_dim3A_1248 : vector<16xi1>, vector<16xf32>
      %max3A_1250 = arith.maximumf %max3A_1128, %select_n3A_1249 : vector<16xf32>
      %eq3A_1251 = arith.constant 5 : i32
      %eq3A_1252 = vector.broadcast %eq3A_1251 : i32 to vector<16xi32>
      %eq3A_1253 = arith.cmpi eq, %get3A_1215, %eq3A_1252 : vector<16xi32>
      %jit3A_1254 = arith.constant 0xFF800000 : f32
      %broadcast_in_dim3A_1255 = vector.broadcast %jit3A_1254 : f32 to vector<16xf32>
      %select_n3A_1256 = arith.select %eq3A_1253, %get3A_1211, %broadcast_in_dim3A_1255 : vector<16xi1>, vector<16xf32>
      %max3A_1257 = arith.maximumf %max3A_1135, %select_n3A_1256 : vector<16xf32>
      %eq3A_1258 = arith.constant 6 : i32
      %eq3A_1259 = vector.broadcast %eq3A_1258 : i32 to vector<16xi32>
      %eq3A_1260 = arith.cmpi eq, %get3A_1215, %eq3A_1259 : vector<16xi32>
      %jit3A_1261 = arith.constant 0xFF800000 : f32
      %broadcast_in_dim3A_1262 = vector.broadcast %jit3A_1261 : f32 to vector<16xf32>
      %select_n3A_1263 = arith.select %eq3A_1260, %get3A_1211, %broadcast_in_dim3A_1262 : vector<16xi1>, vector<16xf32>
      %max3A_1264 = arith.maximumf %max3A_1142, %select_n3A_1263 : vector<16xf32>
      %eq3A_1265 = arith.constant 7 : i32
      %eq3A_1266 = vector.broadcast %eq3A_1265 : i32 to vector<16xi32>
      %eq3A_1267 = arith.cmpi eq, %get3A_1215, %eq3A_1266 : vector<16xi32>
      %jit3A_1268 = arith.constant 0xFF800000 : f32
      %broadcast_in_dim3A_1269 = vector.broadcast %jit3A_1268 : f32 to vector<16xf32>
      %select_n3A_1270 = arith.select %eq3A_1267, %get3A_1211, %broadcast_in_dim3A_1269 : vector<16xi1>, vector<16xf32>
      %max3A_1271 = arith.maximumf %max3A_1149, %select_n3A_1270 : vector<16xf32>
      %eq3A_1272 = arith.constant 8 : i32
      %eq3A_1273 = vector.broadcast %eq3A_1272 : i32 to vector<16xi32>
      %eq3A_1274 = arith.cmpi eq, %get3A_1215, %eq3A_1273 : vector<16xi32>
      %jit3A_1275 = arith.constant 0xFF800000 : f32
      %broadcast_in_dim3A_1276 = vector.broadcast %jit3A_1275 : f32 to vector<16xf32>
      %select_n3A_1277 = arith.select %eq3A_1274, %get3A_1211, %broadcast_in_dim3A_1276 : vector<16xi1>, vector<16xf32>
      %max3A_1278 = arith.maximumf %max3A_1156, %select_n3A_1277 : vector<16xf32>
      %eq3A_1279 = arith.constant 9 : i32
      %eq3A_1280 = vector.broadcast %eq3A_1279 : i32 to vector<16xi32>
      %eq3A_1281 = arith.cmpi eq, %get3A_1215, %eq3A_1280 : vector<16xi32>
      %jit3A_1282 = arith.constant 0xFF800000 : f32
      %broadcast_in_dim3A_1283 = vector.broadcast %jit3A_1282 : f32 to vector<16xf32>
      %select_n3A_1284 = arith.select %eq3A_1281, %get3A_1211, %broadcast_in_dim3A_1283 : vector<16xi1>, vector<16xf32>
      %max3A_1285 = arith.maximumf %max3A_1163, %select_n3A_1284 : vector<16xf32>
      %eq3A_1286 = arith.constant 10 : i32
      %eq3A_1287 = vector.broadcast %eq3A_1286 : i32 to vector<16xi32>
      %eq3A_1288 = arith.cmpi eq, %get3A_1215, %eq3A_1287 : vector<16xi32>
      %jit3A_1289 = arith.constant 0xFF800000 : f32
      %broadcast_in_dim3A_1290 = vector.broadcast %jit3A_1289 : f32 to vector<16xf32>
      %select_n3A_1291 = arith.select %eq3A_1288, %get3A_1211, %broadcast_in_dim3A_1290 : vector<16xi1>, vector<16xf32>
      %max3A_1292 = arith.maximumf %max3A_1170, %select_n3A_1291 : vector<16xf32>
      %eq3A_1293 = arith.constant 11 : i32
      %eq3A_1294 = vector.broadcast %eq3A_1293 : i32 to vector<16xi32>
      %eq3A_1295 = arith.cmpi eq, %get3A_1215, %eq3A_1294 : vector<16xi32>
      %jit3A_1296 = arith.constant 0xFF800000 : f32
      %broadcast_in_dim3A_1297 = vector.broadcast %jit3A_1296 : f32 to vector<16xf32>
      %select_n3A_1298 = arith.select %eq3A_1295, %get3A_1211, %broadcast_in_dim3A_1297 : vector<16xi1>, vector<16xf32>
      %max3A_1299 = arith.maximumf %max3A_1177, %select_n3A_1298 : vector<16xf32>
      %eq3A_1300 = arith.constant 12 : i32
      %eq3A_1301 = vector.broadcast %eq3A_1300 : i32 to vector<16xi32>
      %eq3A_1302 = arith.cmpi eq, %get3A_1215, %eq3A_1301 : vector<16xi32>
      %jit3A_1303 = arith.constant 0xFF800000 : f32
      %broadcast_in_dim3A_1304 = vector.broadcast %jit3A_1303 : f32 to vector<16xf32>
      %select_n3A_1305 = arith.select %eq3A_1302, %get3A_1211, %broadcast_in_dim3A_1304 : vector<16xi1>, vector<16xf32>
      %max3A_1306 = arith.maximumf %max3A_1184, %select_n3A_1305 : vector<16xf32>
      %eq3A_1307 = arith.constant 13 : i32
      %eq3A_1308 = vector.broadcast %eq3A_1307 : i32 to vector<16xi32>
      %eq3A_1309 = arith.cmpi eq, %get3A_1215, %eq3A_1308 : vector<16xi32>
      %jit3A_1310 = arith.constant 0xFF800000 : f32
      %broadcast_in_dim3A_1311 = vector.broadcast %jit3A_1310 : f32 to vector<16xf32>
      %select_n3A_1312 = arith.select %eq3A_1309, %get3A_1211, %broadcast_in_dim3A_1311 : vector<16xi1>, vector<16xf32>
      %max3A_1313 = arith.maximumf %max3A_1191, %select_n3A_1312 : vector<16xf32>
      %eq3A_1314 = arith.constant 14 : i32
      %eq3A_1315 = vector.broadcast %eq3A_1314 : i32 to vector<16xi32>
      %eq3A_1316 = arith.cmpi eq, %get3A_1215, %eq3A_1315 : vector<16xi32>
      %jit3A_1317 = arith.constant 0xFF800000 : f32
      %broadcast_in_dim3A_1318 = vector.broadcast %jit3A_1317 : f32 to vector<16xf32>
      %select_n3A_1319 = arith.select %eq3A_1316, %get3A_1211, %broadcast_in_dim3A_1318 : vector<16xi1>, vector<16xf32>
      %max3A_1320 = arith.maximumf %max3A_1198, %select_n3A_1319 : vector<16xf32>
      %eq3A_1321 = arith.constant 15 : i32
      %eq3A_1322 = vector.broadcast %eq3A_1321 : i32 to vector<16xi32>
      %eq3A_1323 = arith.cmpi eq, %get3A_1215, %eq3A_1322 : vector<16xi32>
      %jit3A_1324 = arith.constant 0xFF800000 : f32
      %broadcast_in_dim3A_1325 = vector.broadcast %jit3A_1324 : f32 to vector<16xf32>
      %select_n3A_1326 = arith.select %eq3A_1323, %get3A_1211, %broadcast_in_dim3A_1325 : vector<16xi1>, vector<16xf32>
      %max3A_1327 = arith.maximumf %max3A_1205, %select_n3A_1326 : vector<16xf32>
      %scan3A_1328 = arith.constant 2 : i32
      %scan3A_1329 = arith.addi %scan3A_1071, %scan3A_1328 : i32
      %mul3A_1330 = arith.constant 16 : i32
      %mul3A_1331 = arith.muli %scan3A_1329, %mul3A_1330 : i32
      %get3A_1332 = arith.index_cast %mul3A_1331 : i32 to index
      %get3A_1333 = tpu.vector_load %arg6[%get3A_1332] {strides = array<i32>} : memref<1024xf32, #tpu.memory_space<vmem>>, vector<16xf32>,
      %mul3A_1334 = arith.constant 16 : i32
      %mul3A_1335 = arith.muli %scan3A_1329, %mul3A_1334 : i32
      %get3A_1336 = arith.index_cast %mul3A_1335 : i32 to index
      %get3A_1337 = tpu.vector_load %arg7[%get3A_1336] {strides = array<i32>} : memref<1024xi32, #tpu.memory_space<vmem>>, vector<16xi32>,
      %eq3A_1338 = arith.constant 0 : i32
      %eq3A_1339 = vector.broadcast %eq3A_1338 : i32 to vector<16xi32>
      %eq3A_1340 = arith.cmpi eq, %get3A_1337, %eq3A_1339 : vector<16xi32>
      %jit3A_1341 = arith.constant 0xFF800000 : f32
      %broadcast_in_dim3A_1342 = vector.broadcast %jit3A_1341 : f32 to vector<16xf32>
      %select_n3A_1343 = arith.select %eq3A_1340, %get3A_1333, %broadcast_in_dim3A_1342 : vector<16xi1>, vector<16xf32>
      %max3A_1344 = arith.maximumf %max3A_1222, %select_n3A_1343 : vector<16xf32>
      %eq3A_1345 = arith.constant 1 : i32
      %eq3A_1346 = vector.broadcast %eq3A_1345 : i32 to vector<16xi32>
      %eq3A_1347 = arith.cmpi eq, %get3A_1337, %eq3A_1346 : vector<16xi32>
      %jit3A_1348 = arith.constant 0xFF800000 : f32
      %broadcast_in_dim3A_1349 = vector.broadcast %jit3A_1348 : f32 to vector<16xf32>
      %select_n3A_1350 = arith.select %eq3A_1347, %get3A_1333, %broadcast_in_dim3A_1349 : vector<16xi1>, vector<16xf32>
      %max3A_1351 = arith.maximumf %max3A_1229, %select_n3A_1350 : vector<16xf32>
      %eq3A_1352 = arith.constant 2 : i32
      %eq3A_1353 = vector.broadcast %eq3A_1352 : i32 to vector<16xi32>
      %eq3A_1354 = arith.cmpi eq, %get3A_1337, %eq3A_1353 : vector<16xi32>
      %jit3A_1355 = arith.constant 0xFF800000 : f32
      %broadcast_in_dim3A_1356 = vector.broadcast %jit3A_1355 : f32 to vector<16xf32>
      %select_n3A_1357 = arith.select %eq3A_1354, %get3A_1333, %broadcast_in_dim3A_1356 : vector<16xi1>, vector<16xf32>
      %max3A_1358 = arith.maximumf %max3A_1236, %select_n3A_1357 : vector<16xf32>
      %eq3A_1359 = arith.constant 3 : i32
      %eq3A_1360 = vector.broadcast %eq3A_1359 : i32 to vector<16xi32>
      %eq3A_1361 = arith.cmpi eq, %get3A_1337, %eq3A_1360 : vector<16xi32>
      %jit3A_1362 = arith.constant 0xFF800000 : f32
      %broadcast_in_dim3A_1363 = vector.broadcast %jit3A_1362 : f32 to vector<16xf32>
      %select_n3A_1364 = arith.select %eq3A_1361, %get3A_1333, %broadcast_in_dim3A_1363 : vector<16xi1>, vector<16xf32>
      %max3A_1365 = arith.maximumf %max3A_1243, %select_n3A_1364 : vector<16xf32>
      %eq3A_1366 = arith.constant 4 : i32
      %eq3A_1367 = vector.broadcast %eq3A_1366 : i32 to vector<16xi32>
      %eq3A_1368 = arith.cmpi eq, %get3A_1337, %eq3A_1367 : vector<16xi32>
      %jit3A_1369 = arith.constant 0xFF800000 : f32
      %broadcast_in_dim3A_1370 = vector.broadcast %jit3A_1369 : f32 to vector<16xf32>
      %select_n3A_1371 = arith.select %eq3A_1368, %get3A_1333, %broadcast_in_dim3A_1370 : vector<16xi1>, vector<16xf32>
      %max3A_1372 = arith.maximumf %max3A_1250, %select_n3A_1371 : vector<16xf32>
      %eq3A_1373 = arith.constant 5 : i32
      %eq3A_1374 = vector.broadcast %eq3A_1373 : i32 to vector<16xi32>
      %eq3A_1375 = arith.cmpi eq, %get3A_1337, %eq3A_1374 : vector<16xi32>
      %jit3A_1376 = arith.constant 0xFF800000 : f32
      %broadcast_in_dim3A_1377 = vector.broadcast %jit3A_1376 : f32 to vector<16xf32>
      %select_n3A_1378 = arith.select %eq3A_1375, %get3A_1333, %broadcast_in_dim3A_1377 : vector<16xi1>, vector<16xf32>
      %max3A_1379 = arith.maximumf %max3A_1257, %select_n3A_1378 : vector<16xf32>
      %eq3A_1380 = arith.constant 6 : i32
      %eq3A_1381 = vector.broadcast %eq3A_1380 : i32 to vector<16xi32>
      %eq3A_1382 = arith.cmpi eq, %get3A_1337, %eq3A_1381 : vector<16xi32>
      %jit3A_1383 = arith.constant 0xFF800000 : f32
      %broadcast_in_dim3A_1384 = vector.broadcast %jit3A_1383 : f32 to vector<16xf32>
      %select_n3A_1385 = arith.select %eq3A_1382, %get3A_1333, %broadcast_in_dim3A_1384 : vector<16xi1>, vector<16xf32>
      %max3A_1386 = arith.maximumf %max3A_1264, %select_n3A_1385 : vector<16xf32>
      %eq3A_1387 = arith.constant 7 : i32
      %eq3A_1388 = vector.broadcast %eq3A_1387 : i32 to vector<16xi32>
      %eq3A_1389 = arith.cmpi eq, %get3A_1337, %eq3A_1388 : vector<16xi32>
      %jit3A_1390 = arith.constant 0xFF800000 : f32
      %broadcast_in_dim3A_1391 = vector.broadcast %jit3A_1390 : f32 to vector<16xf32>
      %select_n3A_1392 = arith.select %eq3A_1389, %get3A_1333, %broadcast_in_dim3A_1391 : vector<16xi1>, vector<16xf32>
      %max3A_1393 = arith.maximumf %max3A_1271, %select_n3A_1392 : vector<16xf32>
      %eq3A_1394 = arith.constant 8 : i32
      %eq3A_1395 = vector.broadcast %eq3A_1394 : i32 to vector<16xi32>
      %eq3A_1396 = arith.cmpi eq, %get3A_1337, %eq3A_1395 : vector<16xi32>
      %jit3A_1397 = arith.constant 0xFF800000 : f32
      %broadcast_in_dim3A_1398 = vector.broadcast %jit3A_1397 : f32 to vector<16xf32>
      %select_n3A_1399 = arith.select %eq3A_1396, %get3A_1333, %broadcast_in_dim3A_1398 : vector<16xi1>, vector<16xf32>
      %max3A_1400 = arith.maximumf %max3A_1278, %select_n3A_1399 : vector<16xf32>
      %eq3A_1401 = arith.constant 9 : i32
      %eq3A_1402 = vector.broadcast %eq3A_1401 : i32 to vector<16xi32>
      %eq3A_1403 = arith.cmpi eq, %get3A_1337, %eq3A_1402 : vector<16xi32>
      %jit3A_1404 = arith.constant 0xFF800000 : f32
      %broadcast_in_dim3A_1405 = vector.broadcast %jit3A_1404 : f32 to vector<16xf32>
      %select_n3A_1406 = arith.select %eq3A_1403, %get3A_1333, %broadcast_in_dim3A_1405 : vector<16xi1>, vector<16xf32>
      %max3A_1407 = arith.maximumf %max3A_1285, %select_n3A_1406 : vector<16xf32>
      %eq3A_1408 = arith.constant 10 : i32
      %eq3A_1409 = vector.broadcast %eq3A_1408 : i32 to vector<16xi32>
      %eq3A_1410 = arith.cmpi eq, %get3A_1337, %eq3A_1409 : vector<16xi32>
      %jit3A_1411 = arith.constant 0xFF800000 : f32
      %broadcast_in_dim3A_1412 = vector.broadcast %jit3A_1411 : f32 to vector<16xf32>
      %select_n3A_1413 = arith.select %eq3A_1410, %get3A_1333, %broadcast_in_dim3A_1412 : vector<16xi1>, vector<16xf32>
      %max3A_1414 = arith.maximumf %max3A_1292, %select_n3A_1413 : vector<16xf32>
      %eq3A_1415 = arith.constant 11 : i32
      %eq3A_1416 = vector.broadcast %eq3A_1415 : i32 to vector<16xi32>
      %eq3A_1417 = arith.cmpi eq, %get3A_1337, %eq3A_1416 : vector<16xi32>
      %jit3A_1418 = arith.constant 0xFF800000 : f32
      %broadcast_in_dim3A_1419 = vector.broadcast %jit3A_1418 : f32 to vector<16xf32>
      %select_n3A_1420 = arith.select %eq3A_1417, %get3A_1333, %broadcast_in_dim3A_1419 : vector<16xi1>, vector<16xf32>
      %max3A_1421 = arith.maximumf %max3A_1299, %select_n3A_1420 : vector<16xf32>
      %eq3A_1422 = arith.constant 12 : i32
      %eq3A_1423 = vector.broadcast %eq3A_1422 : i32 to vector<16xi32>
      %eq3A_1424 = arith.cmpi eq, %get3A_1337, %eq3A_1423 : vector<16xi32>
      %jit3A_1425 = arith.constant 0xFF800000 : f32
      %broadcast_in_dim3A_1426 = vector.broadcast %jit3A_1425 : f32 to vector<16xf32>
      %select_n3A_1427 = arith.select %eq3A_1424, %get3A_1333, %broadcast_in_dim3A_1426 : vector<16xi1>, vector<16xf32>
      %max3A_1428 = arith.maximumf %max3A_1306, %select_n3A_1427 : vector<16xf32>
      %eq3A_1429 = arith.constant 13 : i32
      %eq3A_1430 = vector.broadcast %eq3A_1429 : i32 to vector<16xi32>
      %eq3A_1431 = arith.cmpi eq, %get3A_1337, %eq3A_1430 : vector<16xi32>
      %jit3A_1432 = arith.constant 0xFF800000 : f32
      %broadcast_in_dim3A_1433 = vector.broadcast %jit3A_1432 : f32 to vector<16xf32>
      %select_n3A_1434 = arith.select %eq3A_1431, %get3A_1333, %broadcast_in_dim3A_1433 : vector<16xi1>, vector<16xf32>
      %max3A_1435 = arith.maximumf %max3A_1313, %select_n3A_1434 : vector<16xf32>
      %eq3A_1436 = arith.constant 14 : i32
      %eq3A_1437 = vector.broadcast %eq3A_1436 : i32 to vector<16xi32>
      %eq3A_1438 = arith.cmpi eq, %get3A_1337, %eq3A_1437 : vector<16xi32>
      %jit3A_1439 = arith.constant 0xFF800000 : f32
      %broadcast_in_dim3A_1440 = vector.broadcast %jit3A_1439 : f32 to vector<16xf32>
      %select_n3A_1441 = arith.select %eq3A_1438, %get3A_1333, %broadcast_in_dim3A_1440 : vector<16xi1>, vector<16xf32>
      %max3A_1442 = arith.maximumf %max3A_1320, %select_n3A_1441 : vector<16xf32>
      %eq3A_1443 = arith.constant 15 : i32
      %eq3A_1444 = vector.broadcast %eq3A_1443 : i32 to vector<16xi32>
      %eq3A_1445 = arith.cmpi eq, %get3A_1337, %eq3A_1444 : vector<16xi32>
      %jit3A_1446 = arith.constant 0xFF800000 : f32
      %broadcast_in_dim3A_1447 = vector.broadcast %jit3A_1446 : f32 to vector<16xf32>
      %select_n3A_1448 = arith.select %eq3A_1445, %get3A_1333, %broadcast_in_dim3A_1447 : vector<16xi1>, vector<16xf32>
      %max3A_1449 = arith.maximumf %max3A_1327, %select_n3A_1448 : vector<16xf32>
      %scan3A_1450 = arith.constant 3 : i32
      %scan3A_1451 = arith.addi %scan3A_1071, %scan3A_1450 : i32
      %mul3A_1452 = arith.constant 16 : i32
      %mul3A_1453 = arith.muli %scan3A_1451, %mul3A_1452 : i32
      %get3A_1454 = arith.index_cast %mul3A_1453 : i32 to index
      %get3A_1455 = tpu.vector_load %arg6[%get3A_1454] {strides = array<i32>} : memref<1024xf32, #tpu.memory_space<vmem>>, vector<16xf32>,
      %mul3A_1456 = arith.constant 16 : i32
      %mul3A_1457 = arith.muli %scan3A_1451, %mul3A_1456 : i32
      %get3A_1458 = arith.index_cast %mul3A_1457 : i32 to index
      %get3A_1459 = tpu.vector_load %arg7[%get3A_1458] {strides = array<i32>} : memref<1024xi32, #tpu.memory_space<vmem>>, vector<16xi32>,
      %eq3A_1460 = arith.constant 0 : i32
      %eq3A_1461 = vector.broadcast %eq3A_1460 : i32 to vector<16xi32>
      %eq3A_1462 = arith.cmpi eq, %get3A_1459, %eq3A_1461 : vector<16xi32>
      %jit3A_1463 = arith.constant 0xFF800000 : f32
      %broadcast_in_dim3A_1464 = vector.broadcast %jit3A_1463 : f32 to vector<16xf32>
      %select_n3A_1465 = arith.select %eq3A_1462, %get3A_1455, %broadcast_in_dim3A_1464 : vector<16xi1>, vector<16xf32>
      %max3A_1466 = arith.maximumf %max3A_1344, %select_n3A_1465 : vector<16xf32>
      %eq3A_1467 = arith.constant 1 : i32
      %eq3A_1468 = vector.broadcast %eq3A_1467 : i32 to vector<16xi32>
      %eq3A_1469 = arith.cmpi eq, %get3A_1459, %eq3A_1468 : vector<16xi32>
      %jit3A_1470 = arith.constant 0xFF800000 : f32
      %broadcast_in_dim3A_1471 = vector.broadcast %jit3A_1470 : f32 to vector<16xf32>
      %select_n3A_1472 = arith.select %eq3A_1469, %get3A_1455, %broadcast_in_dim3A_1471 : vector<16xi1>, vector<16xf32>
      %max3A_1473 = arith.maximumf %max3A_1351, %select_n3A_1472 : vector<16xf32>
      %eq3A_1474 = arith.constant 2 : i32
      %eq3A_1475 = vector.broadcast %eq3A_1474 : i32 to vector<16xi32>
      %eq3A_1476 = arith.cmpi eq, %get3A_1459, %eq3A_1475 : vector<16xi32>
      %jit3A_1477 = arith.constant 0xFF800000 : f32
      %broadcast_in_dim3A_1478 = vector.broadcast %jit3A_1477 : f32 to vector<16xf32>
      %select_n3A_1479 = arith.select %eq3A_1476, %get3A_1455, %broadcast_in_dim3A_1478 : vector<16xi1>, vector<16xf32>
      %max3A_1480 = arith.maximumf %max3A_1358, %select_n3A_1479 : vector<16xf32>
      %eq3A_1481 = arith.constant 3 : i32
      %eq3A_1482 = vector.broadcast %eq3A_1481 : i32 to vector<16xi32>
      %eq3A_1483 = arith.cmpi eq, %get3A_1459, %eq3A_1482 : vector<16xi32>
      %jit3A_1484 = arith.constant 0xFF800000 : f32
      %broadcast_in_dim3A_1485 = vector.broadcast %jit3A_1484 : f32 to vector<16xf32>
      %select_n3A_1486 = arith.select %eq3A_1483, %get3A_1455, %broadcast_in_dim3A_1485 : vector<16xi1>, vector<16xf32>
      %max3A_1487 = arith.maximumf %max3A_1365, %select_n3A_1486 : vector<16xf32>
      %eq3A_1488 = arith.constant 4 : i32
      %eq3A_1489 = vector.broadcast %eq3A_1488 : i32 to vector<16xi32>
      %eq3A_1490 = arith.cmpi eq, %get3A_1459, %eq3A_1489 : vector<16xi32>
      %jit3A_1491 = arith.constant 0xFF800000 : f32
      %broadcast_in_dim3A_1492 = vector.broadcast %jit3A_1491 : f32 to vector<16xf32>
      %select_n3A_1493 = arith.select %eq3A_1490, %get3A_1455, %broadcast_in_dim3A_1492 : vector<16xi1>, vector<16xf32>
      %max3A_1494 = arith.maximumf %max3A_1372, %select_n3A_1493 : vector<16xf32>
      %eq3A_1495 = arith.constant 5 : i32
      %eq3A_1496 = vector.broadcast %eq3A_1495 : i32 to vector<16xi32>
      %eq3A_1497 = arith.cmpi eq, %get3A_1459, %eq3A_1496 : vector<16xi32>
      %jit3A_1498 = arith.constant 0xFF800000 : f32
      %broadcast_in_dim3A_1499 = vector.broadcast %jit3A_1498 : f32 to vector<16xf32>
      %select_n3A_1500 = arith.select %eq3A_1497, %get3A_1455, %broadcast_in_dim3A_1499 : vector<16xi1>, vector<16xf32>
      %max3A_1501 = arith.maximumf %max3A_1379, %select_n3A_1500 : vector<16xf32>
      %eq3A_1502 = arith.constant 6 : i32
      %eq3A_1503 = vector.broadcast %eq3A_1502 : i32 to vector<16xi32>
      %eq3A_1504 = arith.cmpi eq, %get3A_1459, %eq3A_1503 : vector<16xi32>
      %jit3A_1505 = arith.constant 0xFF800000 : f32
      %broadcast_in_dim3A_1506 = vector.broadcast %jit3A_1505 : f32 to vector<16xf32>
      %select_n3A_1507 = arith.select %eq3A_1504, %get3A_1455, %broadcast_in_dim3A_1506 : vector<16xi1>, vector<16xf32>
      %max3A_1508 = arith.maximumf %max3A_1386, %select_n3A_1507 : vector<16xf32>
      %eq3A_1509 = arith.constant 7 : i32
      %eq3A_1510 = vector.broadcast %eq3A_1509 : i32 to vector<16xi32>
      %eq3A_1511 = arith.cmpi eq, %get3A_1459, %eq3A_1510 : vector<16xi32>
      %jit3A_1512 = arith.constant 0xFF800000 : f32
      %broadcast_in_dim3A_1513 = vector.broadcast %jit3A_1512 : f32 to vector<16xf32>
      %select_n3A_1514 = arith.select %eq3A_1511, %get3A_1455, %broadcast_in_dim3A_1513 : vector<16xi1>, vector<16xf32>
      %max3A_1515 = arith.maximumf %max3A_1393, %select_n3A_1514 : vector<16xf32>
      %eq3A_1516 = arith.constant 8 : i32
      %eq3A_1517 = vector.broadcast %eq3A_1516 : i32 to vector<16xi32>
      %eq3A_1518 = arith.cmpi eq, %get3A_1459, %eq3A_1517 : vector<16xi32>
      %jit3A_1519 = arith.constant 0xFF800000 : f32
      %broadcast_in_dim3A_1520 = vector.broadcast %jit3A_1519 : f32 to vector<16xf32>
      %select_n3A_1521 = arith.select %eq3A_1518, %get3A_1455, %broadcast_in_dim3A_1520 : vector<16xi1>, vector<16xf32>
      %max3A_1522 = arith.maximumf %max3A_1400, %select_n3A_1521 : vector<16xf32>
      %eq3A_1523 = arith.constant 9 : i32
      %eq3A_1524 = vector.broadcast %eq3A_1523 : i32 to vector<16xi32>
      %eq3A_1525 = arith.cmpi eq, %get3A_1459, %eq3A_1524 : vector<16xi32>
      %jit3A_1526 = arith.constant 0xFF800000 : f32
      %broadcast_in_dim3A_1527 = vector.broadcast %jit3A_1526 : f32 to vector<16xf32>
      %select_n3A_1528 = arith.select %eq3A_1525, %get3A_1455, %broadcast_in_dim3A_1527 : vector<16xi1>, vector<16xf32>
      %max3A_1529 = arith.maximumf %max3A_1407, %select_n3A_1528 : vector<16xf32>
      %eq3A_1530 = arith.constant 10 : i32
      %eq3A_1531 = vector.broadcast %eq3A_1530 : i32 to vector<16xi32>
      %eq3A_1532 = arith.cmpi eq, %get3A_1459, %eq3A_1531 : vector<16xi32>
      %jit3A_1533 = arith.constant 0xFF800000 : f32
      %broadcast_in_dim3A_1534 = vector.broadcast %jit3A_1533 : f32 to vector<16xf32>
      %select_n3A_1535 = arith.select %eq3A_1532, %get3A_1455, %broadcast_in_dim3A_1534 : vector<16xi1>, vector<16xf32>
      %max3A_1536 = arith.maximumf %max3A_1414, %select_n3A_1535 : vector<16xf32>
      %eq3A_1537 = arith.constant 11 : i32
      %eq3A_1538 = vector.broadcast %eq3A_1537 : i32 to vector<16xi32>
      %eq3A_1539 = arith.cmpi eq, %get3A_1459, %eq3A_1538 : vector<16xi32>
      %jit3A_1540 = arith.constant 0xFF800000 : f32
      %broadcast_in_dim3A_1541 = vector.broadcast %jit3A_1540 : f32 to vector<16xf32>
      %select_n3A_1542 = arith.select %eq3A_1539, %get3A_1455, %broadcast_in_dim3A_1541 : vector<16xi1>, vector<16xf32>
      %max3A_1543 = arith.maximumf %max3A_1421, %select_n3A_1542 : vector<16xf32>
      %eq3A_1544 = arith.constant 12 : i32
      %eq3A_1545 = vector.broadcast %eq3A_1544 : i32 to vector<16xi32>
      %eq3A_1546 = arith.cmpi eq, %get3A_1459, %eq3A_1545 : vector<16xi32>
      %jit3A_1547 = arith.constant 0xFF800000 : f32
      %broadcast_in_dim3A_1548 = vector.broadcast %jit3A_1547 : f32 to vector<16xf32>
      %select_n3A_1549 = arith.select %eq3A_1546, %get3A_1455, %broadcast_in_dim3A_1548 : vector<16xi1>, vector<16xf32>
      %max3A_1550 = arith.maximumf %max3A_1428, %select_n3A_1549 : vector<16xf32>
      %eq3A_1551 = arith.constant 13 : i32
      %eq3A_1552 = vector.broadcast %eq3A_1551 : i32 to vector<16xi32>
      %eq3A_1553 = arith.cmpi eq, %get3A_1459, %eq3A_1552 : vector<16xi32>
      %jit3A_1554 = arith.constant 0xFF800000 : f32
      %broadcast_in_dim3A_1555 = vector.broadcast %jit3A_1554 : f32 to vector<16xf32>
      %select_n3A_1556 = arith.select %eq3A_1553, %get3A_1455, %broadcast_in_dim3A_1555 : vector<16xi1>, vector<16xf32>
      %max3A_1557 = arith.maximumf %max3A_1435, %select_n3A_1556 : vector<16xf32>
      %eq3A_1558 = arith.constant 14 : i32
      %eq3A_1559 = vector.broadcast %eq3A_1558 : i32 to vector<16xi32>
      %eq3A_1560 = arith.cmpi eq, %get3A_1459, %eq3A_1559 : vector<16xi32>
      %jit3A_1561 = arith.constant 0xFF800000 : f32
      %broadcast_in_dim3A_1562 = vector.broadcast %jit3A_1561 : f32 to vector<16xf32>
      %select_n3A_1563 = arith.select %eq3A_1560, %get3A_1455, %broadcast_in_dim3A_1562 : vector<16xi1>, vector<16xf32>
      %max3A_1564 = arith.maximumf %max3A_1442, %select_n3A_1563 : vector<16xf32>
      %eq3A_1565 = arith.constant 15 : i32
      %eq3A_1566 = vector.broadcast %eq3A_1565 : i32 to vector<16xi32>
      %eq3A_1567 = arith.cmpi eq, %get3A_1459, %eq3A_1566 : vector<16xi32>
      %jit3A_1568 = arith.constant 0xFF800000 : f32
      %broadcast_in_dim3A_1569 = vector.broadcast %jit3A_1568 : f32 to vector<16xf32>
      %select_n3A_1570 = arith.select %eq3A_1567, %get3A_1455, %broadcast_in_dim3A_1569 : vector<16xi1>, vector<16xf32>
      %max3A_1571 = arith.maximumf %max3A_1449, %select_n3A_1570 : vector<16xf32>
      scf.yield %max3A_1466, %max3A_1473, %max3A_1480, %max3A_1487, %max3A_1494, %max3A_1501, %max3A_1508, %max3A_1515, %max3A_1522, %max3A_1529, %max3A_1536, %max3A_1543, %max3A_1550, %max3A_1557, %max3A_1564, %max3A_1571 : vector<16xf32>, vector<16xf32>, vector<16xf32>, vector<16xf32>, vector<16xf32>, vector<16xf32>, vector<16xf32>, vector<16xf32>, vector<16xf32>, vector<16xf32>, vector<16xf32>, vector<16xf32>, vector<16xf32>, vector<16xf32>, vector<16xf32>, vector<16xf32>
    }
    %scan3A_8 = arith.constant 64 : i32
    %eq3A = arith.constant 0 : i32
    %eq3A_9 = vector.broadcast %eq3A : i32 to vector<16xi32>
    %eq3A_10 = arith.cmpi eq, %iota3A, %eq3A_9 : vector<16xi32>
    %iota3A_11 = tpu.iota {dimensions = array<i32: 0>} : vector<16xi32>
    %swap3A = arith.constant 0 : index
    %swap3A_12 = tpu.vector_load %arg10[%swap3A] {strides = array<i32>} : memref<16xf32, #tpu.memory_space<vmem>>, vector<16xf32>,
    tpu.vector_store %arg10[%swap3A], %scan3A_7#0 {strides = array<i32>} : memref<16xf32, #tpu.memory_space<vmem>>, vector<16xf32>,
    %xor3A = arith.constant 8 : i32
    %xor3A_13 = vector.broadcast %xor3A : i32 to vector<16xi32>
    %xor3A_14 = arith.xori %iota3A_11, %xor3A_13 : vector<16xi32>
    %gather3A = tpu.vector_load_idx %arg10[%xor3A_14] : memref<16xf32, #tpu.memory_space<vmem>>[vector<16xi32>], vector<16xf32>,
    %max3A = arith.maximumf %scan3A_7#0, %gather3A : vector<16xf32>
    %swap3A_15 = arith.constant 0 : index
    %swap3A_16 = tpu.vector_load %arg10[%swap3A_15] {strides = array<i32>} : memref<16xf32, #tpu.memory_space<vmem>>, vector<16xf32>,
    tpu.vector_store %arg10[%swap3A_15], %max3A {strides = array<i32>} : memref<16xf32, #tpu.memory_space<vmem>>, vector<16xf32>,
    %xor3A_17 = arith.constant 4 : i32
    %xor3A_18 = vector.broadcast %xor3A_17 : i32 to vector<16xi32>
    %xor3A_19 = arith.xori %iota3A_11, %xor3A_18 : vector<16xi32>
    %gather3A_20 = tpu.vector_load_idx %arg10[%xor3A_19] : memref<16xf32, #tpu.memory_space<vmem>>[vector<16xi32>], vector<16xf32>,
    %max3A_21 = arith.maximumf %max3A, %gather3A_20 : vector<16xf32>
    %swap3A_22 = arith.constant 0 : index
    %swap3A_23 = tpu.vector_load %arg10[%swap3A_22] {strides = array<i32>} : memref<16xf32, #tpu.memory_space<vmem>>, vector<16xf32>,
    tpu.vector_store %arg10[%swap3A_22], %max3A_21 {strides = array<i32>} : memref<16xf32, #tpu.memory_space<vmem>>, vector<16xf32>,
    %xor3A_24 = arith.constant 2 : i32
    %xor3A_25 = vector.broadcast %xor3A_24 : i32 to vector<16xi32>
    %xor3A_26 = arith.xori %iota3A_11, %xor3A_25 : vector<16xi32>
    %gather3A_27 = tpu.vector_load_idx %arg10[%xor3A_26] : memref<16xf32, #tpu.memory_space<vmem>>[vector<16xi32>], vector<16xf32>,
    %max3A_28 = arith.maximumf %max3A_21, %gather3A_27 : vector<16xf32>
    %swap3A_29 = arith.constant 0 : index
    %swap3A_30 = tpu.vector_load %arg10[%swap3A_29] {strides = array<i32>} : memref<16xf32, #tpu.memory_space<vmem>>, vector<16xf32>,
    tpu.vector_store %arg10[%swap3A_29], %max3A_28 {strides = array<i32>} : memref<16xf32, #tpu.memory_space<vmem>>, vector<16xf32>,
    %xor3A_31 = arith.constant 1 : i32
    %xor3A_32 = vector.broadcast %xor3A_31 : i32 to vector<16xi32>
    %xor3A_33 = arith.xori %iota3A_11, %xor3A_32 : vector<16xi32>
    %gather3A_34 = tpu.vector_load_idx %arg10[%xor3A_33] : memref<16xf32, #tpu.memory_space<vmem>>[vector<16xi32>], vector<16xf32>,
    %max3A_35 = arith.maximumf %max3A_28, %gather3A_34 : vector<16xf32>
    %select_n3A = arith.select %eq3A_10, %max3A_35, %broadcast_in_dim3A_3 : vector<16xi1>, vector<16xf32>
    %eq3A_36 = arith.constant 1 : i32
    %eq3A_37 = vector.broadcast %eq3A_36 : i32 to vector<16xi32>
    %eq3A_38 = arith.cmpi eq, %iota3A, %eq3A_37 : vector<16xi32>
    %iota3A_39 = tpu.iota {dimensions = array<i32: 0>} : vector<16xi32>
    %swap3A_40 = arith.constant 0 : index
    %swap3A_41 = tpu.vector_load %arg10[%swap3A_40] {strides = array<i32>} : memref<16xf32, #tpu.memory_space<vmem>>, vector<16xf32>,
    tpu.vector_store %arg10[%swap3A_40], %scan3A_7#1 {strides = array<i32>} : memref<16xf32, #tpu.memory_space<vmem>>, vector<16xf32>,
    %xor3A_42 = arith.constant 8 : i32
    %xor3A_43 = vector.broadcast %xor3A_42 : i32 to vector<16xi32>
    %xor3A_44 = arith.xori %iota3A_39, %xor3A_43 : vector<16xi32>
    %gather3A_45 = tpu.vector_load_idx %arg10[%xor3A_44] : memref<16xf32, #tpu.memory_space<vmem>>[vector<16xi32>], vector<16xf32>,
    %max3A_46 = arith.maximumf %scan3A_7#1, %gather3A_45 : vector<16xf32>
    %swap3A_47 = arith.constant 0 : index
    %swap3A_48 = tpu.vector_load %arg10[%swap3A_47] {strides = array<i32>} : memref<16xf32, #tpu.memory_space<vmem>>, vector<16xf32>,
    tpu.vector_store %arg10[%swap3A_47], %max3A_46 {strides = array<i32>} : memref<16xf32, #tpu.memory_space<vmem>>, vector<16xf32>,
    %xor3A_49 = arith.constant 4 : i32
    %xor3A_50 = vector.broadcast %xor3A_49 : i32 to vector<16xi32>
    %xor3A_51 = arith.xori %iota3A_39, %xor3A_50 : vector<16xi32>
    %gather3A_52 = tpu.vector_load_idx %arg10[%xor3A_51] : memref<16xf32, #tpu.memory_space<vmem>>[vector<16xi32>], vector<16xf32>,
    %max3A_53 = arith.maximumf %max3A_46, %gather3A_52 : vector<16xf32>
    %swap3A_54 = arith.constant 0 : index
    %swap3A_55 = tpu.vector_load %arg10[%swap3A_54] {strides = array<i32>} : memref<16xf32, #tpu.memory_space<vmem>>, vector<16xf32>,
    tpu.vector_store %arg10[%swap3A_54], %max3A_53 {strides = array<i32>} : memref<16xf32, #tpu.memory_space<vmem>>, vector<16xf32>,
    %xor3A_56 = arith.constant 2 : i32
    %xor3A_57 = vector.broadcast %xor3A_56 : i32 to vector<16xi32>
    %xor3A_58 = arith.xori %iota3A_39, %xor3A_57 : vector<16xi32>
    %gather3A_59 = tpu.vector_load_idx %arg10[%xor3A_58] : memref<16xf32, #tpu.memory_space<vmem>>[vector<16xi32>], vector<16xf32>,
    %max3A_60 = arith.maximumf %max3A_53, %gather3A_59 : vector<16xf32>
    %swap3A_61 = arith.constant 0 : index
    %swap3A_62 = tpu.vector_load %arg10[%swap3A_61] {strides = array<i32>} : memref<16xf32, #tpu.memory_space<vmem>>, vector<16xf32>,
    tpu.vector_store %arg10[%swap3A_61], %max3A_60 {strides = array<i32>} : memref<16xf32, #tpu.memory_space<vmem>>, vector<16xf32>,
    %xor3A_63 = arith.constant 1 : i32
    %xor3A_64 = vector.broadcast %xor3A_63 : i32 to vector<16xi32>
    %xor3A_65 = arith.xori %iota3A_39, %xor3A_64 : vector<16xi32>
    %gather3A_66 = tpu.vector_load_idx %arg10[%xor3A_65] : memref<16xf32, #tpu.memory_space<vmem>>[vector<16xi32>], vector<16xf32>,
    %max3A_67 = arith.maximumf %max3A_60, %gather3A_66 : vector<16xf32>
    %select_n3A_68 = arith.select %eq3A_38, %max3A_67, %select_n3A : vector<16xi1>, vector<16xf32>
    %eq3A_69 = arith.constant 2 : i32
    %eq3A_70 = vector.broadcast %eq3A_69 : i32 to vector<16xi32>
    %eq3A_71 = arith.cmpi eq, %iota3A, %eq3A_70 : vector<16xi32>
    %iota3A_72 = tpu.iota {dimensions = array<i32: 0>} : vector<16xi32>
    %swap3A_73 = arith.constant 0 : index
    %swap3A_74 = tpu.vector_load %arg10[%swap3A_73] {strides = array<i32>} : memref<16xf32, #tpu.memory_space<vmem>>, vector<16xf32>,
    tpu.vector_store %arg10[%swap3A_73], %scan3A_7#2 {strides = array<i32>} : memref<16xf32, #tpu.memory_space<vmem>>, vector<16xf32>,
    %xor3A_75 = arith.constant 8 : i32
    %xor3A_76 = vector.broadcast %xor3A_75 : i32 to vector<16xi32>
    %xor3A_77 = arith.xori %iota3A_72, %xor3A_76 : vector<16xi32>
    %gather3A_78 = tpu.vector_load_idx %arg10[%xor3A_77] : memref<16xf32, #tpu.memory_space<vmem>>[vector<16xi32>], vector<16xf32>,
    %max3A_79 = arith.maximumf %scan3A_7#2, %gather3A_78 : vector<16xf32>
    %swap3A_80 = arith.constant 0 : index
    %swap3A_81 = tpu.vector_load %arg10[%swap3A_80] {strides = array<i32>} : memref<16xf32, #tpu.memory_space<vmem>>, vector<16xf32>,
    tpu.vector_store %arg10[%swap3A_80], %max3A_79 {strides = array<i32>} : memref<16xf32, #tpu.memory_space<vmem>>, vector<16xf32>,
    %xor3A_82 = arith.constant 4 : i32
    %xor3A_83 = vector.broadcast %xor3A_82 : i32 to vector<16xi32>
    %xor3A_84 = arith.xori %iota3A_72, %xor3A_83 : vector<16xi32>
    %gather3A_85 = tpu.vector_load_idx %arg10[%xor3A_84] : memref<16xf32, #tpu.memory_space<vmem>>[vector<16xi32>], vector<16xf32>,
    %max3A_86 = arith.maximumf %max3A_79, %gather3A_85 : vector<16xf32>
    %swap3A_87 = arith.constant 0 : index
    %swap3A_88 = tpu.vector_load %arg10[%swap3A_87] {strides = array<i32>} : memref<16xf32, #tpu.memory_space<vmem>>, vector<16xf32>,
    tpu.vector_store %arg10[%swap3A_87], %max3A_86 {strides = array<i32>} : memref<16xf32, #tpu.memory_space<vmem>>, vector<16xf32>,
    %xor3A_89 = arith.constant 2 : i32
    %xor3A_90 = vector.broadcast %xor3A_89 : i32 to vector<16xi32>
    %xor3A_91 = arith.xori %iota3A_72, %xor3A_90 : vector<16xi32>
    %gather3A_92 = tpu.vector_load_idx %arg10[%xor3A_91] : memref<16xf32, #tpu.memory_space<vmem>>[vector<16xi32>], vector<16xf32>,
    %max3A_93 = arith.maximumf %max3A_86, %gather3A_92 : vector<16xf32>
    %swap3A_94 = arith.constant 0 : index
    %swap3A_95 = tpu.vector_load %arg10[%swap3A_94] {strides = array<i32>} : memref<16xf32, #tpu.memory_space<vmem>>, vector<16xf32>,
    tpu.vector_store %arg10[%swap3A_94], %max3A_93 {strides = array<i32>} : memref<16xf32, #tpu.memory_space<vmem>>, vector<16xf32>,
    %xor3A_96 = arith.constant 1 : i32
    %xor3A_97 = vector.broadcast %xor3A_96 : i32 to vector<16xi32>
    %xor3A_98 = arith.xori %iota3A_72, %xor3A_97 : vector<16xi32>
    %gather3A_99 = tpu.vector_load_idx %arg10[%xor3A_98] : memref<16xf32, #tpu.memory_space<vmem>>[vector<16xi32>], vector<16xf32>,
    %max3A_100 = arith.maximumf %max3A_93, %gather3A_99 : vector<16xf32>
    %select_n3A_101 = arith.select %eq3A_71, %max3A_100, %select_n3A_68 : vector<16xi1>, vector<16xf32>
    %eq3A_102 = arith.constant 3 : i32
    %eq3A_103 = vector.broadcast %eq3A_102 : i32 to vector<16xi32>
    %eq3A_104 = arith.cmpi eq, %iota3A, %eq3A_103 : vector<16xi32>
    %iota3A_105 = tpu.iota {dimensions = array<i32: 0>} : vector<16xi32>
    %swap3A_106 = arith.constant 0 : index
    %swap3A_107 = tpu.vector_load %arg10[%swap3A_106] {strides = array<i32>} : memref<16xf32, #tpu.memory_space<vmem>>, vector<16xf32>,
    tpu.vector_store %arg10[%swap3A_106], %scan3A_7#3 {strides = array<i32>} : memref<16xf32, #tpu.memory_space<vmem>>, vector<16xf32>,
    %xor3A_108 = arith.constant 8 : i32
    %xor3A_109 = vector.broadcast %xor3A_108 : i32 to vector<16xi32>
    %xor3A_110 = arith.xori %iota3A_105, %xor3A_109 : vector<16xi32>
    %gather3A_111 = tpu.vector_load_idx %arg10[%xor3A_110] : memref<16xf32, #tpu.memory_space<vmem>>[vector<16xi32>], vector<16xf32>,
    %max3A_112 = arith.maximumf %scan3A_7#3, %gather3A_111 : vector<16xf32>
    %swap3A_113 = arith.constant 0 : index
    %swap3A_114 = tpu.vector_load %arg10[%swap3A_113] {strides = array<i32>} : memref<16xf32, #tpu.memory_space<vmem>>, vector<16xf32>,
    tpu.vector_store %arg10[%swap3A_113], %max3A_112 {strides = array<i32>} : memref<16xf32, #tpu.memory_space<vmem>>, vector<16xf32>,
    %xor3A_115 = arith.constant 4 : i32
    %xor3A_116 = vector.broadcast %xor3A_115 : i32 to vector<16xi32>
    %xor3A_117 = arith.xori %iota3A_105, %xor3A_116 : vector<16xi32>
    %gather3A_118 = tpu.vector_load_idx %arg10[%xor3A_117] : memref<16xf32, #tpu.memory_space<vmem>>[vector<16xi32>], vector<16xf32>,
    %max3A_119 = arith.maximumf %max3A_112, %gather3A_118 : vector<16xf32>
    %swap3A_120 = arith.constant 0 : index
    %swap3A_121 = tpu.vector_load %arg10[%swap3A_120] {strides = array<i32>} : memref<16xf32, #tpu.memory_space<vmem>>, vector<16xf32>,
    tpu.vector_store %arg10[%swap3A_120], %max3A_119 {strides = array<i32>} : memref<16xf32, #tpu.memory_space<vmem>>, vector<16xf32>,
    %xor3A_122 = arith.constant 2 : i32
    %xor3A_123 = vector.broadcast %xor3A_122 : i32 to vector<16xi32>
    %xor3A_124 = arith.xori %iota3A_105, %xor3A_123 : vector<16xi32>
    %gather3A_125 = tpu.vector_load_idx %arg10[%xor3A_124] : memref<16xf32, #tpu.memory_space<vmem>>[vector<16xi32>], vector<16xf32>,
    %max3A_126 = arith.maximumf %max3A_119, %gather3A_125 : vector<16xf32>
    %swap3A_127 = arith.constant 0 : index
    %swap3A_128 = tpu.vector_load %arg10[%swap3A_127] {strides = array<i32>} : memref<16xf32, #tpu.memory_space<vmem>>, vector<16xf32>,
    tpu.vector_store %arg10[%swap3A_127], %max3A_126 {strides = array<i32>} : memref<16xf32, #tpu.memory_space<vmem>>, vector<16xf32>,
    %xor3A_129 = arith.constant 1 : i32
    %xor3A_130 = vector.broadcast %xor3A_129 : i32 to vector<16xi32>
    %xor3A_131 = arith.xori %iota3A_105, %xor3A_130 : vector<16xi32>
    %gather3A_132 = tpu.vector_load_idx %arg10[%xor3A_131] : memref<16xf32, #tpu.memory_space<vmem>>[vector<16xi32>], vector<16xf32>,
    %max3A_133 = arith.maximumf %max3A_126, %gather3A_132 : vector<16xf32>
    %select_n3A_134 = arith.select %eq3A_104, %max3A_133, %select_n3A_101 : vector<16xi1>, vector<16xf32>
    %eq3A_135 = arith.constant 4 : i32
    %eq3A_136 = vector.broadcast %eq3A_135 : i32 to vector<16xi32>
    %eq3A_137 = arith.cmpi eq, %iota3A, %eq3A_136 : vector<16xi32>
    %iota3A_138 = tpu.iota {dimensions = array<i32: 0>} : vector<16xi32>
    %swap3A_139 = arith.constant 0 : index
    %swap3A_140 = tpu.vector_load %arg10[%swap3A_139] {strides = array<i32>} : memref<16xf32, #tpu.memory_space<vmem>>, vector<16xf32>,
    tpu.vector_store %arg10[%swap3A_139], %scan3A_7#4 {strides = array<i32>} : memref<16xf32, #tpu.memory_space<vmem>>, vector<16xf32>,
    %xor3A_141 = arith.constant 8 : i32
    %xor3A_142 = vector.broadcast %xor3A_141 : i32 to vector<16xi32>
    %xor3A_143 = arith.xori %iota3A_138, %xor3A_142 : vector<16xi32>
    %gather3A_144 = tpu.vector_load_idx %arg10[%xor3A_143] : memref<16xf32, #tpu.memory_space<vmem>>[vector<16xi32>], vector<16xf32>,
    %max3A_145 = arith.maximumf %scan3A_7#4, %gather3A_144 : vector<16xf32>
    %swap3A_146 = arith.constant 0 : index
    %swap3A_147 = tpu.vector_load %arg10[%swap3A_146] {strides = array<i32>} : memref<16xf32, #tpu.memory_space<vmem>>, vector<16xf32>,
    tpu.vector_store %arg10[%swap3A_146], %max3A_145 {strides = array<i32>} : memref<16xf32, #tpu.memory_space<vmem>>, vector<16xf32>,
    %xor3A_148 = arith.constant 4 : i32
    %xor3A_149 = vector.broadcast %xor3A_148 : i32 to vector<16xi32>
    %xor3A_150 = arith.xori %iota3A_138, %xor3A_149 : vector<16xi32>
    %gather3A_151 = tpu.vector_load_idx %arg10[%xor3A_150] : memref<16xf32, #tpu.memory_space<vmem>>[vector<16xi32>], vector<16xf32>,
    %max3A_152 = arith.maximumf %max3A_145, %gather3A_151 : vector<16xf32>
    %swap3A_153 = arith.constant 0 : index
    %swap3A_154 = tpu.vector_load %arg10[%swap3A_153] {strides = array<i32>} : memref<16xf32, #tpu.memory_space<vmem>>, vector<16xf32>,
    tpu.vector_store %arg10[%swap3A_153], %max3A_152 {strides = array<i32>} : memref<16xf32, #tpu.memory_space<vmem>>, vector<16xf32>,
    %xor3A_155 = arith.constant 2 : i32
    %xor3A_156 = vector.broadcast %xor3A_155 : i32 to vector<16xi32>
    %xor3A_157 = arith.xori %iota3A_138, %xor3A_156 : vector<16xi32>
    %gather3A_158 = tpu.vector_load_idx %arg10[%xor3A_157] : memref<16xf32, #tpu.memory_space<vmem>>[vector<16xi32>], vector<16xf32>,
    %max3A_159 = arith.maximumf %max3A_152, %gather3A_158 : vector<16xf32>
    %swap3A_160 = arith.constant 0 : index
    %swap3A_161 = tpu.vector_load %arg10[%swap3A_160] {strides = array<i32>} : memref<16xf32, #tpu.memory_space<vmem>>, vector<16xf32>,
    tpu.vector_store %arg10[%swap3A_160], %max3A_159 {strides = array<i32>} : memref<16xf32, #tpu.memory_space<vmem>>, vector<16xf32>,
    %xor3A_162 = arith.constant 1 : i32
    %xor3A_163 = vector.broadcast %xor3A_162 : i32 to vector<16xi32>
    %xor3A_164 = arith.xori %iota3A_138, %xor3A_163 : vector<16xi32>
    %gather3A_165 = tpu.vector_load_idx %arg10[%xor3A_164] : memref<16xf32, #tpu.memory_space<vmem>>[vector<16xi32>], vector<16xf32>,
    %max3A_166 = arith.maximumf %max3A_159, %gather3A_165 : vector<16xf32>
    %select_n3A_167 = arith.select %eq3A_137, %max3A_166, %select_n3A_134 : vector<16xi1>, vector<16xf32>
    %eq3A_168 = arith.constant 5 : i32
    %eq3A_169 = vector.broadcast %eq3A_168 : i32 to vector<16xi32>
    %eq3A_170 = arith.cmpi eq, %iota3A, %eq3A_169 : vector<16xi32>
    %iota3A_171 = tpu.iota {dimensions = array<i32: 0>} : vector<16xi32>
    %swap3A_172 = arith.constant 0 : index
    %swap3A_173 = tpu.vector_load %arg10[%swap3A_172] {strides = array<i32>} : memref<16xf32, #tpu.memory_space<vmem>>, vector<16xf32>,
    tpu.vector_store %arg10[%swap3A_172], %scan3A_7#5 {strides = array<i32>} : memref<16xf32, #tpu.memory_space<vmem>>, vector<16xf32>,
    %xor3A_174 = arith.constant 8 : i32
    %xor3A_175 = vector.broadcast %xor3A_174 : i32 to vector<16xi32>
    %xor3A_176 = arith.xori %iota3A_171, %xor3A_175 : vector<16xi32>
    %gather3A_177 = tpu.vector_load_idx %arg10[%xor3A_176] : memref<16xf32, #tpu.memory_space<vmem>>[vector<16xi32>], vector<16xf32>,
    %max3A_178 = arith.maximumf %scan3A_7#5, %gather3A_177 : vector<16xf32>
    %swap3A_179 = arith.constant 0 : index
    %swap3A_180 = tpu.vector_load %arg10[%swap3A_179] {strides = array<i32>} : memref<16xf32, #tpu.memory_space<vmem>>, vector<16xf32>,
    tpu.vector_store %arg10[%swap3A_179], %max3A_178 {strides = array<i32>} : memref<16xf32, #tpu.memory_space<vmem>>, vector<16xf32>,
    %xor3A_181 = arith.constant 4 : i32
    %xor3A_182 = vector.broadcast %xor3A_181 : i32 to vector<16xi32>
    %xor3A_183 = arith.xori %iota3A_171, %xor3A_182 : vector<16xi32>
    %gather3A_184 = tpu.vector_load_idx %arg10[%xor3A_183] : memref<16xf32, #tpu.memory_space<vmem>>[vector<16xi32>], vector<16xf32>,
    %max3A_185 = arith.maximumf %max3A_178, %gather3A_184 : vector<16xf32>
    %swap3A_186 = arith.constant 0 : index
    %swap3A_187 = tpu.vector_load %arg10[%swap3A_186] {strides = array<i32>} : memref<16xf32, #tpu.memory_space<vmem>>, vector<16xf32>,
    tpu.vector_store %arg10[%swap3A_186], %max3A_185 {strides = array<i32>} : memref<16xf32, #tpu.memory_space<vmem>>, vector<16xf32>,
    %xor3A_188 = arith.constant 2 : i32
    %xor3A_189 = vector.broadcast %xor3A_188 : i32 to vector<16xi32>
    %xor3A_190 = arith.xori %iota3A_171, %xor3A_189 : vector<16xi32>
    %gather3A_191 = tpu.vector_load_idx %arg10[%xor3A_190] : memref<16xf32, #tpu.memory_space<vmem>>[vector<16xi32>], vector<16xf32>,
    %max3A_192 = arith.maximumf %max3A_185, %gather3A_191 : vector<16xf32>
    %swap3A_193 = arith.constant 0 : index
    %swap3A_194 = tpu.vector_load %arg10[%swap3A_193] {strides = array<i32>} : memref<16xf32, #tpu.memory_space<vmem>>, vector<16xf32>,
    tpu.vector_store %arg10[%swap3A_193], %max3A_192 {strides = array<i32>} : memref<16xf32, #tpu.memory_space<vmem>>, vector<16xf32>,
    %xor3A_195 = arith.constant 1 : i32
    %xor3A_196 = vector.broadcast %xor3A_195 : i32 to vector<16xi32>
    %xor3A_197 = arith.xori %iota3A_171, %xor3A_196 : vector<16xi32>
    %gather3A_198 = tpu.vector_load_idx %arg10[%xor3A_197] : memref<16xf32, #tpu.memory_space<vmem>>[vector<16xi32>], vector<16xf32>,
    %max3A_199 = arith.maximumf %max3A_192, %gather3A_198 : vector<16xf32>
    %select_n3A_200 = arith.select %eq3A_170, %max3A_199, %select_n3A_167 : vector<16xi1>, vector<16xf32>
    %eq3A_201 = arith.constant 6 : i32
    %eq3A_202 = vector.broadcast %eq3A_201 : i32 to vector<16xi32>
    %eq3A_203 = arith.cmpi eq, %iota3A, %eq3A_202 : vector<16xi32>
    %iota3A_204 = tpu.iota {dimensions = array<i32: 0>} : vector<16xi32>
    %swap3A_205 = arith.constant 0 : index
    %swap3A_206 = tpu.vector_load %arg10[%swap3A_205] {strides = array<i32>} : memref<16xf32, #tpu.memory_space<vmem>>, vector<16xf32>,
    tpu.vector_store %arg10[%swap3A_205], %scan3A_7#6 {strides = array<i32>} : memref<16xf32, #tpu.memory_space<vmem>>, vector<16xf32>,
    %xor3A_207 = arith.constant 8 : i32
    %xor3A_208 = vector.broadcast %xor3A_207 : i32 to vector<16xi32>
    %xor3A_209 = arith.xori %iota3A_204, %xor3A_208 : vector<16xi32>
    %gather3A_210 = tpu.vector_load_idx %arg10[%xor3A_209] : memref<16xf32, #tpu.memory_space<vmem>>[vector<16xi32>], vector<16xf32>,
    %max3A_211 = arith.maximumf %scan3A_7#6, %gather3A_210 : vector<16xf32>
    %swap3A_212 = arith.constant 0 : index
    %swap3A_213 = tpu.vector_load %arg10[%swap3A_212] {strides = array<i32>} : memref<16xf32, #tpu.memory_space<vmem>>, vector<16xf32>,
    tpu.vector_store %arg10[%swap3A_212], %max3A_211 {strides = array<i32>} : memref<16xf32, #tpu.memory_space<vmem>>, vector<16xf32>,
    %xor3A_214 = arith.constant 4 : i32
    %xor3A_215 = vector.broadcast %xor3A_214 : i32 to vector<16xi32>
    %xor3A_216 = arith.xori %iota3A_204, %xor3A_215 : vector<16xi32>
    %gather3A_217 = tpu.vector_load_idx %arg10[%xor3A_216] : memref<16xf32, #tpu.memory_space<vmem>>[vector<16xi32>], vector<16xf32>,
    %max3A_218 = arith.maximumf %max3A_211, %gather3A_217 : vector<16xf32>
    %swap3A_219 = arith.constant 0 : index
    %swap3A_220 = tpu.vector_load %arg10[%swap3A_219] {strides = array<i32>} : memref<16xf32, #tpu.memory_space<vmem>>, vector<16xf32>,
    tpu.vector_store %arg10[%swap3A_219], %max3A_218 {strides = array<i32>} : memref<16xf32, #tpu.memory_space<vmem>>, vector<16xf32>,
    %xor3A_221 = arith.constant 2 : i32
    %xor3A_222 = vector.broadcast %xor3A_221 : i32 to vector<16xi32>
    %xor3A_223 = arith.xori %iota3A_204, %xor3A_222 : vector<16xi32>
    %gather3A_224 = tpu.vector_load_idx %arg10[%xor3A_223] : memref<16xf32, #tpu.memory_space<vmem>>[vector<16xi32>], vector<16xf32>,
    %max3A_225 = arith.maximumf %max3A_218, %gather3A_224 : vector<16xf32>
    %swap3A_226 = arith.constant 0 : index
    %swap3A_227 = tpu.vector_load %arg10[%swap3A_226] {strides = array<i32>} : memref<16xf32, #tpu.memory_space<vmem>>, vector<16xf32>,
    tpu.vector_store %arg10[%swap3A_226], %max3A_225 {strides = array<i32>} : memref<16xf32, #tpu.memory_space<vmem>>, vector<16xf32>,
    %xor3A_228 = arith.constant 1 : i32
    %xor3A_229 = vector.broadcast %xor3A_228 : i32 to vector<16xi32>
    %xor3A_230 = arith.xori %iota3A_204, %xor3A_229 : vector<16xi32>
    %gather3A_231 = tpu.vector_load_idx %arg10[%xor3A_230] : memref<16xf32, #tpu.memory_space<vmem>>[vector<16xi32>], vector<16xf32>,
    %max3A_232 = arith.maximumf %max3A_225, %gather3A_231 : vector<16xf32>
    %select_n3A_233 = arith.select %eq3A_203, %max3A_232, %select_n3A_200 : vector<16xi1>, vector<16xf32>
    %eq3A_234 = arith.constant 7 : i32
    %eq3A_235 = vector.broadcast %eq3A_234 : i32 to vector<16xi32>
    %eq3A_236 = arith.cmpi eq, %iota3A, %eq3A_235 : vector<16xi32>
    %iota3A_237 = tpu.iota {dimensions = array<i32: 0>} : vector<16xi32>
    %swap3A_238 = arith.constant 0 : index
    %swap3A_239 = tpu.vector_load %arg10[%swap3A_238] {strides = array<i32>} : memref<16xf32, #tpu.memory_space<vmem>>, vector<16xf32>,
    tpu.vector_store %arg10[%swap3A_238], %scan3A_7#7 {strides = array<i32>} : memref<16xf32, #tpu.memory_space<vmem>>, vector<16xf32>,
    %xor3A_240 = arith.constant 8 : i32
    %xor3A_241 = vector.broadcast %xor3A_240 : i32 to vector<16xi32>
    %xor3A_242 = arith.xori %iota3A_237, %xor3A_241 : vector<16xi32>
    %gather3A_243 = tpu.vector_load_idx %arg10[%xor3A_242] : memref<16xf32, #tpu.memory_space<vmem>>[vector<16xi32>], vector<16xf32>,
    %max3A_244 = arith.maximumf %scan3A_7#7, %gather3A_243 : vector<16xf32>
    %swap3A_245 = arith.constant 0 : index
    %swap3A_246 = tpu.vector_load %arg10[%swap3A_245] {strides = array<i32>} : memref<16xf32, #tpu.memory_space<vmem>>, vector<16xf32>,
    tpu.vector_store %arg10[%swap3A_245], %max3A_244 {strides = array<i32>} : memref<16xf32, #tpu.memory_space<vmem>>, vector<16xf32>,
    %xor3A_247 = arith.constant 4 : i32
    %xor3A_248 = vector.broadcast %xor3A_247 : i32 to vector<16xi32>
    %xor3A_249 = arith.xori %iota3A_237, %xor3A_248 : vector<16xi32>
    %gather3A_250 = tpu.vector_load_idx %arg10[%xor3A_249] : memref<16xf32, #tpu.memory_space<vmem>>[vector<16xi32>], vector<16xf32>,
    %max3A_251 = arith.maximumf %max3A_244, %gather3A_250 : vector<16xf32>
    %swap3A_252 = arith.constant 0 : index
    %swap3A_253 = tpu.vector_load %arg10[%swap3A_252] {strides = array<i32>} : memref<16xf32, #tpu.memory_space<vmem>>, vector<16xf32>,
    tpu.vector_store %arg10[%swap3A_252], %max3A_251 {strides = array<i32>} : memref<16xf32, #tpu.memory_space<vmem>>, vector<16xf32>,
    %xor3A_254 = arith.constant 2 : i32
    %xor3A_255 = vector.broadcast %xor3A_254 : i32 to vector<16xi32>
    %xor3A_256 = arith.xori %iota3A_237, %xor3A_255 : vector<16xi32>
    %gather3A_257 = tpu.vector_load_idx %arg10[%xor3A_256] : memref<16xf32, #tpu.memory_space<vmem>>[vector<16xi32>], vector<16xf32>,
    %max3A_258 = arith.maximumf %max3A_251, %gather3A_257 : vector<16xf32>
    %swap3A_259 = arith.constant 0 : index
    %swap3A_260 = tpu.vector_load %arg10[%swap3A_259] {strides = array<i32>} : memref<16xf32, #tpu.memory_space<vmem>>, vector<16xf32>,
    tpu.vector_store %arg10[%swap3A_259], %max3A_258 {strides = array<i32>} : memref<16xf32, #tpu.memory_space<vmem>>, vector<16xf32>,
    %xor3A_261 = arith.constant 1 : i32
    %xor3A_262 = vector.broadcast %xor3A_261 : i32 to vector<16xi32>
    %xor3A_263 = arith.xori %iota3A_237, %xor3A_262 : vector<16xi32>
    %gather3A_264 = tpu.vector_load_idx %arg10[%xor3A_263] : memref<16xf32, #tpu.memory_space<vmem>>[vector<16xi32>], vector<16xf32>,
    %max3A_265 = arith.maximumf %max3A_258, %gather3A_264 : vector<16xf32>
    %select_n3A_266 = arith.select %eq3A_236, %max3A_265, %select_n3A_233 : vector<16xi1>, vector<16xf32>
    %eq3A_267 = arith.constant 8 : i32
    %eq3A_268 = vector.broadcast %eq3A_267 : i32 to vector<16xi32>
    %eq3A_269 = arith.cmpi eq, %iota3A, %eq3A_268 : vector<16xi32>
    %iota3A_270 = tpu.iota {dimensions = array<i32: 0>} : vector<16xi32>
    %swap3A_271 = arith.constant 0 : index
    %swap3A_272 = tpu.vector_load %arg10[%swap3A_271] {strides = array<i32>} : memref<16xf32, #tpu.memory_space<vmem>>, vector<16xf32>,
    tpu.vector_store %arg10[%swap3A_271], %scan3A_7#8 {strides = array<i32>} : memref<16xf32, #tpu.memory_space<vmem>>, vector<16xf32>,
    %xor3A_273 = arith.constant 8 : i32
    %xor3A_274 = vector.broadcast %xor3A_273 : i32 to vector<16xi32>
    %xor3A_275 = arith.xori %iota3A_270, %xor3A_274 : vector<16xi32>
    %gather3A_276 = tpu.vector_load_idx %arg10[%xor3A_275] : memref<16xf32, #tpu.memory_space<vmem>>[vector<16xi32>], vector<16xf32>,
    %max3A_277 = arith.maximumf %scan3A_7#8, %gather3A_276 : vector<16xf32>
    %swap3A_278 = arith.constant 0 : index
    %swap3A_279 = tpu.vector_load %arg10[%swap3A_278] {strides = array<i32>} : memref<16xf32, #tpu.memory_space<vmem>>, vector<16xf32>,
    tpu.vector_store %arg10[%swap3A_278], %max3A_277 {strides = array<i32>} : memref<16xf32, #tpu.memory_space<vmem>>, vector<16xf32>,
    %xor3A_280 = arith.constant 4 : i32
    %xor3A_281 = vector.broadcast %xor3A_280 : i32 to vector<16xi32>
    %xor3A_282 = arith.xori %iota3A_270, %xor3A_281 : vector<16xi32>
    %gather3A_283 = tpu.vector_load_idx %arg10[%xor3A_282] : memref<16xf32, #tpu.memory_space<vmem>>[vector<16xi32>], vector<16xf32>,
    %max3A_284 = arith.maximumf %max3A_277, %gather3A_283 : vector<16xf32>
    %swap3A_285 = arith.constant 0 : index
    %swap3A_286 = tpu.vector_load %arg10[%swap3A_285] {strides = array<i32>} : memref<16xf32, #tpu.memory_space<vmem>>, vector<16xf32>,
    tpu.vector_store %arg10[%swap3A_285], %max3A_284 {strides = array<i32>} : memref<16xf32, #tpu.memory_space<vmem>>, vector<16xf32>,
    %xor3A_287 = arith.constant 2 : i32
    %xor3A_288 = vector.broadcast %xor3A_287 : i32 to vector<16xi32>
    %xor3A_289 = arith.xori %iota3A_270, %xor3A_288 : vector<16xi32>
    %gather3A_290 = tpu.vector_load_idx %arg10[%xor3A_289] : memref<16xf32, #tpu.memory_space<vmem>>[vector<16xi32>], vector<16xf32>,
    %max3A_291 = arith.maximumf %max3A_284, %gather3A_290 : vector<16xf32>
    %swap3A_292 = arith.constant 0 : index
    %swap3A_293 = tpu.vector_load %arg10[%swap3A_292] {strides = array<i32>} : memref<16xf32, #tpu.memory_space<vmem>>, vector<16xf32>,
    tpu.vector_store %arg10[%swap3A_292], %max3A_291 {strides = array<i32>} : memref<16xf32, #tpu.memory_space<vmem>>, vector<16xf32>,
    %xor3A_294 = arith.constant 1 : i32
    %xor3A_295 = vector.broadcast %xor3A_294 : i32 to vector<16xi32>
    %xor3A_296 = arith.xori %iota3A_270, %xor3A_295 : vector<16xi32>
    %gather3A_297 = tpu.vector_load_idx %arg10[%xor3A_296] : memref<16xf32, #tpu.memory_space<vmem>>[vector<16xi32>], vector<16xf32>,
    %max3A_298 = arith.maximumf %max3A_291, %gather3A_297 : vector<16xf32>
    %select_n3A_299 = arith.select %eq3A_269, %max3A_298, %select_n3A_266 : vector<16xi1>, vector<16xf32>
    %eq3A_300 = arith.constant 9 : i32
    %eq3A_301 = vector.broadcast %eq3A_300 : i32 to vector<16xi32>
    %eq3A_302 = arith.cmpi eq, %iota3A, %eq3A_301 : vector<16xi32>
    %iota3A_303 = tpu.iota {dimensions = array<i32: 0>} : vector<16xi32>
    %swap3A_304 = arith.constant 0 : index
    %swap3A_305 = tpu.vector_load %arg10[%swap3A_304] {strides = array<i32>} : memref<16xf32, #tpu.memory_space<vmem>>, vector<16xf32>,
    tpu.vector_store %arg10[%swap3A_304], %scan3A_7#9 {strides = array<i32>} : memref<16xf32, #tpu.memory_space<vmem>>, vector<16xf32>,
    %xor3A_306 = arith.constant 8 : i32
    %xor3A_307 = vector.broadcast %xor3A_306 : i32 to vector<16xi32>
    %xor3A_308 = arith.xori %iota3A_303, %xor3A_307 : vector<16xi32>
    %gather3A_309 = tpu.vector_load_idx %arg10[%xor3A_308] : memref<16xf32, #tpu.memory_space<vmem>>[vector<16xi32>], vector<16xf32>,
    %max3A_310 = arith.maximumf %scan3A_7#9, %gather3A_309 : vector<16xf32>
    %swap3A_311 = arith.constant 0 : index
    %swap3A_312 = tpu.vector_load %arg10[%swap3A_311] {strides = array<i32>} : memref<16xf32, #tpu.memory_space<vmem>>, vector<16xf32>,
    tpu.vector_store %arg10[%swap3A_311], %max3A_310 {strides = array<i32>} : memref<16xf32, #tpu.memory_space<vmem>>, vector<16xf32>,
    %xor3A_313 = arith.constant 4 : i32
    %xor3A_314 = vector.broadcast %xor3A_313 : i32 to vector<16xi32>
    %xor3A_315 = arith.xori %iota3A_303, %xor3A_314 : vector<16xi32>
    %gather3A_316 = tpu.vector_load_idx %arg10[%xor3A_315] : memref<16xf32, #tpu.memory_space<vmem>>[vector<16xi32>], vector<16xf32>,
    %max3A_317 = arith.maximumf %max3A_310, %gather3A_316 : vector<16xf32>
    %swap3A_318 = arith.constant 0 : index
    %swap3A_319 = tpu.vector_load %arg10[%swap3A_318] {strides = array<i32>} : memref<16xf32, #tpu.memory_space<vmem>>, vector<16xf32>,
    tpu.vector_store %arg10[%swap3A_318], %max3A_317 {strides = array<i32>} : memref<16xf32, #tpu.memory_space<vmem>>, vector<16xf32>,
    %xor3A_320 = arith.constant 2 : i32
    %xor3A_321 = vector.broadcast %xor3A_320 : i32 to vector<16xi32>
    %xor3A_322 = arith.xori %iota3A_303, %xor3A_321 : vector<16xi32>
    %gather3A_323 = tpu.vector_load_idx %arg10[%xor3A_322] : memref<16xf32, #tpu.memory_space<vmem>>[vector<16xi32>], vector<16xf32>,
    %max3A_324 = arith.maximumf %max3A_317, %gather3A_323 : vector<16xf32>
    %swap3A_325 = arith.constant 0 : index
    %swap3A_326 = tpu.vector_load %arg10[%swap3A_325] {strides = array<i32>} : memref<16xf32, #tpu.memory_space<vmem>>, vector<16xf32>,
    tpu.vector_store %arg10[%swap3A_325], %max3A_324 {strides = array<i32>} : memref<16xf32, #tpu.memory_space<vmem>>, vector<16xf32>,
    %xor3A_327 = arith.constant 1 : i32
    %xor3A_328 = vector.broadcast %xor3A_327 : i32 to vector<16xi32>
    %xor3A_329 = arith.xori %iota3A_303, %xor3A_328 : vector<16xi32>
    %gather3A_330 = tpu.vector_load_idx %arg10[%xor3A_329] : memref<16xf32, #tpu.memory_space<vmem>>[vector<16xi32>], vector<16xf32>,
    %max3A_331 = arith.maximumf %max3A_324, %gather3A_330 : vector<16xf32>
    %select_n3A_332 = arith.select %eq3A_302, %max3A_331, %select_n3A_299 : vector<16xi1>, vector<16xf32>
    %eq3A_333 = arith.constant 10 : i32
    %eq3A_334 = vector.broadcast %eq3A_333 : i32 to vector<16xi32>
    %eq3A_335 = arith.cmpi eq, %iota3A, %eq3A_334 : vector<16xi32>
    %iota3A_336 = tpu.iota {dimensions = array<i32: 0>} : vector<16xi32>
    %swap3A_337 = arith.constant 0 : index
    %swap3A_338 = tpu.vector_load %arg10[%swap3A_337] {strides = array<i32>} : memref<16xf32, #tpu.memory_space<vmem>>, vector<16xf32>,
    tpu.vector_store %arg10[%swap3A_337], %scan3A_7#10 {strides = array<i32>} : memref<16xf32, #tpu.memory_space<vmem>>, vector<16xf32>,
    %xor3A_339 = arith.constant 8 : i32
    %xor3A_340 = vector.broadcast %xor3A_339 : i32 to vector<16xi32>
    %xor3A_341 = arith.xori %iota3A_336, %xor3A_340 : vector<16xi32>
    %gather3A_342 = tpu.vector_load_idx %arg10[%xor3A_341] : memref<16xf32, #tpu.memory_space<vmem>>[vector<16xi32>], vector<16xf32>,
    %max3A_343 = arith.maximumf %scan3A_7#10, %gather3A_342 : vector<16xf32>
    %swap3A_344 = arith.constant 0 : index
    %swap3A_345 = tpu.vector_load %arg10[%swap3A_344] {strides = array<i32>} : memref<16xf32, #tpu.memory_space<vmem>>, vector<16xf32>,
    tpu.vector_store %arg10[%swap3A_344], %max3A_343 {strides = array<i32>} : memref<16xf32, #tpu.memory_space<vmem>>, vector<16xf32>,
    %xor3A_346 = arith.constant 4 : i32
    %xor3A_347 = vector.broadcast %xor3A_346 : i32 to vector<16xi32>
    %xor3A_348 = arith.xori %iota3A_336, %xor3A_347 : vector<16xi32>
    %gather3A_349 = tpu.vector_load_idx %arg10[%xor3A_348] : memref<16xf32, #tpu.memory_space<vmem>>[vector<16xi32>], vector<16xf32>,
    %max3A_350 = arith.maximumf %max3A_343, %gather3A_349 : vector<16xf32>
    %swap3A_351 = arith.constant 0 : index
    %swap3A_352 = tpu.vector_load %arg10[%swap3A_351] {strides = array<i32>} : memref<16xf32, #tpu.memory_space<vmem>>, vector<16xf32>,
    tpu.vector_store %arg10[%swap3A_351], %max3A_350 {strides = array<i32>} : memref<16xf32, #tpu.memory_space<vmem>>, vector<16xf32>,
    %xor3A_353 = arith.constant 2 : i32
    %xor3A_354 = vector.broadcast %xor3A_353 : i32 to vector<16xi32>
    %xor3A_355 = arith.xori %iota3A_336, %xor3A_354 : vector<16xi32>
    %gather3A_356 = tpu.vector_load_idx %arg10[%xor3A_355] : memref<16xf32, #tpu.memory_space<vmem>>[vector<16xi32>], vector<16xf32>,
    %max3A_357 = arith.maximumf %max3A_350, %gather3A_356 : vector<16xf32>
    %swap3A_358 = arith.constant 0 : index
    %swap3A_359 = tpu.vector_load %arg10[%swap3A_358] {strides = array<i32>} : memref<16xf32, #tpu.memory_space<vmem>>, vector<16xf32>,
    tpu.vector_store %arg10[%swap3A_358], %max3A_357 {strides = array<i32>} : memref<16xf32, #tpu.memory_space<vmem>>, vector<16xf32>,
    %xor3A_360 = arith.constant 1 : i32
    %xor3A_361 = vector.broadcast %xor3A_360 : i32 to vector<16xi32>
    %xor3A_362 = arith.xori %iota3A_336, %xor3A_361 : vector<16xi32>
    %gather3A_363 = tpu.vector_load_idx %arg10[%xor3A_362] : memref<16xf32, #tpu.memory_space<vmem>>[vector<16xi32>], vector<16xf32>,
    %max3A_364 = arith.maximumf %max3A_357, %gather3A_363 : vector<16xf32>
    %select_n3A_365 = arith.select %eq3A_335, %max3A_364, %select_n3A_332 : vector<16xi1>, vector<16xf32>
    %eq3A_366 = arith.constant 11 : i32
    %eq3A_367 = vector.broadcast %eq3A_366 : i32 to vector<16xi32>
    %eq3A_368 = arith.cmpi eq, %iota3A, %eq3A_367 : vector<16xi32>
    %iota3A_369 = tpu.iota {dimensions = array<i32: 0>} : vector<16xi32>
    %swap3A_370 = arith.constant 0 : index
    %swap3A_371 = tpu.vector_load %arg10[%swap3A_370] {strides = array<i32>} : memref<16xf32, #tpu.memory_space<vmem>>, vector<16xf32>,
    tpu.vector_store %arg10[%swap3A_370], %scan3A_7#11 {strides = array<i32>} : memref<16xf32, #tpu.memory_space<vmem>>, vector<16xf32>,
    %xor3A_372 = arith.constant 8 : i32
    %xor3A_373 = vector.broadcast %xor3A_372 : i32 to vector<16xi32>
    %xor3A_374 = arith.xori %iota3A_369, %xor3A_373 : vector<16xi32>
    %gather3A_375 = tpu.vector_load_idx %arg10[%xor3A_374] : memref<16xf32, #tpu.memory_space<vmem>>[vector<16xi32>], vector<16xf32>,
    %max3A_376 = arith.maximumf %scan3A_7#11, %gather3A_375 : vector<16xf32>
    %swap3A_377 = arith.constant 0 : index
    %swap3A_378 = tpu.vector_load %arg10[%swap3A_377] {strides = array<i32>} : memref<16xf32, #tpu.memory_space<vmem>>, vector<16xf32>,
    tpu.vector_store %arg10[%swap3A_377], %max3A_376 {strides = array<i32>} : memref<16xf32, #tpu.memory_space<vmem>>, vector<16xf32>,
    %xor3A_379 = arith.constant 4 : i32
    %xor3A_380 = vector.broadcast %xor3A_379 : i32 to vector<16xi32>
    %xor3A_381 = arith.xori %iota3A_369, %xor3A_380 : vector<16xi32>
    %gather3A_382 = tpu.vector_load_idx %arg10[%xor3A_381] : memref<16xf32, #tpu.memory_space<vmem>>[vector<16xi32>], vector<16xf32>,
    %max3A_383 = arith.maximumf %max3A_376, %gather3A_382 : vector<16xf32>
    %swap3A_384 = arith.constant 0 : index
    %swap3A_385 = tpu.vector_load %arg10[%swap3A_384] {strides = array<i32>} : memref<16xf32, #tpu.memory_space<vmem>>, vector<16xf32>,
    tpu.vector_store %arg10[%swap3A_384], %max3A_383 {strides = array<i32>} : memref<16xf32, #tpu.memory_space<vmem>>, vector<16xf32>,
    %xor3A_386 = arith.constant 2 : i32
    %xor3A_387 = vector.broadcast %xor3A_386 : i32 to vector<16xi32>
    %xor3A_388 = arith.xori %iota3A_369, %xor3A_387 : vector<16xi32>
    %gather3A_389 = tpu.vector_load_idx %arg10[%xor3A_388] : memref<16xf32, #tpu.memory_space<vmem>>[vector<16xi32>], vector<16xf32>,
    %max3A_390 = arith.maximumf %max3A_383, %gather3A_389 : vector<16xf32>
    %swap3A_391 = arith.constant 0 : index
    %swap3A_392 = tpu.vector_load %arg10[%swap3A_391] {strides = array<i32>} : memref<16xf32, #tpu.memory_space<vmem>>, vector<16xf32>,
    tpu.vector_store %arg10[%swap3A_391], %max3A_390 {strides = array<i32>} : memref<16xf32, #tpu.memory_space<vmem>>, vector<16xf32>,
    %xor3A_393 = arith.constant 1 : i32
    %xor3A_394 = vector.broadcast %xor3A_393 : i32 to vector<16xi32>
    %xor3A_395 = arith.xori %iota3A_369, %xor3A_394 : vector<16xi32>
    %gather3A_396 = tpu.vector_load_idx %arg10[%xor3A_395] : memref<16xf32, #tpu.memory_space<vmem>>[vector<16xi32>], vector<16xf32>,
    %max3A_397 = arith.maximumf %max3A_390, %gather3A_396 : vector<16xf32>
    %select_n3A_398 = arith.select %eq3A_368, %max3A_397, %select_n3A_365 : vector<16xi1>, vector<16xf32>
    %eq3A_399 = arith.constant 12 : i32
    %eq3A_400 = vector.broadcast %eq3A_399 : i32 to vector<16xi32>
    %eq3A_401 = arith.cmpi eq, %iota3A, %eq3A_400 : vector<16xi32>
    %iota3A_402 = tpu.iota {dimensions = array<i32: 0>} : vector<16xi32>
    %swap3A_403 = arith.constant 0 : index
    %swap3A_404 = tpu.vector_load %arg10[%swap3A_403] {strides = array<i32>} : memref<16xf32, #tpu.memory_space<vmem>>, vector<16xf32>,
    tpu.vector_store %arg10[%swap3A_403], %scan3A_7#12 {strides = array<i32>} : memref<16xf32, #tpu.memory_space<vmem>>, vector<16xf32>,
    %xor3A_405 = arith.constant 8 : i32
    %xor3A_406 = vector.broadcast %xor3A_405 : i32 to vector<16xi32>
    %xor3A_407 = arith.xori %iota3A_402, %xor3A_406 : vector<16xi32>
    %gather3A_408 = tpu.vector_load_idx %arg10[%xor3A_407] : memref<16xf32, #tpu.memory_space<vmem>>[vector<16xi32>], vector<16xf32>,
    %max3A_409 = arith.maximumf %scan3A_7#12, %gather3A_408 : vector<16xf32>
    %swap3A_410 = arith.constant 0 : index
    %swap3A_411 = tpu.vector_load %arg10[%swap3A_410] {strides = array<i32>} : memref<16xf32, #tpu.memory_space<vmem>>, vector<16xf32>,
    tpu.vector_store %arg10[%swap3A_410], %max3A_409 {strides = array<i32>} : memref<16xf32, #tpu.memory_space<vmem>>, vector<16xf32>,
    %xor3A_412 = arith.constant 4 : i32
    %xor3A_413 = vector.broadcast %xor3A_412 : i32 to vector<16xi32>
    %xor3A_414 = arith.xori %iota3A_402, %xor3A_413 : vector<16xi32>
    %gather3A_415 = tpu.vector_load_idx %arg10[%xor3A_414] : memref<16xf32, #tpu.memory_space<vmem>>[vector<16xi32>], vector<16xf32>,
    %max3A_416 = arith.maximumf %max3A_409, %gather3A_415 : vector<16xf32>
    %swap3A_417 = arith.constant 0 : index
    %swap3A_418 = tpu.vector_load %arg10[%swap3A_417] {strides = array<i32>} : memref<16xf32, #tpu.memory_space<vmem>>, vector<16xf32>,
    tpu.vector_store %arg10[%swap3A_417], %max3A_416 {strides = array<i32>} : memref<16xf32, #tpu.memory_space<vmem>>, vector<16xf32>,
    %xor3A_419 = arith.constant 2 : i32
    %xor3A_420 = vector.broadcast %xor3A_419 : i32 to vector<16xi32>
    %xor3A_421 = arith.xori %iota3A_402, %xor3A_420 : vector<16xi32>
    %gather3A_422 = tpu.vector_load_idx %arg10[%xor3A_421] : memref<16xf32, #tpu.memory_space<vmem>>[vector<16xi32>], vector<16xf32>,
    %max3A_423 = arith.maximumf %max3A_416, %gather3A_422 : vector<16xf32>
    %swap3A_424 = arith.constant 0 : index
    %swap3A_425 = tpu.vector_load %arg10[%swap3A_424] {strides = array<i32>} : memref<16xf32, #tpu.memory_space<vmem>>, vector<16xf32>,
    tpu.vector_store %arg10[%swap3A_424], %max3A_423 {strides = array<i32>} : memref<16xf32, #tpu.memory_space<vmem>>, vector<16xf32>,
    %xor3A_426 = arith.constant 1 : i32
    %xor3A_427 = vector.broadcast %xor3A_426 : i32 to vector<16xi32>
    %xor3A_428 = arith.xori %iota3A_402, %xor3A_427 : vector<16xi32>
    %gather3A_429 = tpu.vector_load_idx %arg10[%xor3A_428] : memref<16xf32, #tpu.memory_space<vmem>>[vector<16xi32>], vector<16xf32>,
    %max3A_430 = arith.maximumf %max3A_423, %gather3A_429 : vector<16xf32>
    %select_n3A_431 = arith.select %eq3A_401, %max3A_430, %select_n3A_398 : vector<16xi1>, vector<16xf32>
    %eq3A_432 = arith.constant 13 : i32
    %eq3A_433 = vector.broadcast %eq3A_432 : i32 to vector<16xi32>
    %eq3A_434 = arith.cmpi eq, %iota3A, %eq3A_433 : vector<16xi32>
    %iota3A_435 = tpu.iota {dimensions = array<i32: 0>} : vector<16xi32>
    %swap3A_436 = arith.constant 0 : index
    %swap3A_437 = tpu.vector_load %arg10[%swap3A_436] {strides = array<i32>} : memref<16xf32, #tpu.memory_space<vmem>>, vector<16xf32>,
    tpu.vector_store %arg10[%swap3A_436], %scan3A_7#13 {strides = array<i32>} : memref<16xf32, #tpu.memory_space<vmem>>, vector<16xf32>,
    %xor3A_438 = arith.constant 8 : i32
    %xor3A_439 = vector.broadcast %xor3A_438 : i32 to vector<16xi32>
    %xor3A_440 = arith.xori %iota3A_435, %xor3A_439 : vector<16xi32>
    %gather3A_441 = tpu.vector_load_idx %arg10[%xor3A_440] : memref<16xf32, #tpu.memory_space<vmem>>[vector<16xi32>], vector<16xf32>,
    %max3A_442 = arith.maximumf %scan3A_7#13, %gather3A_441 : vector<16xf32>
    %swap3A_443 = arith.constant 0 : index
    %swap3A_444 = tpu.vector_load %arg10[%swap3A_443] {strides = array<i32>} : memref<16xf32, #tpu.memory_space<vmem>>, vector<16xf32>,
    tpu.vector_store %arg10[%swap3A_443], %max3A_442 {strides = array<i32>} : memref<16xf32, #tpu.memory_space<vmem>>, vector<16xf32>,
    %xor3A_445 = arith.constant 4 : i32
    %xor3A_446 = vector.broadcast %xor3A_445 : i32 to vector<16xi32>
    %xor3A_447 = arith.xori %iota3A_435, %xor3A_446 : vector<16xi32>
    %gather3A_448 = tpu.vector_load_idx %arg10[%xor3A_447] : memref<16xf32, #tpu.memory_space<vmem>>[vector<16xi32>], vector<16xf32>,
    %max3A_449 = arith.maximumf %max3A_442, %gather3A_448 : vector<16xf32>
    %swap3A_450 = arith.constant 0 : index
    %swap3A_451 = tpu.vector_load %arg10[%swap3A_450] {strides = array<i32>} : memref<16xf32, #tpu.memory_space<vmem>>, vector<16xf32>,
    tpu.vector_store %arg10[%swap3A_450], %max3A_449 {strides = array<i32>} : memref<16xf32, #tpu.memory_space<vmem>>, vector<16xf32>,
    %xor3A_452 = arith.constant 2 : i32
    %xor3A_453 = vector.broadcast %xor3A_452 : i32 to vector<16xi32>
    %xor3A_454 = arith.xori %iota3A_435, %xor3A_453 : vector<16xi32>
    %gather3A_455 = tpu.vector_load_idx %arg10[%xor3A_454] : memref<16xf32, #tpu.memory_space<vmem>>[vector<16xi32>], vector<16xf32>,
    %max3A_456 = arith.maximumf %max3A_449, %gather3A_455 : vector<16xf32>
    %swap3A_457 = arith.constant 0 : index
    %swap3A_458 = tpu.vector_load %arg10[%swap3A_457] {strides = array<i32>} : memref<16xf32, #tpu.memory_space<vmem>>, vector<16xf32>,
    tpu.vector_store %arg10[%swap3A_457], %max3A_456 {strides = array<i32>} : memref<16xf32, #tpu.memory_space<vmem>>, vector<16xf32>,
    %xor3A_459 = arith.constant 1 : i32
    %xor3A_460 = vector.broadcast %xor3A_459 : i32 to vector<16xi32>
    %xor3A_461 = arith.xori %iota3A_435, %xor3A_460 : vector<16xi32>
    %gather3A_462 = tpu.vector_load_idx %arg10[%xor3A_461] : memref<16xf32, #tpu.memory_space<vmem>>[vector<16xi32>], vector<16xf32>,
    %max3A_463 = arith.maximumf %max3A_456, %gather3A_462 : vector<16xf32>
    %select_n3A_464 = arith.select %eq3A_434, %max3A_463, %select_n3A_431 : vector<16xi1>, vector<16xf32>
    %eq3A_465 = arith.constant 14 : i32
    %eq3A_466 = vector.broadcast %eq3A_465 : i32 to vector<16xi32>
    %eq3A_467 = arith.cmpi eq, %iota3A, %eq3A_466 : vector<16xi32>
    %iota3A_468 = tpu.iota {dimensions = array<i32: 0>} : vector<16xi32>
    %swap3A_469 = arith.constant 0 : index
    %swap3A_470 = tpu.vector_load %arg10[%swap3A_469] {strides = array<i32>} : memref<16xf32, #tpu.memory_space<vmem>>, vector<16xf32>,
    tpu.vector_store %arg10[%swap3A_469], %scan3A_7#14 {strides = array<i32>} : memref<16xf32, #tpu.memory_space<vmem>>, vector<16xf32>,
    %xor3A_471 = arith.constant 8 : i32
    %xor3A_472 = vector.broadcast %xor3A_471 : i32 to vector<16xi32>
    %xor3A_473 = arith.xori %iota3A_468, %xor3A_472 : vector<16xi32>
    %gather3A_474 = tpu.vector_load_idx %arg10[%xor3A_473] : memref<16xf32, #tpu.memory_space<vmem>>[vector<16xi32>], vector<16xf32>,
    %max3A_475 = arith.maximumf %scan3A_7#14, %gather3A_474 : vector<16xf32>
    %swap3A_476 = arith.constant 0 : index
    %swap3A_477 = tpu.vector_load %arg10[%swap3A_476] {strides = array<i32>} : memref<16xf32, #tpu.memory_space<vmem>>, vector<16xf32>,
    tpu.vector_store %arg10[%swap3A_476], %max3A_475 {strides = array<i32>} : memref<16xf32, #tpu.memory_space<vmem>>, vector<16xf32>,
    %xor3A_478 = arith.constant 4 : i32
    %xor3A_479 = vector.broadcast %xor3A_478 : i32 to vector<16xi32>
    %xor3A_480 = arith.xori %iota3A_468, %xor3A_479 : vector<16xi32>
    %gather3A_481 = tpu.vector_load_idx %arg10[%xor3A_480] : memref<16xf32, #tpu.memory_space<vmem>>[vector<16xi32>], vector<16xf32>,
    %max3A_482 = arith.maximumf %max3A_475, %gather3A_481 : vector<16xf32>
    %swap3A_483 = arith.constant 0 : index
    %swap3A_484 = tpu.vector_load %arg10[%swap3A_483] {strides = array<i32>} : memref<16xf32, #tpu.memory_space<vmem>>, vector<16xf32>,
    tpu.vector_store %arg10[%swap3A_483], %max3A_482 {strides = array<i32>} : memref<16xf32, #tpu.memory_space<vmem>>, vector<16xf32>,
    %xor3A_485 = arith.constant 2 : i32
    %xor3A_486 = vector.broadcast %xor3A_485 : i32 to vector<16xi32>
    %xor3A_487 = arith.xori %iota3A_468, %xor3A_486 : vector<16xi32>
    %gather3A_488 = tpu.vector_load_idx %arg10[%xor3A_487] : memref<16xf32, #tpu.memory_space<vmem>>[vector<16xi32>], vector<16xf32>,
    %max3A_489 = arith.maximumf %max3A_482, %gather3A_488 : vector<16xf32>
    %swap3A_490 = arith.constant 0 : index
    %swap3A_491 = tpu.vector_load %arg10[%swap3A_490] {strides = array<i32>} : memref<16xf32, #tpu.memory_space<vmem>>, vector<16xf32>,
    tpu.vector_store %arg10[%swap3A_490], %max3A_489 {strides = array<i32>} : memref<16xf32, #tpu.memory_space<vmem>>, vector<16xf32>,
    %xor3A_492 = arith.constant 1 : i32
    %xor3A_493 = vector.broadcast %xor3A_492 : i32 to vector<16xi32>
    %xor3A_494 = arith.xori %iota3A_468, %xor3A_493 : vector<16xi32>
    %gather3A_495 = tpu.vector_load_idx %arg10[%xor3A_494] : memref<16xf32, #tpu.memory_space<vmem>>[vector<16xi32>], vector<16xf32>,
    %max3A_496 = arith.maximumf %max3A_489, %gather3A_495 : vector<16xf32>
    %select_n3A_497 = arith.select %eq3A_467, %max3A_496, %select_n3A_464 : vector<16xi1>, vector<16xf32>
    %eq3A_498 = arith.constant 15 : i32
    %eq3A_499 = vector.broadcast %eq3A_498 : i32 to vector<16xi32>
    %eq3A_500 = arith.cmpi eq, %iota3A, %eq3A_499 : vector<16xi32>
    %iota3A_501 = tpu.iota {dimensions = array<i32: 0>} : vector<16xi32>
    %swap3A_502 = arith.constant 0 : index
    %swap3A_503 = tpu.vector_load %arg10[%swap3A_502] {strides = array<i32>} : memref<16xf32, #tpu.memory_space<vmem>>, vector<16xf32>,
    tpu.vector_store %arg10[%swap3A_502], %scan3A_7#15 {strides = array<i32>} : memref<16xf32, #tpu.memory_space<vmem>>, vector<16xf32>,
    %xor3A_504 = arith.constant 8 : i32
    %xor3A_505 = vector.broadcast %xor3A_504 : i32 to vector<16xi32>
    %xor3A_506 = arith.xori %iota3A_501, %xor3A_505 : vector<16xi32>
    %gather3A_507 = tpu.vector_load_idx %arg10[%xor3A_506] : memref<16xf32, #tpu.memory_space<vmem>>[vector<16xi32>], vector<16xf32>,
    %max3A_508 = arith.maximumf %scan3A_7#15, %gather3A_507 : vector<16xf32>
    %swap3A_509 = arith.constant 0 : index
    %swap3A_510 = tpu.vector_load %arg10[%swap3A_509] {strides = array<i32>} : memref<16xf32, #tpu.memory_space<vmem>>, vector<16xf32>,
    tpu.vector_store %arg10[%swap3A_509], %max3A_508 {strides = array<i32>} : memref<16xf32, #tpu.memory_space<vmem>>, vector<16xf32>,
    %xor3A_511 = arith.constant 4 : i32
    %xor3A_512 = vector.broadcast %xor3A_511 : i32 to vector<16xi32>
    %xor3A_513 = arith.xori %iota3A_501, %xor3A_512 : vector<16xi32>
    %gather3A_514 = tpu.vector_load_idx %arg10[%xor3A_513] : memref<16xf32, #tpu.memory_space<vmem>>[vector<16xi32>], vector<16xf32>,
    %max3A_515 = arith.maximumf %max3A_508, %gather3A_514 : vector<16xf32>
    %swap3A_516 = arith.constant 0 : index
    %swap3A_517 = tpu.vector_load %arg10[%swap3A_516] {strides = array<i32>} : memref<16xf32, #tpu.memory_space<vmem>>, vector<16xf32>,
    tpu.vector_store %arg10[%swap3A_516], %max3A_515 {strides = array<i32>} : memref<16xf32, #tpu.memory_space<vmem>>, vector<16xf32>,
    %xor3A_518 = arith.constant 2 : i32
    %xor3A_519 = vector.broadcast %xor3A_518 : i32 to vector<16xi32>
    %xor3A_520 = arith.xori %iota3A_501, %xor3A_519 : vector<16xi32>
    %gather3A_521 = tpu.vector_load_idx %arg10[%xor3A_520] : memref<16xf32, #tpu.memory_space<vmem>>[vector<16xi32>], vector<16xf32>,
    %max3A_522 = arith.maximumf %max3A_515, %gather3A_521 : vector<16xf32>
    %swap3A_523 = arith.constant 0 : index
    %swap3A_524 = tpu.vector_load %arg10[%swap3A_523] {strides = array<i32>} : memref<16xf32, #tpu.memory_space<vmem>>, vector<16xf32>,
    tpu.vector_store %arg10[%swap3A_523], %max3A_522 {strides = array<i32>} : memref<16xf32, #tpu.memory_space<vmem>>, vector<16xf32>,
    %xor3A_525 = arith.constant 1 : i32
    %xor3A_526 = vector.broadcast %xor3A_525 : i32 to vector<16xi32>
    %xor3A_527 = arith.xori %iota3A_501, %xor3A_526 : vector<16xi32>
    %gather3A_528 = tpu.vector_load_idx %arg10[%xor3A_527] : memref<16xf32, #tpu.memory_space<vmem>>[vector<16xi32>], vector<16xf32>,
    %max3A_529 = arith.maximumf %max3A_522, %gather3A_528 : vector<16xf32>
    %select_n3A_530 = arith.select %eq3A_500, %max3A_529, %select_n3A_497 : vector<16xi1>, vector<16xf32>
    %swap3A_531 = arith.constant 0 : index
    %swap3A_532 = tpu.vector_load %arg8[%swap3A_531] {strides = array<i32>} : memref<16xf32, #tpu.memory_space<vmem>>, vector<16xf32>,
    tpu.vector_store %arg8[%swap3A_531], %select_n3A_530 {strides = array<i32>} : memref<16xf32, #tpu.memory_space<vmem>>, vector<16xf32>,
    %broadcast_in_dim3A_533 = arith.constant 0.000000e+00 : f32
    %broadcast_in_dim3A_534 = vector.broadcast %broadcast_in_dim3A_533 : f32 to vector<16xf32>
    %scan3A_535 = arith.constant 0 : i32
    %scan3A_536 = arith.constant 64 : i32
    %scan3A_537 = arith.addi %scan3A_535, %scan3A_536 : i32
    %scan3A_538 = arith.constant 4 : i32
    %scan3A_539:16 = scf.for %scan3A_1071 = %scan3A_535 to %scan3A_537 step %scan3A_538 iter_args(%scan3A_1072 = %broadcast_in_dim3A_534, %scan3A_1073 = %broadcast_in_dim3A_534, %scan3A_1074 = %broadcast_in_dim3A_534, %scan3A_1075 = %broadcast_in_dim3A_534, %scan3A_1076 = %broadcast_in_dim3A_534, %scan3A_1077 = %broadcast_in_dim3A_534, %scan3A_1078 = %broadcast_in_dim3A_534, %scan3A_1079 = %broadcast_in_dim3A_534, %scan3A_1080 = %broadcast_in_dim3A_534, %scan3A_1081 = %broadcast_in_dim3A_534, %scan3A_1082 = %broadcast_in_dim3A_534, %scan3A_1083 = %broadcast_in_dim3A_534, %scan3A_1084 = %broadcast_in_dim3A_534, %scan3A_1085 = %broadcast_in_dim3A_534, %scan3A_1086 = %broadcast_in_dim3A_534, %scan3A_1087 = %broadcast_in_dim3A_534) -> (vector<16xf32>, vector<16xf32>, vector<16xf32>, vector<16xf32>, vector<16xf32>, vector<16xf32>, vector<16xf32>, vector<16xf32>, vector<16xf32>, vector<16xf32>, vector<16xf32>, vector<16xf32>, vector<16xf32>, vector<16xf32>, vector<16xf32>, vector<16xf32>)  : i32 {
      %mul3A_1088 = arith.constant 16 : i32
      %mul3A_1089 = arith.muli %scan3A_1071, %mul3A_1088 : i32
      %get3A = arith.index_cast %mul3A_1089 : i32 to index
      %get3A_1090 = tpu.vector_load %arg6[%get3A] {strides = array<i32>} : memref<1024xf32, #tpu.memory_space<vmem>>, vector<16xf32>,
      %mul3A_1091 = arith.constant 16 : i32
      %mul3A_1092 = arith.muli %scan3A_1071, %mul3A_1091 : i32
      %get3A_1093 = arith.index_cast %mul3A_1092 : i32 to index
      %get3A_1094 = tpu.vector_load %arg7[%get3A_1093] {strides = array<i32>} : memref<1024xi32, #tpu.memory_space<vmem>>, vector<16xi32>,
      %gather3A_1095 = tpu.vector_load_idx %arg8[%get3A_1094] : memref<16xf32, #tpu.memory_space<vmem>>[vector<16xi32>], vector<16xf32>,
      %sub3A = arith.subf %get3A_1090, %gather3A_1095 : vector<16xf32>
      %exp3A = math.exp %sub3A : vector<16xf32>
      %eq3A_1096 = arith.constant 0 : i32
      %eq3A_1097 = vector.broadcast %eq3A_1096 : i32 to vector<16xi32>
      %eq3A_1098 = arith.cmpi eq, %get3A_1094, %eq3A_1097 : vector<16xi32>
      %jit3A = arith.constant 0.000000e+00 : f32
      %broadcast_in_dim3A_1099 = vector.broadcast %jit3A : f32 to vector<16xf32>
      %select_n3A_1100 = arith.select %eq3A_1098, %exp3A, %broadcast_in_dim3A_1099 : vector<16xi1>, vector<16xf32>
      %add3A_1101 = arith.addf %scan3A_1072, %select_n3A_1100 : vector<16xf32>
      %eq3A_1102 = arith.constant 1 : i32
      %eq3A_1103 = vector.broadcast %eq3A_1102 : i32 to vector<16xi32>
      %eq3A_1104 = arith.cmpi eq, %get3A_1094, %eq3A_1103 : vector<16xi32>
      %jit3A_1105 = arith.constant 0.000000e+00 : f32
      %broadcast_in_dim3A_1106 = vector.broadcast %jit3A_1105 : f32 to vector<16xf32>
      %select_n3A_1107 = arith.select %eq3A_1104, %exp3A, %broadcast_in_dim3A_1106 : vector<16xi1>, vector<16xf32>
      %add3A_1108 = arith.addf %scan3A_1073, %select_n3A_1107 : vector<16xf32>
      %eq3A_1109 = arith.constant 2 : i32
      %eq3A_1110 = vector.broadcast %eq3A_1109 : i32 to vector<16xi32>
      %eq3A_1111 = arith.cmpi eq, %get3A_1094, %eq3A_1110 : vector<16xi32>
      %jit3A_1112 = arith.constant 0.000000e+00 : f32
      %broadcast_in_dim3A_1113 = vector.broadcast %jit3A_1112 : f32 to vector<16xf32>
      %select_n3A_1114 = arith.select %eq3A_1111, %exp3A, %broadcast_in_dim3A_1113 : vector<16xi1>, vector<16xf32>
      %add3A_1115 = arith.addf %scan3A_1074, %select_n3A_1114 : vector<16xf32>
      %eq3A_1116 = arith.constant 3 : i32
      %eq3A_1117 = vector.broadcast %eq3A_1116 : i32 to vector<16xi32>
      %eq3A_1118 = arith.cmpi eq, %get3A_1094, %eq3A_1117 : vector<16xi32>
      %jit3A_1119 = arith.constant 0.000000e+00 : f32
      %broadcast_in_dim3A_1120 = vector.broadcast %jit3A_1119 : f32 to vector<16xf32>
      %select_n3A_1121 = arith.select %eq3A_1118, %exp3A, %broadcast_in_dim3A_1120 : vector<16xi1>, vector<16xf32>
      %add3A_1122 = arith.addf %scan3A_1075, %select_n3A_1121 : vector<16xf32>
      %eq3A_1123 = arith.constant 4 : i32
      %eq3A_1124 = vector.broadcast %eq3A_1123 : i32 to vector<16xi32>
      %eq3A_1125 = arith.cmpi eq, %get3A_1094, %eq3A_1124 : vector<16xi32>
      %jit3A_1126 = arith.constant 0.000000e+00 : f32
      %broadcast_in_dim3A_1127 = vector.broadcast %jit3A_1126 : f32 to vector<16xf32>
      %select_n3A_1128 = arith.select %eq3A_1125, %exp3A, %broadcast_in_dim3A_1127 : vector<16xi1>, vector<16xf32>
      %add3A_1129 = arith.addf %scan3A_1076, %select_n3A_1128 : vector<16xf32>
      %eq3A_1130 = arith.constant 5 : i32
      %eq3A_1131 = vector.broadcast %eq3A_1130 : i32 to vector<16xi32>
      %eq3A_1132 = arith.cmpi eq, %get3A_1094, %eq3A_1131 : vector<16xi32>
      %jit3A_1133 = arith.constant 0.000000e+00 : f32
      %broadcast_in_dim3A_1134 = vector.broadcast %jit3A_1133 : f32 to vector<16xf32>
      %select_n3A_1135 = arith.select %eq3A_1132, %exp3A, %broadcast_in_dim3A_1134 : vector<16xi1>, vector<16xf32>
      %add3A_1136 = arith.addf %scan3A_1077, %select_n3A_1135 : vector<16xf32>
      %eq3A_1137 = arith.constant 6 : i32
      %eq3A_1138 = vector.broadcast %eq3A_1137 : i32 to vector<16xi32>
      %eq3A_1139 = arith.cmpi eq, %get3A_1094, %eq3A_1138 : vector<16xi32>
      %jit3A_1140 = arith.constant 0.000000e+00 : f32
      %broadcast_in_dim3A_1141 = vector.broadcast %jit3A_1140 : f32 to vector<16xf32>
      %select_n3A_1142 = arith.select %eq3A_1139, %exp3A, %broadcast_in_dim3A_1141 : vector<16xi1>, vector<16xf32>
      %add3A_1143 = arith.addf %scan3A_1078, %select_n3A_1142 : vector<16xf32>
      %eq3A_1144 = arith.constant 7 : i32
      %eq3A_1145 = vector.broadcast %eq3A_1144 : i32 to vector<16xi32>
      %eq3A_1146 = arith.cmpi eq, %get3A_1094, %eq3A_1145 : vector<16xi32>
      %jit3A_1147 = arith.constant 0.000000e+00 : f32
      %broadcast_in_dim3A_1148 = vector.broadcast %jit3A_1147 : f32 to vector<16xf32>
      %select_n3A_1149 = arith.select %eq3A_1146, %exp3A, %broadcast_in_dim3A_1148 : vector<16xi1>, vector<16xf32>
      %add3A_1150 = arith.addf %scan3A_1079, %select_n3A_1149 : vector<16xf32>
      %eq3A_1151 = arith.constant 8 : i32
      %eq3A_1152 = vector.broadcast %eq3A_1151 : i32 to vector<16xi32>
      %eq3A_1153 = arith.cmpi eq, %get3A_1094, %eq3A_1152 : vector<16xi32>
      %jit3A_1154 = arith.constant 0.000000e+00 : f32
      %broadcast_in_dim3A_1155 = vector.broadcast %jit3A_1154 : f32 to vector<16xf32>
      %select_n3A_1156 = arith.select %eq3A_1153, %exp3A, %broadcast_in_dim3A_1155 : vector<16xi1>, vector<16xf32>
      %add3A_1157 = arith.addf %scan3A_1080, %select_n3A_1156 : vector<16xf32>
      %eq3A_1158 = arith.constant 9 : i32
      %eq3A_1159 = vector.broadcast %eq3A_1158 : i32 to vector<16xi32>
      %eq3A_1160 = arith.cmpi eq, %get3A_1094, %eq3A_1159 : vector<16xi32>
      %jit3A_1161 = arith.constant 0.000000e+00 : f32
      %broadcast_in_dim3A_1162 = vector.broadcast %jit3A_1161 : f32 to vector<16xf32>
      %select_n3A_1163 = arith.select %eq3A_1160, %exp3A, %broadcast_in_dim3A_1162 : vector<16xi1>, vector<16xf32>
      %add3A_1164 = arith.addf %scan3A_1081, %select_n3A_1163 : vector<16xf32>
      %eq3A_1165 = arith.constant 10 : i32
      %eq3A_1166 = vector.broadcast %eq3A_1165 : i32 to vector<16xi32>
      %eq3A_1167 = arith.cmpi eq, %get3A_1094, %eq3A_1166 : vector<16xi32>
      %jit3A_1168 = arith.constant 0.000000e+00 : f32
      %broadcast_in_dim3A_1169 = vector.broadcast %jit3A_1168 : f32 to vector<16xf32>
      %select_n3A_1170 = arith.select %eq3A_1167, %exp3A, %broadcast_in_dim3A_1169 : vector<16xi1>, vector<16xf32>
      %add3A_1171 = arith.addf %scan3A_1082, %select_n3A_1170 : vector<16xf32>
      %eq3A_1172 = arith.constant 11 : i32
      %eq3A_1173 = vector.broadcast %eq3A_1172 : i32 to vector<16xi32>
      %eq3A_1174 = arith.cmpi eq, %get3A_1094, %eq3A_1173 : vector<16xi32>
      %jit3A_1175 = arith.constant 0.000000e+00 : f32
      %broadcast_in_dim3A_1176 = vector.broadcast %jit3A_1175 : f32 to vector<16xf32>
      %select_n3A_1177 = arith.select %eq3A_1174, %exp3A, %broadcast_in_dim3A_1176 : vector<16xi1>, vector<16xf32>
      %add3A_1178 = arith.addf %scan3A_1083, %select_n3A_1177 : vector<16xf32>
      %eq3A_1179 = arith.constant 12 : i32
      %eq3A_1180 = vector.broadcast %eq3A_1179 : i32 to vector<16xi32>
      %eq3A_1181 = arith.cmpi eq, %get3A_1094, %eq3A_1180 : vector<16xi32>
      %jit3A_1182 = arith.constant 0.000000e+00 : f32
      %broadcast_in_dim3A_1183 = vector.broadcast %jit3A_1182 : f32 to vector<16xf32>
      %select_n3A_1184 = arith.select %eq3A_1181, %exp3A, %broadcast_in_dim3A_1183 : vector<16xi1>, vector<16xf32>
      %add3A_1185 = arith.addf %scan3A_1084, %select_n3A_1184 : vector<16xf32>
      %eq3A_1186 = arith.constant 13 : i32
      %eq3A_1187 = vector.broadcast %eq3A_1186 : i32 to vector<16xi32>
      %eq3A_1188 = arith.cmpi eq, %get3A_1094, %eq3A_1187 : vector<16xi32>
      %jit3A_1189 = arith.constant 0.000000e+00 : f32
      %broadcast_in_dim3A_1190 = vector.broadcast %jit3A_1189 : f32 to vector<16xf32>
      %select_n3A_1191 = arith.select %eq3A_1188, %exp3A, %broadcast_in_dim3A_1190 : vector<16xi1>, vector<16xf32>
      %add3A_1192 = arith.addf %scan3A_1085, %select_n3A_1191 : vector<16xf32>
      %eq3A_1193 = arith.constant 14 : i32
      %eq3A_1194 = vector.broadcast %eq3A_1193 : i32 to vector<16xi32>
      %eq3A_1195 = arith.cmpi eq, %get3A_1094, %eq3A_1194 : vector<16xi32>
      %jit3A_1196 = arith.constant 0.000000e+00 : f32
      %broadcast_in_dim3A_1197 = vector.broadcast %jit3A_1196 : f32 to vector<16xf32>
      %select_n3A_1198 = arith.select %eq3A_1195, %exp3A, %broadcast_in_dim3A_1197 : vector<16xi1>, vector<16xf32>
      %add3A_1199 = arith.addf %scan3A_1086, %select_n3A_1198 : vector<16xf32>
      %eq3A_1200 = arith.constant 15 : i32
      %eq3A_1201 = vector.broadcast %eq3A_1200 : i32 to vector<16xi32>
      %eq3A_1202 = arith.cmpi eq, %get3A_1094, %eq3A_1201 : vector<16xi32>
      %jit3A_1203 = arith.constant 0.000000e+00 : f32
      %broadcast_in_dim3A_1204 = vector.broadcast %jit3A_1203 : f32 to vector<16xf32>
      %select_n3A_1205 = arith.select %eq3A_1202, %exp3A, %broadcast_in_dim3A_1204 : vector<16xi1>, vector<16xf32>
      %add3A_1206 = arith.addf %scan3A_1087, %select_n3A_1205 : vector<16xf32>
      %scan3A_1207 = arith.constant 1 : i32
      %scan3A_1208 = arith.addi %scan3A_1071, %scan3A_1207 : i32
      %mul3A_1209 = arith.constant 16 : i32
      %mul3A_1210 = arith.muli %scan3A_1208, %mul3A_1209 : i32
      %get3A_1211 = arith.index_cast %mul3A_1210 : i32 to index
      %get3A_1212 = tpu.vector_load %arg6[%get3A_1211] {strides = array<i32>} : memref<1024xf32, #tpu.memory_space<vmem>>, vector<16xf32>,
      %mul3A_1213 = arith.constant 16 : i32
      %mul3A_1214 = arith.muli %scan3A_1208, %mul3A_1213 : i32
      %get3A_1215 = arith.index_cast %mul3A_1214 : i32 to index
      %get3A_1216 = tpu.vector_load %arg7[%get3A_1215] {strides = array<i32>} : memref<1024xi32, #tpu.memory_space<vmem>>, vector<16xi32>,
      %gather3A_1217 = tpu.vector_load_idx %arg8[%get3A_1216] : memref<16xf32, #tpu.memory_space<vmem>>[vector<16xi32>], vector<16xf32>,
      %sub3A_1218 = arith.subf %get3A_1212, %gather3A_1217 : vector<16xf32>
      %exp3A_1219 = math.exp %sub3A_1218 : vector<16xf32>
      %eq3A_1220 = arith.constant 0 : i32
      %eq3A_1221 = vector.broadcast %eq3A_1220 : i32 to vector<16xi32>
      %eq3A_1222 = arith.cmpi eq, %get3A_1216, %eq3A_1221 : vector<16xi32>
      %jit3A_1223 = arith.constant 0.000000e+00 : f32
      %broadcast_in_dim3A_1224 = vector.broadcast %jit3A_1223 : f32 to vector<16xf32>
      %select_n3A_1225 = arith.select %eq3A_1222, %exp3A_1219, %broadcast_in_dim3A_1224 : vector<16xi1>, vector<16xf32>
      %add3A_1226 = arith.addf %add3A_1101, %select_n3A_1225 : vector<16xf32>
      %eq3A_1227 = arith.constant 1 : i32
      %eq3A_1228 = vector.broadcast %eq3A_1227 : i32 to vector<16xi32>
      %eq3A_1229 = arith.cmpi eq, %get3A_1216, %eq3A_1228 : vector<16xi32>
      %jit3A_1230 = arith.constant 0.000000e+00 : f32
      %broadcast_in_dim3A_1231 = vector.broadcast %jit3A_1230 : f32 to vector<16xf32>
      %select_n3A_1232 = arith.select %eq3A_1229, %exp3A_1219, %broadcast_in_dim3A_1231 : vector<16xi1>, vector<16xf32>
      %add3A_1233 = arith.addf %add3A_1108, %select_n3A_1232 : vector<16xf32>
      %eq3A_1234 = arith.constant 2 : i32
      %eq3A_1235 = vector.broadcast %eq3A_1234 : i32 to vector<16xi32>
      %eq3A_1236 = arith.cmpi eq, %get3A_1216, %eq3A_1235 : vector<16xi32>
      %jit3A_1237 = arith.constant 0.000000e+00 : f32
      %broadcast_in_dim3A_1238 = vector.broadcast %jit3A_1237 : f32 to vector<16xf32>
      %select_n3A_1239 = arith.select %eq3A_1236, %exp3A_1219, %broadcast_in_dim3A_1238 : vector<16xi1>, vector<16xf32>
      %add3A_1240 = arith.addf %add3A_1115, %select_n3A_1239 : vector<16xf32>
      %eq3A_1241 = arith.constant 3 : i32
      %eq3A_1242 = vector.broadcast %eq3A_1241 : i32 to vector<16xi32>
      %eq3A_1243 = arith.cmpi eq, %get3A_1216, %eq3A_1242 : vector<16xi32>
      %jit3A_1244 = arith.constant 0.000000e+00 : f32
      %broadcast_in_dim3A_1245 = vector.broadcast %jit3A_1244 : f32 to vector<16xf32>
      %select_n3A_1246 = arith.select %eq3A_1243, %exp3A_1219, %broadcast_in_dim3A_1245 : vector<16xi1>, vector<16xf32>
      %add3A_1247 = arith.addf %add3A_1122, %select_n3A_1246 : vector<16xf32>
      %eq3A_1248 = arith.constant 4 : i32
      %eq3A_1249 = vector.broadcast %eq3A_1248 : i32 to vector<16xi32>
      %eq3A_1250 = arith.cmpi eq, %get3A_1216, %eq3A_1249 : vector<16xi32>
      %jit3A_1251 = arith.constant 0.000000e+00 : f32
      %broadcast_in_dim3A_1252 = vector.broadcast %jit3A_1251 : f32 to vector<16xf32>
      %select_n3A_1253 = arith.select %eq3A_1250, %exp3A_1219, %broadcast_in_dim3A_1252 : vector<16xi1>, vector<16xf32>
      %add3A_1254 = arith.addf %add3A_1129, %select_n3A_1253 : vector<16xf32>
      %eq3A_1255 = arith.constant 5 : i32
      %eq3A_1256 = vector.broadcast %eq3A_1255 : i32 to vector<16xi32>
      %eq3A_1257 = arith.cmpi eq, %get3A_1216, %eq3A_1256 : vector<16xi32>
      %jit3A_1258 = arith.constant 0.000000e+00 : f32
      %broadcast_in_dim3A_1259 = vector.broadcast %jit3A_1258 : f32 to vector<16xf32>
      %select_n3A_1260 = arith.select %eq3A_1257, %exp3A_1219, %broadcast_in_dim3A_1259 : vector<16xi1>, vector<16xf32>
      %add3A_1261 = arith.addf %add3A_1136, %select_n3A_1260 : vector<16xf32>
      %eq3A_1262 = arith.constant 6 : i32
      %eq3A_1263 = vector.broadcast %eq3A_1262 : i32 to vector<16xi32>
      %eq3A_1264 = arith.cmpi eq, %get3A_1216, %eq3A_1263 : vector<16xi32>
      %jit3A_1265 = arith.constant 0.000000e+00 : f32
      %broadcast_in_dim3A_1266 = vector.broadcast %jit3A_1265 : f32 to vector<16xf32>
      %select_n3A_1267 = arith.select %eq3A_1264, %exp3A_1219, %broadcast_in_dim3A_1266 : vector<16xi1>, vector<16xf32>
      %add3A_1268 = arith.addf %add3A_1143, %select_n3A_1267 : vector<16xf32>
      %eq3A_1269 = arith.constant 7 : i32
      %eq3A_1270 = vector.broadcast %eq3A_1269 : i32 to vector<16xi32>
      %eq3A_1271 = arith.cmpi eq, %get3A_1216, %eq3A_1270 : vector<16xi32>
      %jit3A_1272 = arith.constant 0.000000e+00 : f32
      %broadcast_in_dim3A_1273 = vector.broadcast %jit3A_1272 : f32 to vector<16xf32>
      %select_n3A_1274 = arith.select %eq3A_1271, %exp3A_1219, %broadcast_in_dim3A_1273 : vector<16xi1>, vector<16xf32>
      %add3A_1275 = arith.addf %add3A_1150, %select_n3A_1274 : vector<16xf32>
      %eq3A_1276 = arith.constant 8 : i32
      %eq3A_1277 = vector.broadcast %eq3A_1276 : i32 to vector<16xi32>
      %eq3A_1278 = arith.cmpi eq, %get3A_1216, %eq3A_1277 : vector<16xi32>
      %jit3A_1279 = arith.constant 0.000000e+00 : f32
      %broadcast_in_dim3A_1280 = vector.broadcast %jit3A_1279 : f32 to vector<16xf32>
      %select_n3A_1281 = arith.select %eq3A_1278, %exp3A_1219, %broadcast_in_dim3A_1280 : vector<16xi1>, vector<16xf32>
      %add3A_1282 = arith.addf %add3A_1157, %select_n3A_1281 : vector<16xf32>
      %eq3A_1283 = arith.constant 9 : i32
      %eq3A_1284 = vector.broadcast %eq3A_1283 : i32 to vector<16xi32>
      %eq3A_1285 = arith.cmpi eq, %get3A_1216, %eq3A_1284 : vector<16xi32>
      %jit3A_1286 = arith.constant 0.000000e+00 : f32
      %broadcast_in_dim3A_1287 = vector.broadcast %jit3A_1286 : f32 to vector<16xf32>
      %select_n3A_1288 = arith.select %eq3A_1285, %exp3A_1219, %broadcast_in_dim3A_1287 : vector<16xi1>, vector<16xf32>
      %add3A_1289 = arith.addf %add3A_1164, %select_n3A_1288 : vector<16xf32>
      %eq3A_1290 = arith.constant 10 : i32
      %eq3A_1291 = vector.broadcast %eq3A_1290 : i32 to vector<16xi32>
      %eq3A_1292 = arith.cmpi eq, %get3A_1216, %eq3A_1291 : vector<16xi32>
      %jit3A_1293 = arith.constant 0.000000e+00 : f32
      %broadcast_in_dim3A_1294 = vector.broadcast %jit3A_1293 : f32 to vector<16xf32>
      %select_n3A_1295 = arith.select %eq3A_1292, %exp3A_1219, %broadcast_in_dim3A_1294 : vector<16xi1>, vector<16xf32>
      %add3A_1296 = arith.addf %add3A_1171, %select_n3A_1295 : vector<16xf32>
      %eq3A_1297 = arith.constant 11 : i32
      %eq3A_1298 = vector.broadcast %eq3A_1297 : i32 to vector<16xi32>
      %eq3A_1299 = arith.cmpi eq, %get3A_1216, %eq3A_1298 : vector<16xi32>
      %jit3A_1300 = arith.constant 0.000000e+00 : f32
      %broadcast_in_dim3A_1301 = vector.broadcast %jit3A_1300 : f32 to vector<16xf32>
      %select_n3A_1302 = arith.select %eq3A_1299, %exp3A_1219, %broadcast_in_dim3A_1301 : vector<16xi1>, vector<16xf32>
      %add3A_1303 = arith.addf %add3A_1178, %select_n3A_1302 : vector<16xf32>
      %eq3A_1304 = arith.constant 12 : i32
      %eq3A_1305 = vector.broadcast %eq3A_1304 : i32 to vector<16xi32>
      %eq3A_1306 = arith.cmpi eq, %get3A_1216, %eq3A_1305 : vector<16xi32>
      %jit3A_1307 = arith.constant 0.000000e+00 : f32
      %broadcast_in_dim3A_1308 = vector.broadcast %jit3A_1307 : f32 to vector<16xf32>
      %select_n3A_1309 = arith.select %eq3A_1306, %exp3A_1219, %broadcast_in_dim3A_1308 : vector<16xi1>, vector<16xf32>
      %add3A_1310 = arith.addf %add3A_1185, %select_n3A_1309 : vector<16xf32>
      %eq3A_1311 = arith.constant 13 : i32
      %eq3A_1312 = vector.broadcast %eq3A_1311 : i32 to vector<16xi32>
      %eq3A_1313 = arith.cmpi eq, %get3A_1216, %eq3A_1312 : vector<16xi32>
      %jit3A_1314 = arith.constant 0.000000e+00 : f32
      %broadcast_in_dim3A_1315 = vector.broadcast %jit3A_1314 : f32 to vector<16xf32>
      %select_n3A_1316 = arith.select %eq3A_1313, %exp3A_1219, %broadcast_in_dim3A_1315 : vector<16xi1>, vector<16xf32>
      %add3A_1317 = arith.addf %add3A_1192, %select_n3A_1316 : vector<16xf32>
      %eq3A_1318 = arith.constant 14 : i32
      %eq3A_1319 = vector.broadcast %eq3A_1318 : i32 to vector<16xi32>
      %eq3A_1320 = arith.cmpi eq, %get3A_1216, %eq3A_1319 : vector<16xi32>
      %jit3A_1321 = arith.constant 0.000000e+00 : f32
      %broadcast_in_dim3A_1322 = vector.broadcast %jit3A_1321 : f32 to vector<16xf32>
      %select_n3A_1323 = arith.select %eq3A_1320, %exp3A_1219, %broadcast_in_dim3A_1322 : vector<16xi1>, vector<16xf32>
      %add3A_1324 = arith.addf %add3A_1199, %select_n3A_1323 : vector<16xf32>
      %eq3A_1325 = arith.constant 15 : i32
      %eq3A_1326 = vector.broadcast %eq3A_1325 : i32 to vector<16xi32>
      %eq3A_1327 = arith.cmpi eq, %get3A_1216, %eq3A_1326 : vector<16xi32>
      %jit3A_1328 = arith.constant 0.000000e+00 : f32
      %broadcast_in_dim3A_1329 = vector.broadcast %jit3A_1328 : f32 to vector<16xf32>
      %select_n3A_1330 = arith.select %eq3A_1327, %exp3A_1219, %broadcast_in_dim3A_1329 : vector<16xi1>, vector<16xf32>
      %add3A_1331 = arith.addf %add3A_1206, %select_n3A_1330 : vector<16xf32>
      %scan3A_1332 = arith.constant 2 : i32
      %scan3A_1333 = arith.addi %scan3A_1071, %scan3A_1332 : i32
      %mul3A_1334 = arith.constant 16 : i32
      %mul3A_1335 = arith.muli %scan3A_1333, %mul3A_1334 : i32
      %get3A_1336 = arith.index_cast %mul3A_1335 : i32 to index
      %get3A_1337 = tpu.vector_load %arg6[%get3A_1336] {strides = array<i32>} : memref<1024xf32, #tpu.memory_space<vmem>>, vector<16xf32>,
      %mul3A_1338 = arith.constant 16 : i32
      %mul3A_1339 = arith.muli %scan3A_1333, %mul3A_1338 : i32
      %get3A_1340 = arith.index_cast %mul3A_1339 : i32 to index
      %get3A_1341 = tpu.vector_load %arg7[%get3A_1340] {strides = array<i32>} : memref<1024xi32, #tpu.memory_space<vmem>>, vector<16xi32>,
      %gather3A_1342 = tpu.vector_load_idx %arg8[%get3A_1341] : memref<16xf32, #tpu.memory_space<vmem>>[vector<16xi32>], vector<16xf32>,
      %sub3A_1343 = arith.subf %get3A_1337, %gather3A_1342 : vector<16xf32>
      %exp3A_1344 = math.exp %sub3A_1343 : vector<16xf32>
      %eq3A_1345 = arith.constant 0 : i32
      %eq3A_1346 = vector.broadcast %eq3A_1345 : i32 to vector<16xi32>
      %eq3A_1347 = arith.cmpi eq, %get3A_1341, %eq3A_1346 : vector<16xi32>
      %jit3A_1348 = arith.constant 0.000000e+00 : f32
      %broadcast_in_dim3A_1349 = vector.broadcast %jit3A_1348 : f32 to vector<16xf32>
      %select_n3A_1350 = arith.select %eq3A_1347, %exp3A_1344, %broadcast_in_dim3A_1349 : vector<16xi1>, vector<16xf32>
      %add3A_1351 = arith.addf %add3A_1226, %select_n3A_1350 : vector<16xf32>
      %eq3A_1352 = arith.constant 1 : i32
      %eq3A_1353 = vector.broadcast %eq3A_1352 : i32 to vector<16xi32>
      %eq3A_1354 = arith.cmpi eq, %get3A_1341, %eq3A_1353 : vector<16xi32>
      %jit3A_1355 = arith.constant 0.000000e+00 : f32
      %broadcast_in_dim3A_1356 = vector.broadcast %jit3A_1355 : f32 to vector<16xf32>
      %select_n3A_1357 = arith.select %eq3A_1354, %exp3A_1344, %broadcast_in_dim3A_1356 : vector<16xi1>, vector<16xf32>
      %add3A_1358 = arith.addf %add3A_1233, %select_n3A_1357 : vector<16xf32>
      %eq3A_1359 = arith.constant 2 : i32
      %eq3A_1360 = vector.broadcast %eq3A_1359 : i32 to vector<16xi32>
      %eq3A_1361 = arith.cmpi eq, %get3A_1341, %eq3A_1360 : vector<16xi32>
      %jit3A_1362 = arith.constant 0.000000e+00 : f32
      %broadcast_in_dim3A_1363 = vector.broadcast %jit3A_1362 : f32 to vector<16xf32>
      %select_n3A_1364 = arith.select %eq3A_1361, %exp3A_1344, %broadcast_in_dim3A_1363 : vector<16xi1>, vector<16xf32>
      %add3A_1365 = arith.addf %add3A_1240, %select_n3A_1364 : vector<16xf32>
      %eq3A_1366 = arith.constant 3 : i32
      %eq3A_1367 = vector.broadcast %eq3A_1366 : i32 to vector<16xi32>
      %eq3A_1368 = arith.cmpi eq, %get3A_1341, %eq3A_1367 : vector<16xi32>
      %jit3A_1369 = arith.constant 0.000000e+00 : f32
      %broadcast_in_dim3A_1370 = vector.broadcast %jit3A_1369 : f32 to vector<16xf32>
      %select_n3A_1371 = arith.select %eq3A_1368, %exp3A_1344, %broadcast_in_dim3A_1370 : vector<16xi1>, vector<16xf32>
      %add3A_1372 = arith.addf %add3A_1247, %select_n3A_1371 : vector<16xf32>
      %eq3A_1373 = arith.constant 4 : i32
      %eq3A_1374 = vector.broadcast %eq3A_1373 : i32 to vector<16xi32>
      %eq3A_1375 = arith.cmpi eq, %get3A_1341, %eq3A_1374 : vector<16xi32>
      %jit3A_1376 = arith.constant 0.000000e+00 : f32
      %broadcast_in_dim3A_1377 = vector.broadcast %jit3A_1376 : f32 to vector<16xf32>
      %select_n3A_1378 = arith.select %eq3A_1375, %exp3A_1344, %broadcast_in_dim3A_1377 : vector<16xi1>, vector<16xf32>
      %add3A_1379 = arith.addf %add3A_1254, %select_n3A_1378 : vector<16xf32>
      %eq3A_1380 = arith.constant 5 : i32
      %eq3A_1381 = vector.broadcast %eq3A_1380 : i32 to vector<16xi32>
      %eq3A_1382 = arith.cmpi eq, %get3A_1341, %eq3A_1381 : vector<16xi32>
      %jit3A_1383 = arith.constant 0.000000e+00 : f32
      %broadcast_in_dim3A_1384 = vector.broadcast %jit3A_1383 : f32 to vector<16xf32>
      %select_n3A_1385 = arith.select %eq3A_1382, %exp3A_1344, %broadcast_in_dim3A_1384 : vector<16xi1>, vector<16xf32>
      %add3A_1386 = arith.addf %add3A_1261, %select_n3A_1385 : vector<16xf32>
      %eq3A_1387 = arith.constant 6 : i32
      %eq3A_1388 = vector.broadcast %eq3A_1387 : i32 to vector<16xi32>
      %eq3A_1389 = arith.cmpi eq, %get3A_1341, %eq3A_1388 : vector<16xi32>
      %jit3A_1390 = arith.constant 0.000000e+00 : f32
      %broadcast_in_dim3A_1391 = vector.broadcast %jit3A_1390 : f32 to vector<16xf32>
      %select_n3A_1392 = arith.select %eq3A_1389, %exp3A_1344, %broadcast_in_dim3A_1391 : vector<16xi1>, vector<16xf32>
      %add3A_1393 = arith.addf %add3A_1268, %select_n3A_1392 : vector<16xf32>
      %eq3A_1394 = arith.constant 7 : i32
      %eq3A_1395 = vector.broadcast %eq3A_1394 : i32 to vector<16xi32>
      %eq3A_1396 = arith.cmpi eq, %get3A_1341, %eq3A_1395 : vector<16xi32>
      %jit3A_1397 = arith.constant 0.000000e+00 : f32
      %broadcast_in_dim3A_1398 = vector.broadcast %jit3A_1397 : f32 to vector<16xf32>
      %select_n3A_1399 = arith.select %eq3A_1396, %exp3A_1344, %broadcast_in_dim3A_1398 : vector<16xi1>, vector<16xf32>
      %add3A_1400 = arith.addf %add3A_1275, %select_n3A_1399 : vector<16xf32>
      %eq3A_1401 = arith.constant 8 : i32
      %eq3A_1402 = vector.broadcast %eq3A_1401 : i32 to vector<16xi32>
      %eq3A_1403 = arith.cmpi eq, %get3A_1341, %eq3A_1402 : vector<16xi32>
      %jit3A_1404 = arith.constant 0.000000e+00 : f32
      %broadcast_in_dim3A_1405 = vector.broadcast %jit3A_1404 : f32 to vector<16xf32>
      %select_n3A_1406 = arith.select %eq3A_1403, %exp3A_1344, %broadcast_in_dim3A_1405 : vector<16xi1>, vector<16xf32>
      %add3A_1407 = arith.addf %add3A_1282, %select_n3A_1406 : vector<16xf32>
      %eq3A_1408 = arith.constant 9 : i32
      %eq3A_1409 = vector.broadcast %eq3A_1408 : i32 to vector<16xi32>
      %eq3A_1410 = arith.cmpi eq, %get3A_1341, %eq3A_1409 : vector<16xi32>
      %jit3A_1411 = arith.constant 0.000000e+00 : f32
      %broadcast_in_dim3A_1412 = vector.broadcast %jit3A_1411 : f32 to vector<16xf32>
      %select_n3A_1413 = arith.select %eq3A_1410, %exp3A_1344, %broadcast_in_dim3A_1412 : vector<16xi1>, vector<16xf32>
      %add3A_1414 = arith.addf %add3A_1289, %select_n3A_1413 : vector<16xf32>
      %eq3A_1415 = arith.constant 10 : i32
      %eq3A_1416 = vector.broadcast %eq3A_1415 : i32 to vector<16xi32>
      %eq3A_1417 = arith.cmpi eq, %get3A_1341, %eq3A_1416 : vector<16xi32>
      %jit3A_1418 = arith.constant 0.000000e+00 : f32
      %broadcast_in_dim3A_1419 = vector.broadcast %jit3A_1418 : f32 to vector<16xf32>
      %select_n3A_1420 = arith.select %eq3A_1417, %exp3A_1344, %broadcast_in_dim3A_1419 : vector<16xi1>, vector<16xf32>
      %add3A_1421 = arith.addf %add3A_1296, %select_n3A_1420 : vector<16xf32>
      %eq3A_1422 = arith.constant 11 : i32
      %eq3A_1423 = vector.broadcast %eq3A_1422 : i32 to vector<16xi32>
      %eq3A_1424 = arith.cmpi eq, %get3A_1341, %eq3A_1423 : vector<16xi32>
      %jit3A_1425 = arith.constant 0.000000e+00 : f32
      %broadcast_in_dim3A_1426 = vector.broadcast %jit3A_1425 : f32 to vector<16xf32>
      %select_n3A_1427 = arith.select %eq3A_1424, %exp3A_1344, %broadcast_in_dim3A_1426 : vector<16xi1>, vector<16xf32>
      %add3A_1428 = arith.addf %add3A_1303, %select_n3A_1427 : vector<16xf32>
      %eq3A_1429 = arith.constant 12 : i32
      %eq3A_1430 = vector.broadcast %eq3A_1429 : i32 to vector<16xi32>
      %eq3A_1431 = arith.cmpi eq, %get3A_1341, %eq3A_1430 : vector<16xi32>
      %jit3A_1432 = arith.constant 0.000000e+00 : f32
      %broadcast_in_dim3A_1433 = vector.broadcast %jit3A_1432 : f32 to vector<16xf32>
      %select_n3A_1434 = arith.select %eq3A_1431, %exp3A_1344, %broadcast_in_dim3A_1433 : vector<16xi1>, vector<16xf32>
      %add3A_1435 = arith.addf %add3A_1310, %select_n3A_1434 : vector<16xf32>
      %eq3A_1436 = arith.constant 13 : i32
      %eq3A_1437 = vector.broadcast %eq3A_1436 : i32 to vector<16xi32>
      %eq3A_1438 = arith.cmpi eq, %get3A_1341, %eq3A_1437 : vector<16xi32>
      %jit3A_1439 = arith.constant 0.000000e+00 : f32
      %broadcast_in_dim3A_1440 = vector.broadcast %jit3A_1439 : f32 to vector<16xf32>
      %select_n3A_1441 = arith.select %eq3A_1438, %exp3A_1344, %broadcast_in_dim3A_1440 : vector<16xi1>, vector<16xf32>
      %add3A_1442 = arith.addf %add3A_1317, %select_n3A_1441 : vector<16xf32>
      %eq3A_1443 = arith.constant 14 : i32
      %eq3A_1444 = vector.broadcast %eq3A_1443 : i32 to vector<16xi32>
      %eq3A_1445 = arith.cmpi eq, %get3A_1341, %eq3A_1444 : vector<16xi32>
      %jit3A_1446 = arith.constant 0.000000e+00 : f32
      %broadcast_in_dim3A_1447 = vector.broadcast %jit3A_1446 : f32 to vector<16xf32>
      %select_n3A_1448 = arith.select %eq3A_1445, %exp3A_1344, %broadcast_in_dim3A_1447 : vector<16xi1>, vector<16xf32>
      %add3A_1449 = arith.addf %add3A_1324, %select_n3A_1448 : vector<16xf32>
      %eq3A_1450 = arith.constant 15 : i32
      %eq3A_1451 = vector.broadcast %eq3A_1450 : i32 to vector<16xi32>
      %eq3A_1452 = arith.cmpi eq, %get3A_1341, %eq3A_1451 : vector<16xi32>
      %jit3A_1453 = arith.constant 0.000000e+00 : f32
      %broadcast_in_dim3A_1454 = vector.broadcast %jit3A_1453 : f32 to vector<16xf32>
      %select_n3A_1455 = arith.select %eq3A_1452, %exp3A_1344, %broadcast_in_dim3A_1454 : vector<16xi1>, vector<16xf32>
      %add3A_1456 = arith.addf %add3A_1331, %select_n3A_1455 : vector<16xf32>
      %scan3A_1457 = arith.constant 3 : i32
      %scan3A_1458 = arith.addi %scan3A_1071, %scan3A_1457 : i32
      %mul3A_1459 = arith.constant 16 : i32
      %mul3A_1460 = arith.muli %scan3A_1458, %mul3A_1459 : i32
      %get3A_1461 = arith.index_cast %mul3A_1460 : i32 to index
      %get3A_1462 = tpu.vector_load %arg6[%get3A_1461] {strides = array<i32>} : memref<1024xf32, #tpu.memory_space<vmem>>, vector<16xf32>,
      %mul3A_1463 = arith.constant 16 : i32
      %mul3A_1464 = arith.muli %scan3A_1458, %mul3A_1463 : i32
      %get3A_1465 = arith.index_cast %mul3A_1464 : i32 to index
      %get3A_1466 = tpu.vector_load %arg7[%get3A_1465] {strides = array<i32>} : memref<1024xi32, #tpu.memory_space<vmem>>, vector<16xi32>,
      %gather3A_1467 = tpu.vector_load_idx %arg8[%get3A_1466] : memref<16xf32, #tpu.memory_space<vmem>>[vector<16xi32>], vector<16xf32>,
      %sub3A_1468 = arith.subf %get3A_1462, %gather3A_1467 : vector<16xf32>
      %exp3A_1469 = math.exp %sub3A_1468 : vector<16xf32>
      %eq3A_1470 = arith.constant 0 : i32
      %eq3A_1471 = vector.broadcast %eq3A_1470 : i32 to vector<16xi32>
      %eq3A_1472 = arith.cmpi eq, %get3A_1466, %eq3A_1471 : vector<16xi32>
      %jit3A_1473 = arith.constant 0.000000e+00 : f32
      %broadcast_in_dim3A_1474 = vector.broadcast %jit3A_1473 : f32 to vector<16xf32>
      %select_n3A_1475 = arith.select %eq3A_1472, %exp3A_1469, %broadcast_in_dim3A_1474 : vector<16xi1>, vector<16xf32>
      %add3A_1476 = arith.addf %add3A_1351, %select_n3A_1475 : vector<16xf32>
      %eq3A_1477 = arith.constant 1 : i32
      %eq3A_1478 = vector.broadcast %eq3A_1477 : i32 to vector<16xi32>
      %eq3A_1479 = arith.cmpi eq, %get3A_1466, %eq3A_1478 : vector<16xi32>
      %jit3A_1480 = arith.constant 0.000000e+00 : f32
      %broadcast_in_dim3A_1481 = vector.broadcast %jit3A_1480 : f32 to vector<16xf32>
      %select_n3A_1482 = arith.select %eq3A_1479, %exp3A_1469, %broadcast_in_dim3A_1481 : vector<16xi1>, vector<16xf32>
      %add3A_1483 = arith.addf %add3A_1358, %select_n3A_1482 : vector<16xf32>
      %eq3A_1484 = arith.constant 2 : i32
      %eq3A_1485 = vector.broadcast %eq3A_1484 : i32 to vector<16xi32>
      %eq3A_1486 = arith.cmpi eq, %get3A_1466, %eq3A_1485 : vector<16xi32>
      %jit3A_1487 = arith.constant 0.000000e+00 : f32
      %broadcast_in_dim3A_1488 = vector.broadcast %jit3A_1487 : f32 to vector<16xf32>
      %select_n3A_1489 = arith.select %eq3A_1486, %exp3A_1469, %broadcast_in_dim3A_1488 : vector<16xi1>, vector<16xf32>
      %add3A_1490 = arith.addf %add3A_1365, %select_n3A_1489 : vector<16xf32>
      %eq3A_1491 = arith.constant 3 : i32
      %eq3A_1492 = vector.broadcast %eq3A_1491 : i32 to vector<16xi32>
      %eq3A_1493 = arith.cmpi eq, %get3A_1466, %eq3A_1492 : vector<16xi32>
      %jit3A_1494 = arith.constant 0.000000e+00 : f32
      %broadcast_in_dim3A_1495 = vector.broadcast %jit3A_1494 : f32 to vector<16xf32>
      %select_n3A_1496 = arith.select %eq3A_1493, %exp3A_1469, %broadcast_in_dim3A_1495 : vector<16xi1>, vector<16xf32>
      %add3A_1497 = arith.addf %add3A_1372, %select_n3A_1496 : vector<16xf32>
      %eq3A_1498 = arith.constant 4 : i32
      %eq3A_1499 = vector.broadcast %eq3A_1498 : i32 to vector<16xi32>
      %eq3A_1500 = arith.cmpi eq, %get3A_1466, %eq3A_1499 : vector<16xi32>
      %jit3A_1501 = arith.constant 0.000000e+00 : f32
      %broadcast_in_dim3A_1502 = vector.broadcast %jit3A_1501 : f32 to vector<16xf32>
      %select_n3A_1503 = arith.select %eq3A_1500, %exp3A_1469, %broadcast_in_dim3A_1502 : vector<16xi1>, vector<16xf32>
      %add3A_1504 = arith.addf %add3A_1379, %select_n3A_1503 : vector<16xf32>
      %eq3A_1505 = arith.constant 5 : i32
      %eq3A_1506 = vector.broadcast %eq3A_1505 : i32 to vector<16xi32>
      %eq3A_1507 = arith.cmpi eq, %get3A_1466, %eq3A_1506 : vector<16xi32>
      %jit3A_1508 = arith.constant 0.000000e+00 : f32
      %broadcast_in_dim3A_1509 = vector.broadcast %jit3A_1508 : f32 to vector<16xf32>
      %select_n3A_1510 = arith.select %eq3A_1507, %exp3A_1469, %broadcast_in_dim3A_1509 : vector<16xi1>, vector<16xf32>
      %add3A_1511 = arith.addf %add3A_1386, %select_n3A_1510 : vector<16xf32>
      %eq3A_1512 = arith.constant 6 : i32
      %eq3A_1513 = vector.broadcast %eq3A_1512 : i32 to vector<16xi32>
      %eq3A_1514 = arith.cmpi eq, %get3A_1466, %eq3A_1513 : vector<16xi32>
      %jit3A_1515 = arith.constant 0.000000e+00 : f32
      %broadcast_in_dim3A_1516 = vector.broadcast %jit3A_1515 : f32 to vector<16xf32>
      %select_n3A_1517 = arith.select %eq3A_1514, %exp3A_1469, %broadcast_in_dim3A_1516 : vector<16xi1>, vector<16xf32>
      %add3A_1518 = arith.addf %add3A_1393, %select_n3A_1517 : vector<16xf32>
      %eq3A_1519 = arith.constant 7 : i32
      %eq3A_1520 = vector.broadcast %eq3A_1519 : i32 to vector<16xi32>
      %eq3A_1521 = arith.cmpi eq, %get3A_1466, %eq3A_1520 : vector<16xi32>
      %jit3A_1522 = arith.constant 0.000000e+00 : f32
      %broadcast_in_dim3A_1523 = vector.broadcast %jit3A_1522 : f32 to vector<16xf32>
      %select_n3A_1524 = arith.select %eq3A_1521, %exp3A_1469, %broadcast_in_dim3A_1523 : vector<16xi1>, vector<16xf32>
      %add3A_1525 = arith.addf %add3A_1400, %select_n3A_1524 : vector<16xf32>
      %eq3A_1526 = arith.constant 8 : i32
      %eq3A_1527 = vector.broadcast %eq3A_1526 : i32 to vector<16xi32>
      %eq3A_1528 = arith.cmpi eq, %get3A_1466, %eq3A_1527 : vector<16xi32>
      %jit3A_1529 = arith.constant 0.000000e+00 : f32
      %broadcast_in_dim3A_1530 = vector.broadcast %jit3A_1529 : f32 to vector<16xf32>
      %select_n3A_1531 = arith.select %eq3A_1528, %exp3A_1469, %broadcast_in_dim3A_1530 : vector<16xi1>, vector<16xf32>
      %add3A_1532 = arith.addf %add3A_1407, %select_n3A_1531 : vector<16xf32>
      %eq3A_1533 = arith.constant 9 : i32
      %eq3A_1534 = vector.broadcast %eq3A_1533 : i32 to vector<16xi32>
      %eq3A_1535 = arith.cmpi eq, %get3A_1466, %eq3A_1534 : vector<16xi32>
      %jit3A_1536 = arith.constant 0.000000e+00 : f32
      %broadcast_in_dim3A_1537 = vector.broadcast %jit3A_1536 : f32 to vector<16xf32>
      %select_n3A_1538 = arith.select %eq3A_1535, %exp3A_1469, %broadcast_in_dim3A_1537 : vector<16xi1>, vector<16xf32>
      %add3A_1539 = arith.addf %add3A_1414, %select_n3A_1538 : vector<16xf32>
      %eq3A_1540 = arith.constant 10 : i32
      %eq3A_1541 = vector.broadcast %eq3A_1540 : i32 to vector<16xi32>
      %eq3A_1542 = arith.cmpi eq, %get3A_1466, %eq3A_1541 : vector<16xi32>
      %jit3A_1543 = arith.constant 0.000000e+00 : f32
      %broadcast_in_dim3A_1544 = vector.broadcast %jit3A_1543 : f32 to vector<16xf32>
      %select_n3A_1545 = arith.select %eq3A_1542, %exp3A_1469, %broadcast_in_dim3A_1544 : vector<16xi1>, vector<16xf32>
      %add3A_1546 = arith.addf %add3A_1421, %select_n3A_1545 : vector<16xf32>
      %eq3A_1547 = arith.constant 11 : i32
      %eq3A_1548 = vector.broadcast %eq3A_1547 : i32 to vector<16xi32>
      %eq3A_1549 = arith.cmpi eq, %get3A_1466, %eq3A_1548 : vector<16xi32>
      %jit3A_1550 = arith.constant 0.000000e+00 : f32
      %broadcast_in_dim3A_1551 = vector.broadcast %jit3A_1550 : f32 to vector<16xf32>
      %select_n3A_1552 = arith.select %eq3A_1549, %exp3A_1469, %broadcast_in_dim3A_1551 : vector<16xi1>, vector<16xf32>
      %add3A_1553 = arith.addf %add3A_1428, %select_n3A_1552 : vector<16xf32>
      %eq3A_1554 = arith.constant 12 : i32
      %eq3A_1555 = vector.broadcast %eq3A_1554 : i32 to vector<16xi32>
      %eq3A_1556 = arith.cmpi eq, %get3A_1466, %eq3A_1555 : vector<16xi32>
      %jit3A_1557 = arith.constant 0.000000e+00 : f32
      %broadcast_in_dim3A_1558 = vector.broadcast %jit3A_1557 : f32 to vector<16xf32>
      %select_n3A_1559 = arith.select %eq3A_1556, %exp3A_1469, %broadcast_in_dim3A_1558 : vector<16xi1>, vector<16xf32>
      %add3A_1560 = arith.addf %add3A_1435, %select_n3A_1559 : vector<16xf32>
      %eq3A_1561 = arith.constant 13 : i32
      %eq3A_1562 = vector.broadcast %eq3A_1561 : i32 to vector<16xi32>
      %eq3A_1563 = arith.cmpi eq, %get3A_1466, %eq3A_1562 : vector<16xi32>
      %jit3A_1564 = arith.constant 0.000000e+00 : f32
      %broadcast_in_dim3A_1565 = vector.broadcast %jit3A_1564 : f32 to vector<16xf32>
      %select_n3A_1566 = arith.select %eq3A_1563, %exp3A_1469, %broadcast_in_dim3A_1565 : vector<16xi1>, vector<16xf32>
      %add3A_1567 = arith.addf %add3A_1442, %select_n3A_1566 : vector<16xf32>
      %eq3A_1568 = arith.constant 14 : i32
      %eq3A_1569 = vector.broadcast %eq3A_1568 : i32 to vector<16xi32>
      %eq3A_1570 = arith.cmpi eq, %get3A_1466, %eq3A_1569 : vector<16xi32>
      %jit3A_1571 = arith.constant 0.000000e+00 : f32
      %broadcast_in_dim3A_1572 = vector.broadcast %jit3A_1571 : f32 to vector<16xf32>
      %select_n3A_1573 = arith.select %eq3A_1570, %exp3A_1469, %broadcast_in_dim3A_1572 : vector<16xi1>, vector<16xf32>
      %add3A_1574 = arith.addf %add3A_1449, %select_n3A_1573 : vector<16xf32>
      %eq3A_1575 = arith.constant 15 : i32
      %eq3A_1576 = vector.broadcast %eq3A_1575 : i32 to vector<16xi32>
      %eq3A_1577 = arith.cmpi eq, %get3A_1466, %eq3A_1576 : vector<16xi32>
      %jit3A_1578 = arith.constant 0.000000e+00 : f32
      %broadcast_in_dim3A_1579 = vector.broadcast %jit3A_1578 : f32 to vector<16xf32>
      %select_n3A_1580 = arith.select %eq3A_1577, %exp3A_1469, %broadcast_in_dim3A_1579 : vector<16xi1>, vector<16xf32>
      %add3A_1581 = arith.addf %add3A_1456, %select_n3A_1580 : vector<16xf32>
      scf.yield %add3A_1476, %add3A_1483, %add3A_1490, %add3A_1497, %add3A_1504, %add3A_1511, %add3A_1518, %add3A_1525, %add3A_1532, %add3A_1539, %add3A_1546, %add3A_1553, %add3A_1560, %add3A_1567, %add3A_1574, %add3A_1581 : vector<16xf32>, vector<16xf32>, vector<16xf32>, vector<16xf32>, vector<16xf32>, vector<16xf32>, vector<16xf32>, vector<16xf32>, vector<16xf32>, vector<16xf32>, vector<16xf32>, vector<16xf32>, vector<16xf32>, vector<16xf32>, vector<16xf32>, vector<16xf32>
    }
    %scan3A_540 = arith.constant 64 : i32
    %eq3A_541 = arith.constant 0 : i32
    %eq3A_542 = vector.broadcast %eq3A_541 : i32 to vector<16xi32>
    %eq3A_543 = arith.cmpi eq, %iota3A, %eq3A_542 : vector<16xi32>
    %iota3A_544 = tpu.iota {dimensions = array<i32: 0>} : vector<16xi32>
    %swap3A_545 = arith.constant 0 : index
    %swap3A_546 = tpu.vector_load %arg10[%swap3A_545] {strides = array<i32>} : memref<16xf32, #tpu.memory_space<vmem>>, vector<16xf32>,
    tpu.vector_store %arg10[%swap3A_545], %scan3A_539#0 {strides = array<i32>} : memref<16xf32, #tpu.memory_space<vmem>>, vector<16xf32>,
    %xor3A_547 = arith.constant 8 : i32
    %xor3A_548 = vector.broadcast %xor3A_547 : i32 to vector<16xi32>
    %xor3A_549 = arith.xori %iota3A_544, %xor3A_548 : vector<16xi32>
    %gather3A_550 = tpu.vector_load_idx %arg10[%xor3A_549] : memref<16xf32, #tpu.memory_space<vmem>>[vector<16xi32>], vector<16xf32>,
    %add3A_551 = arith.addf %scan3A_539#0, %gather3A_550 : vector<16xf32>
    %swap3A_552 = arith.constant 0 : index
    %swap3A_553 = tpu.vector_load %arg10[%swap3A_552] {strides = array<i32>} : memref<16xf32, #tpu.memory_space<vmem>>, vector<16xf32>,
    tpu.vector_store %arg10[%swap3A_552], %add3A_551 {strides = array<i32>} : memref<16xf32, #tpu.memory_space<vmem>>, vector<16xf32>,
    %xor3A_554 = arith.constant 4 : i32
    %xor3A_555 = vector.broadcast %xor3A_554 : i32 to vector<16xi32>
    %xor3A_556 = arith.xori %iota3A_544, %xor3A_555 : vector<16xi32>
    %gather3A_557 = tpu.vector_load_idx %arg10[%xor3A_556] : memref<16xf32, #tpu.memory_space<vmem>>[vector<16xi32>], vector<16xf32>,
    %add3A_558 = arith.addf %add3A_551, %gather3A_557 : vector<16xf32>
    %swap3A_559 = arith.constant 0 : index
    %swap3A_560 = tpu.vector_load %arg10[%swap3A_559] {strides = array<i32>} : memref<16xf32, #tpu.memory_space<vmem>>, vector<16xf32>,
    tpu.vector_store %arg10[%swap3A_559], %add3A_558 {strides = array<i32>} : memref<16xf32, #tpu.memory_space<vmem>>, vector<16xf32>,
    %xor3A_561 = arith.constant 2 : i32
    %xor3A_562 = vector.broadcast %xor3A_561 : i32 to vector<16xi32>
    %xor3A_563 = arith.xori %iota3A_544, %xor3A_562 : vector<16xi32>
    %gather3A_564 = tpu.vector_load_idx %arg10[%xor3A_563] : memref<16xf32, #tpu.memory_space<vmem>>[vector<16xi32>], vector<16xf32>,
    %add3A_565 = arith.addf %add3A_558, %gather3A_564 : vector<16xf32>
    %swap3A_566 = arith.constant 0 : index
    %swap3A_567 = tpu.vector_load %arg10[%swap3A_566] {strides = array<i32>} : memref<16xf32, #tpu.memory_space<vmem>>, vector<16xf32>,
    tpu.vector_store %arg10[%swap3A_566], %add3A_565 {strides = array<i32>} : memref<16xf32, #tpu.memory_space<vmem>>, vector<16xf32>,
    %xor3A_568 = arith.constant 1 : i32
    %xor3A_569 = vector.broadcast %xor3A_568 : i32 to vector<16xi32>
    %xor3A_570 = arith.xori %iota3A_544, %xor3A_569 : vector<16xi32>
    %gather3A_571 = tpu.vector_load_idx %arg10[%xor3A_570] : memref<16xf32, #tpu.memory_space<vmem>>[vector<16xi32>], vector<16xf32>,
    %add3A_572 = arith.addf %add3A_565, %gather3A_571 : vector<16xf32>
    %select_n3A_573 = arith.select %eq3A_543, %add3A_572, %broadcast_in_dim3A_534 : vector<16xi1>, vector<16xf32>
    %eq3A_574 = arith.constant 1 : i32
    %eq3A_575 = vector.broadcast %eq3A_574 : i32 to vector<16xi32>
    %eq3A_576 = arith.cmpi eq, %iota3A, %eq3A_575 : vector<16xi32>
    %iota3A_577 = tpu.iota {dimensions = array<i32: 0>} : vector<16xi32>
    %swap3A_578 = arith.constant 0 : index
    %swap3A_579 = tpu.vector_load %arg10[%swap3A_578] {strides = array<i32>} : memref<16xf32, #tpu.memory_space<vmem>>, vector<16xf32>,
    tpu.vector_store %arg10[%swap3A_578], %scan3A_539#1 {strides = array<i32>} : memref<16xf32, #tpu.memory_space<vmem>>, vector<16xf32>,
    %xor3A_580 = arith.constant 8 : i32
    %xor3A_581 = vector.broadcast %xor3A_580 : i32 to vector<16xi32>
    %xor3A_582 = arith.xori %iota3A_577, %xor3A_581 : vector<16xi32>
    %gather3A_583 = tpu.vector_load_idx %arg10[%xor3A_582] : memref<16xf32, #tpu.memory_space<vmem>>[vector<16xi32>], vector<16xf32>,
    %add3A_584 = arith.addf %scan3A_539#1, %gather3A_583 : vector<16xf32>
    %swap3A_585 = arith.constant 0 : index
    %swap3A_586 = tpu.vector_load %arg10[%swap3A_585] {strides = array<i32>} : memref<16xf32, #tpu.memory_space<vmem>>, vector<16xf32>,
    tpu.vector_store %arg10[%swap3A_585], %add3A_584 {strides = array<i32>} : memref<16xf32, #tpu.memory_space<vmem>>, vector<16xf32>,
    %xor3A_587 = arith.constant 4 : i32
    %xor3A_588 = vector.broadcast %xor3A_587 : i32 to vector<16xi32>
    %xor3A_589 = arith.xori %iota3A_577, %xor3A_588 : vector<16xi32>
    %gather3A_590 = tpu.vector_load_idx %arg10[%xor3A_589] : memref<16xf32, #tpu.memory_space<vmem>>[vector<16xi32>], vector<16xf32>,
    %add3A_591 = arith.addf %add3A_584, %gather3A_590 : vector<16xf32>
    %swap3A_592 = arith.constant 0 : index
    %swap3A_593 = tpu.vector_load %arg10[%swap3A_592] {strides = array<i32>} : memref<16xf32, #tpu.memory_space<vmem>>, vector<16xf32>,
    tpu.vector_store %arg10[%swap3A_592], %add3A_591 {strides = array<i32>} : memref<16xf32, #tpu.memory_space<vmem>>, vector<16xf32>,
    %xor3A_594 = arith.constant 2 : i32
    %xor3A_595 = vector.broadcast %xor3A_594 : i32 to vector<16xi32>
    %xor3A_596 = arith.xori %iota3A_577, %xor3A_595 : vector<16xi32>
    %gather3A_597 = tpu.vector_load_idx %arg10[%xor3A_596] : memref<16xf32, #tpu.memory_space<vmem>>[vector<16xi32>], vector<16xf32>,
    %add3A_598 = arith.addf %add3A_591, %gather3A_597 : vector<16xf32>
    %swap3A_599 = arith.constant 0 : index
    %swap3A_600 = tpu.vector_load %arg10[%swap3A_599] {strides = array<i32>} : memref<16xf32, #tpu.memory_space<vmem>>, vector<16xf32>,
    tpu.vector_store %arg10[%swap3A_599], %add3A_598 {strides = array<i32>} : memref<16xf32, #tpu.memory_space<vmem>>, vector<16xf32>,
    %xor3A_601 = arith.constant 1 : i32
    %xor3A_602 = vector.broadcast %xor3A_601 : i32 to vector<16xi32>
    %xor3A_603 = arith.xori %iota3A_577, %xor3A_602 : vector<16xi32>
    %gather3A_604 = tpu.vector_load_idx %arg10[%xor3A_603] : memref<16xf32, #tpu.memory_space<vmem>>[vector<16xi32>], vector<16xf32>,
    %add3A_605 = arith.addf %add3A_598, %gather3A_604 : vector<16xf32>
    %select_n3A_606 = arith.select %eq3A_576, %add3A_605, %select_n3A_573 : vector<16xi1>, vector<16xf32>
    %eq3A_607 = arith.constant 2 : i32
    %eq3A_608 = vector.broadcast %eq3A_607 : i32 to vector<16xi32>
    %eq3A_609 = arith.cmpi eq, %iota3A, %eq3A_608 : vector<16xi32>
    %iota3A_610 = tpu.iota {dimensions = array<i32: 0>} : vector<16xi32>
    %swap3A_611 = arith.constant 0 : index
    %swap3A_612 = tpu.vector_load %arg10[%swap3A_611] {strides = array<i32>} : memref<16xf32, #tpu.memory_space<vmem>>, vector<16xf32>,
    tpu.vector_store %arg10[%swap3A_611], %scan3A_539#2 {strides = array<i32>} : memref<16xf32, #tpu.memory_space<vmem>>, vector<16xf32>,
    %xor3A_613 = arith.constant 8 : i32
    %xor3A_614 = vector.broadcast %xor3A_613 : i32 to vector<16xi32>
    %xor3A_615 = arith.xori %iota3A_610, %xor3A_614 : vector<16xi32>
    %gather3A_616 = tpu.vector_load_idx %arg10[%xor3A_615] : memref<16xf32, #tpu.memory_space<vmem>>[vector<16xi32>], vector<16xf32>,
    %add3A_617 = arith.addf %scan3A_539#2, %gather3A_616 : vector<16xf32>
    %swap3A_618 = arith.constant 0 : index
    %swap3A_619 = tpu.vector_load %arg10[%swap3A_618] {strides = array<i32>} : memref<16xf32, #tpu.memory_space<vmem>>, vector<16xf32>,
    tpu.vector_store %arg10[%swap3A_618], %add3A_617 {strides = array<i32>} : memref<16xf32, #tpu.memory_space<vmem>>, vector<16xf32>,
    %xor3A_620 = arith.constant 4 : i32
    %xor3A_621 = vector.broadcast %xor3A_620 : i32 to vector<16xi32>
    %xor3A_622 = arith.xori %iota3A_610, %xor3A_621 : vector<16xi32>
    %gather3A_623 = tpu.vector_load_idx %arg10[%xor3A_622] : memref<16xf32, #tpu.memory_space<vmem>>[vector<16xi32>], vector<16xf32>,
    %add3A_624 = arith.addf %add3A_617, %gather3A_623 : vector<16xf32>
    %swap3A_625 = arith.constant 0 : index
    %swap3A_626 = tpu.vector_load %arg10[%swap3A_625] {strides = array<i32>} : memref<16xf32, #tpu.memory_space<vmem>>, vector<16xf32>,
    tpu.vector_store %arg10[%swap3A_625], %add3A_624 {strides = array<i32>} : memref<16xf32, #tpu.memory_space<vmem>>, vector<16xf32>,
    %xor3A_627 = arith.constant 2 : i32
    %xor3A_628 = vector.broadcast %xor3A_627 : i32 to vector<16xi32>
    %xor3A_629 = arith.xori %iota3A_610, %xor3A_628 : vector<16xi32>
    %gather3A_630 = tpu.vector_load_idx %arg10[%xor3A_629] : memref<16xf32, #tpu.memory_space<vmem>>[vector<16xi32>], vector<16xf32>,
    %add3A_631 = arith.addf %add3A_624, %gather3A_630 : vector<16xf32>
    %swap3A_632 = arith.constant 0 : index
    %swap3A_633 = tpu.vector_load %arg10[%swap3A_632] {strides = array<i32>} : memref<16xf32, #tpu.memory_space<vmem>>, vector<16xf32>,
    tpu.vector_store %arg10[%swap3A_632], %add3A_631 {strides = array<i32>} : memref<16xf32, #tpu.memory_space<vmem>>, vector<16xf32>,
    %xor3A_634 = arith.constant 1 : i32
    %xor3A_635 = vector.broadcast %xor3A_634 : i32 to vector<16xi32>
    %xor3A_636 = arith.xori %iota3A_610, %xor3A_635 : vector<16xi32>
    %gather3A_637 = tpu.vector_load_idx %arg10[%xor3A_636] : memref<16xf32, #tpu.memory_space<vmem>>[vector<16xi32>], vector<16xf32>,
    %add3A_638 = arith.addf %add3A_631, %gather3A_637 : vector<16xf32>
    %select_n3A_639 = arith.select %eq3A_609, %add3A_638, %select_n3A_606 : vector<16xi1>, vector<16xf32>
    %eq3A_640 = arith.constant 3 : i32
    %eq3A_641 = vector.broadcast %eq3A_640 : i32 to vector<16xi32>
    %eq3A_642 = arith.cmpi eq, %iota3A, %eq3A_641 : vector<16xi32>
    %iota3A_643 = tpu.iota {dimensions = array<i32: 0>} : vector<16xi32>
    %swap3A_644 = arith.constant 0 : index
    %swap3A_645 = tpu.vector_load %arg10[%swap3A_644] {strides = array<i32>} : memref<16xf32, #tpu.memory_space<vmem>>, vector<16xf32>,
    tpu.vector_store %arg10[%swap3A_644], %scan3A_539#3 {strides = array<i32>} : memref<16xf32, #tpu.memory_space<vmem>>, vector<16xf32>,
    %xor3A_646 = arith.constant 8 : i32
    %xor3A_647 = vector.broadcast %xor3A_646 : i32 to vector<16xi32>
    %xor3A_648 = arith.xori %iota3A_643, %xor3A_647 : vector<16xi32>
    %gather3A_649 = tpu.vector_load_idx %arg10[%xor3A_648] : memref<16xf32, #tpu.memory_space<vmem>>[vector<16xi32>], vector<16xf32>,
    %add3A_650 = arith.addf %scan3A_539#3, %gather3A_649 : vector<16xf32>
    %swap3A_651 = arith.constant 0 : index
    %swap3A_652 = tpu.vector_load %arg10[%swap3A_651] {strides = array<i32>} : memref<16xf32, #tpu.memory_space<vmem>>, vector<16xf32>,
    tpu.vector_store %arg10[%swap3A_651], %add3A_650 {strides = array<i32>} : memref<16xf32, #tpu.memory_space<vmem>>, vector<16xf32>,
    %xor3A_653 = arith.constant 4 : i32
    %xor3A_654 = vector.broadcast %xor3A_653 : i32 to vector<16xi32>
    %xor3A_655 = arith.xori %iota3A_643, %xor3A_654 : vector<16xi32>
    %gather3A_656 = tpu.vector_load_idx %arg10[%xor3A_655] : memref<16xf32, #tpu.memory_space<vmem>>[vector<16xi32>], vector<16xf32>,
    %add3A_657 = arith.addf %add3A_650, %gather3A_656 : vector<16xf32>
    %swap3A_658 = arith.constant 0 : index
    %swap3A_659 = tpu.vector_load %arg10[%swap3A_658] {strides = array<i32>} : memref<16xf32, #tpu.memory_space<vmem>>, vector<16xf32>,
    tpu.vector_store %arg10[%swap3A_658], %add3A_657 {strides = array<i32>} : memref<16xf32, #tpu.memory_space<vmem>>, vector<16xf32>,
    %xor3A_660 = arith.constant 2 : i32
    %xor3A_661 = vector.broadcast %xor3A_660 : i32 to vector<16xi32>
    %xor3A_662 = arith.xori %iota3A_643, %xor3A_661 : vector<16xi32>
    %gather3A_663 = tpu.vector_load_idx %arg10[%xor3A_662] : memref<16xf32, #tpu.memory_space<vmem>>[vector<16xi32>], vector<16xf32>,
    %add3A_664 = arith.addf %add3A_657, %gather3A_663 : vector<16xf32>
    %swap3A_665 = arith.constant 0 : index
    %swap3A_666 = tpu.vector_load %arg10[%swap3A_665] {strides = array<i32>} : memref<16xf32, #tpu.memory_space<vmem>>, vector<16xf32>,
    tpu.vector_store %arg10[%swap3A_665], %add3A_664 {strides = array<i32>} : memref<16xf32, #tpu.memory_space<vmem>>, vector<16xf32>,
    %xor3A_667 = arith.constant 1 : i32
    %xor3A_668 = vector.broadcast %xor3A_667 : i32 to vector<16xi32>
    %xor3A_669 = arith.xori %iota3A_643, %xor3A_668 : vector<16xi32>
    %gather3A_670 = tpu.vector_load_idx %arg10[%xor3A_669] : memref<16xf32, #tpu.memory_space<vmem>>[vector<16xi32>], vector<16xf32>,
    %add3A_671 = arith.addf %add3A_664, %gather3A_670 : vector<16xf32>
    %select_n3A_672 = arith.select %eq3A_642, %add3A_671, %select_n3A_639 : vector<16xi1>, vector<16xf32>
    %eq3A_673 = arith.constant 4 : i32
    %eq3A_674 = vector.broadcast %eq3A_673 : i32 to vector<16xi32>
    %eq3A_675 = arith.cmpi eq, %iota3A, %eq3A_674 : vector<16xi32>
    %iota3A_676 = tpu.iota {dimensions = array<i32: 0>} : vector<16xi32>
    %swap3A_677 = arith.constant 0 : index
    %swap3A_678 = tpu.vector_load %arg10[%swap3A_677] {strides = array<i32>} : memref<16xf32, #tpu.memory_space<vmem>>, vector<16xf32>,
    tpu.vector_store %arg10[%swap3A_677], %scan3A_539#4 {strides = array<i32>} : memref<16xf32, #tpu.memory_space<vmem>>, vector<16xf32>,
    %xor3A_679 = arith.constant 8 : i32
    %xor3A_680 = vector.broadcast %xor3A_679 : i32 to vector<16xi32>
    %xor3A_681 = arith.xori %iota3A_676, %xor3A_680 : vector<16xi32>
    %gather3A_682 = tpu.vector_load_idx %arg10[%xor3A_681] : memref<16xf32, #tpu.memory_space<vmem>>[vector<16xi32>], vector<16xf32>,
    %add3A_683 = arith.addf %scan3A_539#4, %gather3A_682 : vector<16xf32>
    %swap3A_684 = arith.constant 0 : index
    %swap3A_685 = tpu.vector_load %arg10[%swap3A_684] {strides = array<i32>} : memref<16xf32, #tpu.memory_space<vmem>>, vector<16xf32>,
    tpu.vector_store %arg10[%swap3A_684], %add3A_683 {strides = array<i32>} : memref<16xf32, #tpu.memory_space<vmem>>, vector<16xf32>,
    %xor3A_686 = arith.constant 4 : i32
    %xor3A_687 = vector.broadcast %xor3A_686 : i32 to vector<16xi32>
    %xor3A_688 = arith.xori %iota3A_676, %xor3A_687 : vector<16xi32>
    %gather3A_689 = tpu.vector_load_idx %arg10[%xor3A_688] : memref<16xf32, #tpu.memory_space<vmem>>[vector<16xi32>], vector<16xf32>,
    %add3A_690 = arith.addf %add3A_683, %gather3A_689 : vector<16xf32>
    %swap3A_691 = arith.constant 0 : index
    %swap3A_692 = tpu.vector_load %arg10[%swap3A_691] {strides = array<i32>} : memref<16xf32, #tpu.memory_space<vmem>>, vector<16xf32>,
    tpu.vector_store %arg10[%swap3A_691], %add3A_690 {strides = array<i32>} : memref<16xf32, #tpu.memory_space<vmem>>, vector<16xf32>,
    %xor3A_693 = arith.constant 2 : i32
    %xor3A_694 = vector.broadcast %xor3A_693 : i32 to vector<16xi32>
    %xor3A_695 = arith.xori %iota3A_676, %xor3A_694 : vector<16xi32>
    %gather3A_696 = tpu.vector_load_idx %arg10[%xor3A_695] : memref<16xf32, #tpu.memory_space<vmem>>[vector<16xi32>], vector<16xf32>,
    %add3A_697 = arith.addf %add3A_690, %gather3A_696 : vector<16xf32>
    %swap3A_698 = arith.constant 0 : index
    %swap3A_699 = tpu.vector_load %arg10[%swap3A_698] {strides = array<i32>} : memref<16xf32, #tpu.memory_space<vmem>>, vector<16xf32>,
    tpu.vector_store %arg10[%swap3A_698], %add3A_697 {strides = array<i32>} : memref<16xf32, #tpu.memory_space<vmem>>, vector<16xf32>,
    %xor3A_700 = arith.constant 1 : i32
    %xor3A_701 = vector.broadcast %xor3A_700 : i32 to vector<16xi32>
    %xor3A_702 = arith.xori %iota3A_676, %xor3A_701 : vector<16xi32>
    %gather3A_703 = tpu.vector_load_idx %arg10[%xor3A_702] : memref<16xf32, #tpu.memory_space<vmem>>[vector<16xi32>], vector<16xf32>,
    %add3A_704 = arith.addf %add3A_697, %gather3A_703 : vector<16xf32>
    %select_n3A_705 = arith.select %eq3A_675, %add3A_704, %select_n3A_672 : vector<16xi1>, vector<16xf32>
    %eq3A_706 = arith.constant 5 : i32
    %eq3A_707 = vector.broadcast %eq3A_706 : i32 to vector<16xi32>
    %eq3A_708 = arith.cmpi eq, %iota3A, %eq3A_707 : vector<16xi32>
    %iota3A_709 = tpu.iota {dimensions = array<i32: 0>} : vector<16xi32>
    %swap3A_710 = arith.constant 0 : index
    %swap3A_711 = tpu.vector_load %arg10[%swap3A_710] {strides = array<i32>} : memref<16xf32, #tpu.memory_space<vmem>>, vector<16xf32>,
    tpu.vector_store %arg10[%swap3A_710], %scan3A_539#5 {strides = array<i32>} : memref<16xf32, #tpu.memory_space<vmem>>, vector<16xf32>,
    %xor3A_712 = arith.constant 8 : i32
    %xor3A_713 = vector.broadcast %xor3A_712 : i32 to vector<16xi32>
    %xor3A_714 = arith.xori %iota3A_709, %xor3A_713 : vector<16xi32>
    %gather3A_715 = tpu.vector_load_idx %arg10[%xor3A_714] : memref<16xf32, #tpu.memory_space<vmem>>[vector<16xi32>], vector<16xf32>,
    %add3A_716 = arith.addf %scan3A_539#5, %gather3A_715 : vector<16xf32>
    %swap3A_717 = arith.constant 0 : index
    %swap3A_718 = tpu.vector_load %arg10[%swap3A_717] {strides = array<i32>} : memref<16xf32, #tpu.memory_space<vmem>>, vector<16xf32>,
    tpu.vector_store %arg10[%swap3A_717], %add3A_716 {strides = array<i32>} : memref<16xf32, #tpu.memory_space<vmem>>, vector<16xf32>,
    %xor3A_719 = arith.constant 4 : i32
    %xor3A_720 = vector.broadcast %xor3A_719 : i32 to vector<16xi32>
    %xor3A_721 = arith.xori %iota3A_709, %xor3A_720 : vector<16xi32>
    %gather3A_722 = tpu.vector_load_idx %arg10[%xor3A_721] : memref<16xf32, #tpu.memory_space<vmem>>[vector<16xi32>], vector<16xf32>,
    %add3A_723 = arith.addf %add3A_716, %gather3A_722 : vector<16xf32>
    %swap3A_724 = arith.constant 0 : index
    %swap3A_725 = tpu.vector_load %arg10[%swap3A_724] {strides = array<i32>} : memref<16xf32, #tpu.memory_space<vmem>>, vector<16xf32>,
    tpu.vector_store %arg10[%swap3A_724], %add3A_723 {strides = array<i32>} : memref<16xf32, #tpu.memory_space<vmem>>, vector<16xf32>,
    %xor3A_726 = arith.constant 2 : i32
    %xor3A_727 = vector.broadcast %xor3A_726 : i32 to vector<16xi32>
    %xor3A_728 = arith.xori %iota3A_709, %xor3A_727 : vector<16xi32>
    %gather3A_729 = tpu.vector_load_idx %arg10[%xor3A_728] : memref<16xf32, #tpu.memory_space<vmem>>[vector<16xi32>], vector<16xf32>,
    %add3A_730 = arith.addf %add3A_723, %gather3A_729 : vector<16xf32>
    %swap3A_731 = arith.constant 0 : index
    %swap3A_732 = tpu.vector_load %arg10[%swap3A_731] {strides = array<i32>} : memref<16xf32, #tpu.memory_space<vmem>>, vector<16xf32>,
    tpu.vector_store %arg10[%swap3A_731], %add3A_730 {strides = array<i32>} : memref<16xf32, #tpu.memory_space<vmem>>, vector<16xf32>,
    %xor3A_733 = arith.constant 1 : i32
    %xor3A_734 = vector.broadcast %xor3A_733 : i32 to vector<16xi32>
    %xor3A_735 = arith.xori %iota3A_709, %xor3A_734 : vector<16xi32>
    %gather3A_736 = tpu.vector_load_idx %arg10[%xor3A_735] : memref<16xf32, #tpu.memory_space<vmem>>[vector<16xi32>], vector<16xf32>,
    %add3A_737 = arith.addf %add3A_730, %gather3A_736 : vector<16xf32>
    %select_n3A_738 = arith.select %eq3A_708, %add3A_737, %select_n3A_705 : vector<16xi1>, vector<16xf32>
    %eq3A_739 = arith.constant 6 : i32
    %eq3A_740 = vector.broadcast %eq3A_739 : i32 to vector<16xi32>
    %eq3A_741 = arith.cmpi eq, %iota3A, %eq3A_740 : vector<16xi32>
    %iota3A_742 = tpu.iota {dimensions = array<i32: 0>} : vector<16xi32>
    %swap3A_743 = arith.constant 0 : index
    %swap3A_744 = tpu.vector_load %arg10[%swap3A_743] {strides = array<i32>} : memref<16xf32, #tpu.memory_space<vmem>>, vector<16xf32>,
    tpu.vector_store %arg10[%swap3A_743], %scan3A_539#6 {strides = array<i32>} : memref<16xf32, #tpu.memory_space<vmem>>, vector<16xf32>,
    %xor3A_745 = arith.constant 8 : i32
    %xor3A_746 = vector.broadcast %xor3A_745 : i32 to vector<16xi32>
    %xor3A_747 = arith.xori %iota3A_742, %xor3A_746 : vector<16xi32>
    %gather3A_748 = tpu.vector_load_idx %arg10[%xor3A_747] : memref<16xf32, #tpu.memory_space<vmem>>[vector<16xi32>], vector<16xf32>,
    %add3A_749 = arith.addf %scan3A_539#6, %gather3A_748 : vector<16xf32>
    %swap3A_750 = arith.constant 0 : index
    %swap3A_751 = tpu.vector_load %arg10[%swap3A_750] {strides = array<i32>} : memref<16xf32, #tpu.memory_space<vmem>>, vector<16xf32>,
    tpu.vector_store %arg10[%swap3A_750], %add3A_749 {strides = array<i32>} : memref<16xf32, #tpu.memory_space<vmem>>, vector<16xf32>,
    %xor3A_752 = arith.constant 4 : i32
    %xor3A_753 = vector.broadcast %xor3A_752 : i32 to vector<16xi32>
    %xor3A_754 = arith.xori %iota3A_742, %xor3A_753 : vector<16xi32>
    %gather3A_755 = tpu.vector_load_idx %arg10[%xor3A_754] : memref<16xf32, #tpu.memory_space<vmem>>[vector<16xi32>], vector<16xf32>,
    %add3A_756 = arith.addf %add3A_749, %gather3A_755 : vector<16xf32>
    %swap3A_757 = arith.constant 0 : index
    %swap3A_758 = tpu.vector_load %arg10[%swap3A_757] {strides = array<i32>} : memref<16xf32, #tpu.memory_space<vmem>>, vector<16xf32>,
    tpu.vector_store %arg10[%swap3A_757], %add3A_756 {strides = array<i32>} : memref<16xf32, #tpu.memory_space<vmem>>, vector<16xf32>,
    %xor3A_759 = arith.constant 2 : i32
    %xor3A_760 = vector.broadcast %xor3A_759 : i32 to vector<16xi32>
    %xor3A_761 = arith.xori %iota3A_742, %xor3A_760 : vector<16xi32>
    %gather3A_762 = tpu.vector_load_idx %arg10[%xor3A_761] : memref<16xf32, #tpu.memory_space<vmem>>[vector<16xi32>], vector<16xf32>,
    %add3A_763 = arith.addf %add3A_756, %gather3A_762 : vector<16xf32>
    %swap3A_764 = arith.constant 0 : index
    %swap3A_765 = tpu.vector_load %arg10[%swap3A_764] {strides = array<i32>} : memref<16xf32, #tpu.memory_space<vmem>>, vector<16xf32>,
    tpu.vector_store %arg10[%swap3A_764], %add3A_763 {strides = array<i32>} : memref<16xf32, #tpu.memory_space<vmem>>, vector<16xf32>,
    %xor3A_766 = arith.constant 1 : i32
    %xor3A_767 = vector.broadcast %xor3A_766 : i32 to vector<16xi32>
    %xor3A_768 = arith.xori %iota3A_742, %xor3A_767 : vector<16xi32>
    %gather3A_769 = tpu.vector_load_idx %arg10[%xor3A_768] : memref<16xf32, #tpu.memory_space<vmem>>[vector<16xi32>], vector<16xf32>,
    %add3A_770 = arith.addf %add3A_763, %gather3A_769 : vector<16xf32>
    %select_n3A_771 = arith.select %eq3A_741, %add3A_770, %select_n3A_738 : vector<16xi1>, vector<16xf32>
    %eq3A_772 = arith.constant 7 : i32
    %eq3A_773 = vector.broadcast %eq3A_772 : i32 to vector<16xi32>
    %eq3A_774 = arith.cmpi eq, %iota3A, %eq3A_773 : vector<16xi32>
    %iota3A_775 = tpu.iota {dimensions = array<i32: 0>} : vector<16xi32>
    %swap3A_776 = arith.constant 0 : index
    %swap3A_777 = tpu.vector_load %arg10[%swap3A_776] {strides = array<i32>} : memref<16xf32, #tpu.memory_space<vmem>>, vector<16xf32>,
    tpu.vector_store %arg10[%swap3A_776], %scan3A_539#7 {strides = array<i32>} : memref<16xf32, #tpu.memory_space<vmem>>, vector<16xf32>,
    %xor3A_778 = arith.constant 8 : i32
    %xor3A_779 = vector.broadcast %xor3A_778 : i32 to vector<16xi32>
    %xor3A_780 = arith.xori %iota3A_775, %xor3A_779 : vector<16xi32>
    %gather3A_781 = tpu.vector_load_idx %arg10[%xor3A_780] : memref<16xf32, #tpu.memory_space<vmem>>[vector<16xi32>], vector<16xf32>,
    %add3A_782 = arith.addf %scan3A_539#7, %gather3A_781 : vector<16xf32>
    %swap3A_783 = arith.constant 0 : index
    %swap3A_784 = tpu.vector_load %arg10[%swap3A_783] {strides = array<i32>} : memref<16xf32, #tpu.memory_space<vmem>>, vector<16xf32>,
    tpu.vector_store %arg10[%swap3A_783], %add3A_782 {strides = array<i32>} : memref<16xf32, #tpu.memory_space<vmem>>, vector<16xf32>,
    %xor3A_785 = arith.constant 4 : i32
    %xor3A_786 = vector.broadcast %xor3A_785 : i32 to vector<16xi32>
    %xor3A_787 = arith.xori %iota3A_775, %xor3A_786 : vector<16xi32>
    %gather3A_788 = tpu.vector_load_idx %arg10[%xor3A_787] : memref<16xf32, #tpu.memory_space<vmem>>[vector<16xi32>], vector<16xf32>,
    %add3A_789 = arith.addf %add3A_782, %gather3A_788 : vector<16xf32>
    %swap3A_790 = arith.constant 0 : index
    %swap3A_791 = tpu.vector_load %arg10[%swap3A_790] {strides = array<i32>} : memref<16xf32, #tpu.memory_space<vmem>>, vector<16xf32>,
    tpu.vector_store %arg10[%swap3A_790], %add3A_789 {strides = array<i32>} : memref<16xf32, #tpu.memory_space<vmem>>, vector<16xf32>,
    %xor3A_792 = arith.constant 2 : i32
    %xor3A_793 = vector.broadcast %xor3A_792 : i32 to vector<16xi32>
    %xor3A_794 = arith.xori %iota3A_775, %xor3A_793 : vector<16xi32>
    %gather3A_795 = tpu.vector_load_idx %arg10[%xor3A_794] : memref<16xf32, #tpu.memory_space<vmem>>[vector<16xi32>], vector<16xf32>,
    %add3A_796 = arith.addf %add3A_789, %gather3A_795 : vector<16xf32>
    %swap3A_797 = arith.constant 0 : index
    %swap3A_798 = tpu.vector_load %arg10[%swap3A_797] {strides = array<i32>} : memref<16xf32, #tpu.memory_space<vmem>>, vector<16xf32>,
    tpu.vector_store %arg10[%swap3A_797], %add3A_796 {strides = array<i32>} : memref<16xf32, #tpu.memory_space<vmem>>, vector<16xf32>,
    %xor3A_799 = arith.constant 1 : i32
    %xor3A_800 = vector.broadcast %xor3A_799 : i32 to vector<16xi32>
    %xor3A_801 = arith.xori %iota3A_775, %xor3A_800 : vector<16xi32>
    %gather3A_802 = tpu.vector_load_idx %arg10[%xor3A_801] : memref<16xf32, #tpu.memory_space<vmem>>[vector<16xi32>], vector<16xf32>,
    %add3A_803 = arith.addf %add3A_796, %gather3A_802 : vector<16xf32>
    %select_n3A_804 = arith.select %eq3A_774, %add3A_803, %select_n3A_771 : vector<16xi1>, vector<16xf32>
    %eq3A_805 = arith.constant 8 : i32
    %eq3A_806 = vector.broadcast %eq3A_805 : i32 to vector<16xi32>
    %eq3A_807 = arith.cmpi eq, %iota3A, %eq3A_806 : vector<16xi32>
    %iota3A_808 = tpu.iota {dimensions = array<i32: 0>} : vector<16xi32>
    %swap3A_809 = arith.constant 0 : index
    %swap3A_810 = tpu.vector_load %arg10[%swap3A_809] {strides = array<i32>} : memref<16xf32, #tpu.memory_space<vmem>>, vector<16xf32>,
    tpu.vector_store %arg10[%swap3A_809], %scan3A_539#8 {strides = array<i32>} : memref<16xf32, #tpu.memory_space<vmem>>, vector<16xf32>,
    %xor3A_811 = arith.constant 8 : i32
    %xor3A_812 = vector.broadcast %xor3A_811 : i32 to vector<16xi32>
    %xor3A_813 = arith.xori %iota3A_808, %xor3A_812 : vector<16xi32>
    %gather3A_814 = tpu.vector_load_idx %arg10[%xor3A_813] : memref<16xf32, #tpu.memory_space<vmem>>[vector<16xi32>], vector<16xf32>,
    %add3A_815 = arith.addf %scan3A_539#8, %gather3A_814 : vector<16xf32>
    %swap3A_816 = arith.constant 0 : index
    %swap3A_817 = tpu.vector_load %arg10[%swap3A_816] {strides = array<i32>} : memref<16xf32, #tpu.memory_space<vmem>>, vector<16xf32>,
    tpu.vector_store %arg10[%swap3A_816], %add3A_815 {strides = array<i32>} : memref<16xf32, #tpu.memory_space<vmem>>, vector<16xf32>,
    %xor3A_818 = arith.constant 4 : i32
    %xor3A_819 = vector.broadcast %xor3A_818 : i32 to vector<16xi32>
    %xor3A_820 = arith.xori %iota3A_808, %xor3A_819 : vector<16xi32>
    %gather3A_821 = tpu.vector_load_idx %arg10[%xor3A_820] : memref<16xf32, #tpu.memory_space<vmem>>[vector<16xi32>], vector<16xf32>,
    %add3A_822 = arith.addf %add3A_815, %gather3A_821 : vector<16xf32>
    %swap3A_823 = arith.constant 0 : index
    %swap3A_824 = tpu.vector_load %arg10[%swap3A_823] {strides = array<i32>} : memref<16xf32, #tpu.memory_space<vmem>>, vector<16xf32>,
    tpu.vector_store %arg10[%swap3A_823], %add3A_822 {strides = array<i32>} : memref<16xf32, #tpu.memory_space<vmem>>, vector<16xf32>,
    %xor3A_825 = arith.constant 2 : i32
    %xor3A_826 = vector.broadcast %xor3A_825 : i32 to vector<16xi32>
    %xor3A_827 = arith.xori %iota3A_808, %xor3A_826 : vector<16xi32>
    %gather3A_828 = tpu.vector_load_idx %arg10[%xor3A_827] : memref<16xf32, #tpu.memory_space<vmem>>[vector<16xi32>], vector<16xf32>,
    %add3A_829 = arith.addf %add3A_822, %gather3A_828 : vector<16xf32>
    %swap3A_830 = arith.constant 0 : index
    %swap3A_831 = tpu.vector_load %arg10[%swap3A_830] {strides = array<i32>} : memref<16xf32, #tpu.memory_space<vmem>>, vector<16xf32>,
    tpu.vector_store %arg10[%swap3A_830], %add3A_829 {strides = array<i32>} : memref<16xf32, #tpu.memory_space<vmem>>, vector<16xf32>,
    %xor3A_832 = arith.constant 1 : i32
    %xor3A_833 = vector.broadcast %xor3A_832 : i32 to vector<16xi32>
    %xor3A_834 = arith.xori %iota3A_808, %xor3A_833 : vector<16xi32>
    %gather3A_835 = tpu.vector_load_idx %arg10[%xor3A_834] : memref<16xf32, #tpu.memory_space<vmem>>[vector<16xi32>], vector<16xf32>,
    %add3A_836 = arith.addf %add3A_829, %gather3A_835 : vector<16xf32>
    %select_n3A_837 = arith.select %eq3A_807, %add3A_836, %select_n3A_804 : vector<16xi1>, vector<16xf32>
    %eq3A_838 = arith.constant 9 : i32
    %eq3A_839 = vector.broadcast %eq3A_838 : i32 to vector<16xi32>
    %eq3A_840 = arith.cmpi eq, %iota3A, %eq3A_839 : vector<16xi32>
    %iota3A_841 = tpu.iota {dimensions = array<i32: 0>} : vector<16xi32>
    %swap3A_842 = arith.constant 0 : index
    %swap3A_843 = tpu.vector_load %arg10[%swap3A_842] {strides = array<i32>} : memref<16xf32, #tpu.memory_space<vmem>>, vector<16xf32>,
    tpu.vector_store %arg10[%swap3A_842], %scan3A_539#9 {strides = array<i32>} : memref<16xf32, #tpu.memory_space<vmem>>, vector<16xf32>,
    %xor3A_844 = arith.constant 8 : i32
    %xor3A_845 = vector.broadcast %xor3A_844 : i32 to vector<16xi32>
    %xor3A_846 = arith.xori %iota3A_841, %xor3A_845 : vector<16xi32>
    %gather3A_847 = tpu.vector_load_idx %arg10[%xor3A_846] : memref<16xf32, #tpu.memory_space<vmem>>[vector<16xi32>], vector<16xf32>,
    %add3A_848 = arith.addf %scan3A_539#9, %gather3A_847 : vector<16xf32>
    %swap3A_849 = arith.constant 0 : index
    %swap3A_850 = tpu.vector_load %arg10[%swap3A_849] {strides = array<i32>} : memref<16xf32, #tpu.memory_space<vmem>>, vector<16xf32>,
    tpu.vector_store %arg10[%swap3A_849], %add3A_848 {strides = array<i32>} : memref<16xf32, #tpu.memory_space<vmem>>, vector<16xf32>,
    %xor3A_851 = arith.constant 4 : i32
    %xor3A_852 = vector.broadcast %xor3A_851 : i32 to vector<16xi32>
    %xor3A_853 = arith.xori %iota3A_841, %xor3A_852 : vector<16xi32>
    %gather3A_854 = tpu.vector_load_idx %arg10[%xor3A_853] : memref<16xf32, #tpu.memory_space<vmem>>[vector<16xi32>], vector<16xf32>,
    %add3A_855 = arith.addf %add3A_848, %gather3A_854 : vector<16xf32>
    %swap3A_856 = arith.constant 0 : index
    %swap3A_857 = tpu.vector_load %arg10[%swap3A_856] {strides = array<i32>} : memref<16xf32, #tpu.memory_space<vmem>>, vector<16xf32>,
    tpu.vector_store %arg10[%swap3A_856], %add3A_855 {strides = array<i32>} : memref<16xf32, #tpu.memory_space<vmem>>, vector<16xf32>,
    %xor3A_858 = arith.constant 2 : i32
    %xor3A_859 = vector.broadcast %xor3A_858 : i32 to vector<16xi32>
    %xor3A_860 = arith.xori %iota3A_841, %xor3A_859 : vector<16xi32>
    %gather3A_861 = tpu.vector_load_idx %arg10[%xor3A_860] : memref<16xf32, #tpu.memory_space<vmem>>[vector<16xi32>], vector<16xf32>,
    %add3A_862 = arith.addf %add3A_855, %gather3A_861 : vector<16xf32>
    %swap3A_863 = arith.constant 0 : index
    %swap3A_864 = tpu.vector_load %arg10[%swap3A_863] {strides = array<i32>} : memref<16xf32, #tpu.memory_space<vmem>>, vector<16xf32>,
    tpu.vector_store %arg10[%swap3A_863], %add3A_862 {strides = array<i32>} : memref<16xf32, #tpu.memory_space<vmem>>, vector<16xf32>,
    %xor3A_865 = arith.constant 1 : i32
    %xor3A_866 = vector.broadcast %xor3A_865 : i32 to vector<16xi32>
    %xor3A_867 = arith.xori %iota3A_841, %xor3A_866 : vector<16xi32>
    %gather3A_868 = tpu.vector_load_idx %arg10[%xor3A_867] : memref<16xf32, #tpu.memory_space<vmem>>[vector<16xi32>], vector<16xf32>,
    %add3A_869 = arith.addf %add3A_862, %gather3A_868 : vector<16xf32>
    %select_n3A_870 = arith.select %eq3A_840, %add3A_869, %select_n3A_837 : vector<16xi1>, vector<16xf32>
    %eq3A_871 = arith.constant 10 : i32
    %eq3A_872 = vector.broadcast %eq3A_871 : i32 to vector<16xi32>
    %eq3A_873 = arith.cmpi eq, %iota3A, %eq3A_872 : vector<16xi32>
    %iota3A_874 = tpu.iota {dimensions = array<i32: 0>} : vector<16xi32>
    %swap3A_875 = arith.constant 0 : index
    %swap3A_876 = tpu.vector_load %arg10[%swap3A_875] {strides = array<i32>} : memref<16xf32, #tpu.memory_space<vmem>>, vector<16xf32>,
    tpu.vector_store %arg10[%swap3A_875], %scan3A_539#10 {strides = array<i32>} : memref<16xf32, #tpu.memory_space<vmem>>, vector<16xf32>,
    %xor3A_877 = arith.constant 8 : i32
    %xor3A_878 = vector.broadcast %xor3A_877 : i32 to vector<16xi32>
    %xor3A_879 = arith.xori %iota3A_874, %xor3A_878 : vector<16xi32>
    %gather3A_880 = tpu.vector_load_idx %arg10[%xor3A_879] : memref<16xf32, #tpu.memory_space<vmem>>[vector<16xi32>], vector<16xf32>,
    %add3A_881 = arith.addf %scan3A_539#10, %gather3A_880 : vector<16xf32>
    %swap3A_882 = arith.constant 0 : index
    %swap3A_883 = tpu.vector_load %arg10[%swap3A_882] {strides = array<i32>} : memref<16xf32, #tpu.memory_space<vmem>>, vector<16xf32>,
    tpu.vector_store %arg10[%swap3A_882], %add3A_881 {strides = array<i32>} : memref<16xf32, #tpu.memory_space<vmem>>, vector<16xf32>,
    %xor3A_884 = arith.constant 4 : i32
    %xor3A_885 = vector.broadcast %xor3A_884 : i32 to vector<16xi32>
    %xor3A_886 = arith.xori %iota3A_874, %xor3A_885 : vector<16xi32>
    %gather3A_887 = tpu.vector_load_idx %arg10[%xor3A_886] : memref<16xf32, #tpu.memory_space<vmem>>[vector<16xi32>], vector<16xf32>,
    %add3A_888 = arith.addf %add3A_881, %gather3A_887 : vector<16xf32>
    %swap3A_889 = arith.constant 0 : index
    %swap3A_890 = tpu.vector_load %arg10[%swap3A_889] {strides = array<i32>} : memref<16xf32, #tpu.memory_space<vmem>>, vector<16xf32>,
    tpu.vector_store %arg10[%swap3A_889], %add3A_888 {strides = array<i32>} : memref<16xf32, #tpu.memory_space<vmem>>, vector<16xf32>,
    %xor3A_891 = arith.constant 2 : i32
    %xor3A_892 = vector.broadcast %xor3A_891 : i32 to vector<16xi32>
    %xor3A_893 = arith.xori %iota3A_874, %xor3A_892 : vector<16xi32>
    %gather3A_894 = tpu.vector_load_idx %arg10[%xor3A_893] : memref<16xf32, #tpu.memory_space<vmem>>[vector<16xi32>], vector<16xf32>,
    %add3A_895 = arith.addf %add3A_888, %gather3A_894 : vector<16xf32>
    %swap3A_896 = arith.constant 0 : index
    %swap3A_897 = tpu.vector_load %arg10[%swap3A_896] {strides = array<i32>} : memref<16xf32, #tpu.memory_space<vmem>>, vector<16xf32>,
    tpu.vector_store %arg10[%swap3A_896], %add3A_895 {strides = array<i32>} : memref<16xf32, #tpu.memory_space<vmem>>, vector<16xf32>,
    %xor3A_898 = arith.constant 1 : i32
    %xor3A_899 = vector.broadcast %xor3A_898 : i32 to vector<16xi32>
    %xor3A_900 = arith.xori %iota3A_874, %xor3A_899 : vector<16xi32>
    %gather3A_901 = tpu.vector_load_idx %arg10[%xor3A_900] : memref<16xf32, #tpu.memory_space<vmem>>[vector<16xi32>], vector<16xf32>,
    %add3A_902 = arith.addf %add3A_895, %gather3A_901 : vector<16xf32>
    %select_n3A_903 = arith.select %eq3A_873, %add3A_902, %select_n3A_870 : vector<16xi1>, vector<16xf32>
    %eq3A_904 = arith.constant 11 : i32
    %eq3A_905 = vector.broadcast %eq3A_904 : i32 to vector<16xi32>
    %eq3A_906 = arith.cmpi eq, %iota3A, %eq3A_905 : vector<16xi32>
    %iota3A_907 = tpu.iota {dimensions = array<i32: 0>} : vector<16xi32>
    %swap3A_908 = arith.constant 0 : index
    %swap3A_909 = tpu.vector_load %arg10[%swap3A_908] {strides = array<i32>} : memref<16xf32, #tpu.memory_space<vmem>>, vector<16xf32>,
    tpu.vector_store %arg10[%swap3A_908], %scan3A_539#11 {strides = array<i32>} : memref<16xf32, #tpu.memory_space<vmem>>, vector<16xf32>,
    %xor3A_910 = arith.constant 8 : i32
    %xor3A_911 = vector.broadcast %xor3A_910 : i32 to vector<16xi32>
    %xor3A_912 = arith.xori %iota3A_907, %xor3A_911 : vector<16xi32>
    %gather3A_913 = tpu.vector_load_idx %arg10[%xor3A_912] : memref<16xf32, #tpu.memory_space<vmem>>[vector<16xi32>], vector<16xf32>,
    %add3A_914 = arith.addf %scan3A_539#11, %gather3A_913 : vector<16xf32>
    %swap3A_915 = arith.constant 0 : index
    %swap3A_916 = tpu.vector_load %arg10[%swap3A_915] {strides = array<i32>} : memref<16xf32, #tpu.memory_space<vmem>>, vector<16xf32>,
    tpu.vector_store %arg10[%swap3A_915], %add3A_914 {strides = array<i32>} : memref<16xf32, #tpu.memory_space<vmem>>, vector<16xf32>,
    %xor3A_917 = arith.constant 4 : i32
    %xor3A_918 = vector.broadcast %xor3A_917 : i32 to vector<16xi32>
    %xor3A_919 = arith.xori %iota3A_907, %xor3A_918 : vector<16xi32>
    %gather3A_920 = tpu.vector_load_idx %arg10[%xor3A_919] : memref<16xf32, #tpu.memory_space<vmem>>[vector<16xi32>], vector<16xf32>,
    %add3A_921 = arith.addf %add3A_914, %gather3A_920 : vector<16xf32>
    %swap3A_922 = arith.constant 0 : index
    %swap3A_923 = tpu.vector_load %arg10[%swap3A_922] {strides = array<i32>} : memref<16xf32, #tpu.memory_space<vmem>>, vector<16xf32>,
    tpu.vector_store %arg10[%swap3A_922], %add3A_921 {strides = array<i32>} : memref<16xf32, #tpu.memory_space<vmem>>, vector<16xf32>,
    %xor3A_924 = arith.constant 2 : i32
    %xor3A_925 = vector.broadcast %xor3A_924 : i32 to vector<16xi32>
    %xor3A_926 = arith.xori %iota3A_907, %xor3A_925 : vector<16xi32>
    %gather3A_927 = tpu.vector_load_idx %arg10[%xor3A_926] : memref<16xf32, #tpu.memory_space<vmem>>[vector<16xi32>], vector<16xf32>,
    %add3A_928 = arith.addf %add3A_921, %gather3A_927 : vector<16xf32>
    %swap3A_929 = arith.constant 0 : index
    %swap3A_930 = tpu.vector_load %arg10[%swap3A_929] {strides = array<i32>} : memref<16xf32, #tpu.memory_space<vmem>>, vector<16xf32>,
    tpu.vector_store %arg10[%swap3A_929], %add3A_928 {strides = array<i32>} : memref<16xf32, #tpu.memory_space<vmem>>, vector<16xf32>,
    %xor3A_931 = arith.constant 1 : i32
    %xor3A_932 = vector.broadcast %xor3A_931 : i32 to vector<16xi32>
    %xor3A_933 = arith.xori %iota3A_907, %xor3A_932 : vector<16xi32>
    %gather3A_934 = tpu.vector_load_idx %arg10[%xor3A_933] : memref<16xf32, #tpu.memory_space<vmem>>[vector<16xi32>], vector<16xf32>,
    %add3A_935 = arith.addf %add3A_928, %gather3A_934 : vector<16xf32>
    %select_n3A_936 = arith.select %eq3A_906, %add3A_935, %select_n3A_903 : vector<16xi1>, vector<16xf32>
    %eq3A_937 = arith.constant 12 : i32
    %eq3A_938 = vector.broadcast %eq3A_937 : i32 to vector<16xi32>
    %eq3A_939 = arith.cmpi eq, %iota3A, %eq3A_938 : vector<16xi32>
    %iota3A_940 = tpu.iota {dimensions = array<i32: 0>} : vector<16xi32>
    %swap3A_941 = arith.constant 0 : index
    %swap3A_942 = tpu.vector_load %arg10[%swap3A_941] {strides = array<i32>} : memref<16xf32, #tpu.memory_space<vmem>>, vector<16xf32>,
    tpu.vector_store %arg10[%swap3A_941], %scan3A_539#12 {strides = array<i32>} : memref<16xf32, #tpu.memory_space<vmem>>, vector<16xf32>,
    %xor3A_943 = arith.constant 8 : i32
    %xor3A_944 = vector.broadcast %xor3A_943 : i32 to vector<16xi32>
    %xor3A_945 = arith.xori %iota3A_940, %xor3A_944 : vector<16xi32>
    %gather3A_946 = tpu.vector_load_idx %arg10[%xor3A_945] : memref<16xf32, #tpu.memory_space<vmem>>[vector<16xi32>], vector<16xf32>,
    %add3A_947 = arith.addf %scan3A_539#12, %gather3A_946 : vector<16xf32>
    %swap3A_948 = arith.constant 0 : index
    %swap3A_949 = tpu.vector_load %arg10[%swap3A_948] {strides = array<i32>} : memref<16xf32, #tpu.memory_space<vmem>>, vector<16xf32>,
    tpu.vector_store %arg10[%swap3A_948], %add3A_947 {strides = array<i32>} : memref<16xf32, #tpu.memory_space<vmem>>, vector<16xf32>,
    %xor3A_950 = arith.constant 4 : i32
    %xor3A_951 = vector.broadcast %xor3A_950 : i32 to vector<16xi32>
    %xor3A_952 = arith.xori %iota3A_940, %xor3A_951 : vector<16xi32>
    %gather3A_953 = tpu.vector_load_idx %arg10[%xor3A_952] : memref<16xf32, #tpu.memory_space<vmem>>[vector<16xi32>], vector<16xf32>,
    %add3A_954 = arith.addf %add3A_947, %gather3A_953 : vector<16xf32>
    %swap3A_955 = arith.constant 0 : index
    %swap3A_956 = tpu.vector_load %arg10[%swap3A_955] {strides = array<i32>} : memref<16xf32, #tpu.memory_space<vmem>>, vector<16xf32>,
    tpu.vector_store %arg10[%swap3A_955], %add3A_954 {strides = array<i32>} : memref<16xf32, #tpu.memory_space<vmem>>, vector<16xf32>,
    %xor3A_957 = arith.constant 2 : i32
    %xor3A_958 = vector.broadcast %xor3A_957 : i32 to vector<16xi32>
    %xor3A_959 = arith.xori %iota3A_940, %xor3A_958 : vector<16xi32>
    %gather3A_960 = tpu.vector_load_idx %arg10[%xor3A_959] : memref<16xf32, #tpu.memory_space<vmem>>[vector<16xi32>], vector<16xf32>,
    %add3A_961 = arith.addf %add3A_954, %gather3A_960 : vector<16xf32>
    %swap3A_962 = arith.constant 0 : index
    %swap3A_963 = tpu.vector_load %arg10[%swap3A_962] {strides = array<i32>} : memref<16xf32, #tpu.memory_space<vmem>>, vector<16xf32>,
    tpu.vector_store %arg10[%swap3A_962], %add3A_961 {strides = array<i32>} : memref<16xf32, #tpu.memory_space<vmem>>, vector<16xf32>,
    %xor3A_964 = arith.constant 1 : i32
    %xor3A_965 = vector.broadcast %xor3A_964 : i32 to vector<16xi32>
    %xor3A_966 = arith.xori %iota3A_940, %xor3A_965 : vector<16xi32>
    %gather3A_967 = tpu.vector_load_idx %arg10[%xor3A_966] : memref<16xf32, #tpu.memory_space<vmem>>[vector<16xi32>], vector<16xf32>,
    %add3A_968 = arith.addf %add3A_961, %gather3A_967 : vector<16xf32>
    %select_n3A_969 = arith.select %eq3A_939, %add3A_968, %select_n3A_936 : vector<16xi1>, vector<16xf32>
    %eq3A_970 = arith.constant 13 : i32
    %eq3A_971 = vector.broadcast %eq3A_970 : i32 to vector<16xi32>
    %eq3A_972 = arith.cmpi eq, %iota3A, %eq3A_971 : vector<16xi32>
    %iota3A_973 = tpu.iota {dimensions = array<i32: 0>} : vector<16xi32>
    %swap3A_974 = arith.constant 0 : index
    %swap3A_975 = tpu.vector_load %arg10[%swap3A_974] {strides = array<i32>} : memref<16xf32, #tpu.memory_space<vmem>>, vector<16xf32>,
    tpu.vector_store %arg10[%swap3A_974], %scan3A_539#13 {strides = array<i32>} : memref<16xf32, #tpu.memory_space<vmem>>, vector<16xf32>,
    %xor3A_976 = arith.constant 8 : i32
    %xor3A_977 = vector.broadcast %xor3A_976 : i32 to vector<16xi32>
    %xor3A_978 = arith.xori %iota3A_973, %xor3A_977 : vector<16xi32>
    %gather3A_979 = tpu.vector_load_idx %arg10[%xor3A_978] : memref<16xf32, #tpu.memory_space<vmem>>[vector<16xi32>], vector<16xf32>,
    %add3A_980 = arith.addf %scan3A_539#13, %gather3A_979 : vector<16xf32>
    %swap3A_981 = arith.constant 0 : index
    %swap3A_982 = tpu.vector_load %arg10[%swap3A_981] {strides = array<i32>} : memref<16xf32, #tpu.memory_space<vmem>>, vector<16xf32>,
    tpu.vector_store %arg10[%swap3A_981], %add3A_980 {strides = array<i32>} : memref<16xf32, #tpu.memory_space<vmem>>, vector<16xf32>,
    %xor3A_983 = arith.constant 4 : i32
    %xor3A_984 = vector.broadcast %xor3A_983 : i32 to vector<16xi32>
    %xor3A_985 = arith.xori %iota3A_973, %xor3A_984 : vector<16xi32>
    %gather3A_986 = tpu.vector_load_idx %arg10[%xor3A_985] : memref<16xf32, #tpu.memory_space<vmem>>[vector<16xi32>], vector<16xf32>,
    %add3A_987 = arith.addf %add3A_980, %gather3A_986 : vector<16xf32>
    %swap3A_988 = arith.constant 0 : index
    %swap3A_989 = tpu.vector_load %arg10[%swap3A_988] {strides = array<i32>} : memref<16xf32, #tpu.memory_space<vmem>>, vector<16xf32>,
    tpu.vector_store %arg10[%swap3A_988], %add3A_987 {strides = array<i32>} : memref<16xf32, #tpu.memory_space<vmem>>, vector<16xf32>,
    %xor3A_990 = arith.constant 2 : i32
    %xor3A_991 = vector.broadcast %xor3A_990 : i32 to vector<16xi32>
    %xor3A_992 = arith.xori %iota3A_973, %xor3A_991 : vector<16xi32>
    %gather3A_993 = tpu.vector_load_idx %arg10[%xor3A_992] : memref<16xf32, #tpu.memory_space<vmem>>[vector<16xi32>], vector<16xf32>,
    %add3A_994 = arith.addf %add3A_987, %gather3A_993 : vector<16xf32>
    %swap3A_995 = arith.constant 0 : index
    %swap3A_996 = tpu.vector_load %arg10[%swap3A_995] {strides = array<i32>} : memref<16xf32, #tpu.memory_space<vmem>>, vector<16xf32>,
    tpu.vector_store %arg10[%swap3A_995], %add3A_994 {strides = array<i32>} : memref<16xf32, #tpu.memory_space<vmem>>, vector<16xf32>,
    %xor3A_997 = arith.constant 1 : i32
    %xor3A_998 = vector.broadcast %xor3A_997 : i32 to vector<16xi32>
    %xor3A_999 = arith.xori %iota3A_973, %xor3A_998 : vector<16xi32>
    %gather3A_1000 = tpu.vector_load_idx %arg10[%xor3A_999] : memref<16xf32, #tpu.memory_space<vmem>>[vector<16xi32>], vector<16xf32>,
    %add3A_1001 = arith.addf %add3A_994, %gather3A_1000 : vector<16xf32>
    %select_n3A_1002 = arith.select %eq3A_972, %add3A_1001, %select_n3A_969 : vector<16xi1>, vector<16xf32>
    %eq3A_1003 = arith.constant 14 : i32
    %eq3A_1004 = vector.broadcast %eq3A_1003 : i32 to vector<16xi32>
    %eq3A_1005 = arith.cmpi eq, %iota3A, %eq3A_1004 : vector<16xi32>
    %iota3A_1006 = tpu.iota {dimensions = array<i32: 0>} : vector<16xi32>
    %swap3A_1007 = arith.constant 0 : index
    %swap3A_1008 = tpu.vector_load %arg10[%swap3A_1007] {strides = array<i32>} : memref<16xf32, #tpu.memory_space<vmem>>, vector<16xf32>,
    tpu.vector_store %arg10[%swap3A_1007], %scan3A_539#14 {strides = array<i32>} : memref<16xf32, #tpu.memory_space<vmem>>, vector<16xf32>,
    %xor3A_1009 = arith.constant 8 : i32
    %xor3A_1010 = vector.broadcast %xor3A_1009 : i32 to vector<16xi32>
    %xor3A_1011 = arith.xori %iota3A_1006, %xor3A_1010 : vector<16xi32>
    %gather3A_1012 = tpu.vector_load_idx %arg10[%xor3A_1011] : memref<16xf32, #tpu.memory_space<vmem>>[vector<16xi32>], vector<16xf32>,
    %add3A_1013 = arith.addf %scan3A_539#14, %gather3A_1012 : vector<16xf32>
    %swap3A_1014 = arith.constant 0 : index
    %swap3A_1015 = tpu.vector_load %arg10[%swap3A_1014] {strides = array<i32>} : memref<16xf32, #tpu.memory_space<vmem>>, vector<16xf32>,
    tpu.vector_store %arg10[%swap3A_1014], %add3A_1013 {strides = array<i32>} : memref<16xf32, #tpu.memory_space<vmem>>, vector<16xf32>,
    %xor3A_1016 = arith.constant 4 : i32
    %xor3A_1017 = vector.broadcast %xor3A_1016 : i32 to vector<16xi32>
    %xor3A_1018 = arith.xori %iota3A_1006, %xor3A_1017 : vector<16xi32>
    %gather3A_1019 = tpu.vector_load_idx %arg10[%xor3A_1018] : memref<16xf32, #tpu.memory_space<vmem>>[vector<16xi32>], vector<16xf32>,
    %add3A_1020 = arith.addf %add3A_1013, %gather3A_1019 : vector<16xf32>
    %swap3A_1021 = arith.constant 0 : index
    %swap3A_1022 = tpu.vector_load %arg10[%swap3A_1021] {strides = array<i32>} : memref<16xf32, #tpu.memory_space<vmem>>, vector<16xf32>,
    tpu.vector_store %arg10[%swap3A_1021], %add3A_1020 {strides = array<i32>} : memref<16xf32, #tpu.memory_space<vmem>>, vector<16xf32>,
    %xor3A_1023 = arith.constant 2 : i32
    %xor3A_1024 = vector.broadcast %xor3A_1023 : i32 to vector<16xi32>
    %xor3A_1025 = arith.xori %iota3A_1006, %xor3A_1024 : vector<16xi32>
    %gather3A_1026 = tpu.vector_load_idx %arg10[%xor3A_1025] : memref<16xf32, #tpu.memory_space<vmem>>[vector<16xi32>], vector<16xf32>,
    %add3A_1027 = arith.addf %add3A_1020, %gather3A_1026 : vector<16xf32>
    %swap3A_1028 = arith.constant 0 : index
    %swap3A_1029 = tpu.vector_load %arg10[%swap3A_1028] {strides = array<i32>} : memref<16xf32, #tpu.memory_space<vmem>>, vector<16xf32>,
    tpu.vector_store %arg10[%swap3A_1028], %add3A_1027 {strides = array<i32>} : memref<16xf32, #tpu.memory_space<vmem>>, vector<16xf32>,
    %xor3A_1030 = arith.constant 1 : i32
    %xor3A_1031 = vector.broadcast %xor3A_1030 : i32 to vector<16xi32>
    %xor3A_1032 = arith.xori %iota3A_1006, %xor3A_1031 : vector<16xi32>
    %gather3A_1033 = tpu.vector_load_idx %arg10[%xor3A_1032] : memref<16xf32, #tpu.memory_space<vmem>>[vector<16xi32>], vector<16xf32>,
    %add3A_1034 = arith.addf %add3A_1027, %gather3A_1033 : vector<16xf32>
    %select_n3A_1035 = arith.select %eq3A_1005, %add3A_1034, %select_n3A_1002 : vector<16xi1>, vector<16xf32>
    %eq3A_1036 = arith.constant 15 : i32
    %eq3A_1037 = vector.broadcast %eq3A_1036 : i32 to vector<16xi32>
    %eq3A_1038 = arith.cmpi eq, %iota3A, %eq3A_1037 : vector<16xi32>
    %iota3A_1039 = tpu.iota {dimensions = array<i32: 0>} : vector<16xi32>
    %swap3A_1040 = arith.constant 0 : index
    %swap3A_1041 = tpu.vector_load %arg10[%swap3A_1040] {strides = array<i32>} : memref<16xf32, #tpu.memory_space<vmem>>, vector<16xf32>,
    tpu.vector_store %arg10[%swap3A_1040], %scan3A_539#15 {strides = array<i32>} : memref<16xf32, #tpu.memory_space<vmem>>, vector<16xf32>,
    %xor3A_1042 = arith.constant 8 : i32
    %xor3A_1043 = vector.broadcast %xor3A_1042 : i32 to vector<16xi32>
    %xor3A_1044 = arith.xori %iota3A_1039, %xor3A_1043 : vector<16xi32>
    %gather3A_1045 = tpu.vector_load_idx %arg10[%xor3A_1044] : memref<16xf32, #tpu.memory_space<vmem>>[vector<16xi32>], vector<16xf32>,
    %add3A_1046 = arith.addf %scan3A_539#15, %gather3A_1045 : vector<16xf32>
    %swap3A_1047 = arith.constant 0 : index
    %swap3A_1048 = tpu.vector_load %arg10[%swap3A_1047] {strides = array<i32>} : memref<16xf32, #tpu.memory_space<vmem>>, vector<16xf32>,
    tpu.vector_store %arg10[%swap3A_1047], %add3A_1046 {strides = array<i32>} : memref<16xf32, #tpu.memory_space<vmem>>, vector<16xf32>,
    %xor3A_1049 = arith.constant 4 : i32
    %xor3A_1050 = vector.broadcast %xor3A_1049 : i32 to vector<16xi32>
    %xor3A_1051 = arith.xori %iota3A_1039, %xor3A_1050 : vector<16xi32>
    %gather3A_1052 = tpu.vector_load_idx %arg10[%xor3A_1051] : memref<16xf32, #tpu.memory_space<vmem>>[vector<16xi32>], vector<16xf32>,
    %add3A_1053 = arith.addf %add3A_1046, %gather3A_1052 : vector<16xf32>
    %swap3A_1054 = arith.constant 0 : index
    %swap3A_1055 = tpu.vector_load %arg10[%swap3A_1054] {strides = array<i32>} : memref<16xf32, #tpu.memory_space<vmem>>, vector<16xf32>,
    tpu.vector_store %arg10[%swap3A_1054], %add3A_1053 {strides = array<i32>} : memref<16xf32, #tpu.memory_space<vmem>>, vector<16xf32>,
    %xor3A_1056 = arith.constant 2 : i32
    %xor3A_1057 = vector.broadcast %xor3A_1056 : i32 to vector<16xi32>
    %xor3A_1058 = arith.xori %iota3A_1039, %xor3A_1057 : vector<16xi32>
    %gather3A_1059 = tpu.vector_load_idx %arg10[%xor3A_1058] : memref<16xf32, #tpu.memory_space<vmem>>[vector<16xi32>], vector<16xf32>,
    %add3A_1060 = arith.addf %add3A_1053, %gather3A_1059 : vector<16xf32>
    %swap3A_1061 = arith.constant 0 : index
    %swap3A_1062 = tpu.vector_load %arg10[%swap3A_1061] {strides = array<i32>} : memref<16xf32, #tpu.memory_space<vmem>>, vector<16xf32>,
    tpu.vector_store %arg10[%swap3A_1061], %add3A_1060 {strides = array<i32>} : memref<16xf32, #tpu.memory_space<vmem>>, vector<16xf32>,
    %xor3A_1063 = arith.constant 1 : i32
    %xor3A_1064 = vector.broadcast %xor3A_1063 : i32 to vector<16xi32>
    %xor3A_1065 = arith.xori %iota3A_1039, %xor3A_1064 : vector<16xi32>
    %gather3A_1066 = tpu.vector_load_idx %arg10[%xor3A_1065] : memref<16xf32, #tpu.memory_space<vmem>>[vector<16xi32>], vector<16xf32>,
    %add3A_1067 = arith.addf %add3A_1060, %gather3A_1066 : vector<16xf32>
    %select_n3A_1068 = arith.select %eq3A_1038, %add3A_1067, %select_n3A_1035 : vector<16xi1>, vector<16xf32>
    %swap3A_1069 = arith.constant 0 : index
    %swap3A_1070 = tpu.vector_load %arg9[%swap3A_1069] {strides = array<i32>} : memref<16xf32, #tpu.memory_space<vmem>>, vector<16xf32>,
    tpu.vector_store %arg9[%swap3A_1069], %select_n3A_1068 {strides = array<i32>} : memref<16xf32, #tpu.memory_space<vmem>>, vector<16xf32>,
    "tpu.region"() ({
      %run_scoped3A = tpu.sem_alloc : memref<!tpu.dma_semaphore, #tpu.memory_space<semaphore_mem>>
      %dma_start3A = arith.constant 0 : i32
      %dma_start3A_1071 = tpu.memref_slice %arg4[%add3A, %dma_start3A] : memref<32x16xf32, #tpu.memory_space<hbm>> -> memref<1x16xf32, #tpu.memory_space<hbm>>
      %dma_start3A_1072 = tpu.memref_squeeze %dma_start3A_1071 : memref<1x16xf32, #tpu.memory_space<hbm>> -> memref<16xf32, #tpu.memory_space<hbm>>
      %dma_start3A_1073 = arith.constant 0 : i32
      %dma_start3A_1074 = tpu.memref_slice %arg4[%add3A, %dma_start3A_1073] : memref<32x16xf32, #tpu.memory_space<hbm>> -> memref<1x16xf32, #tpu.memory_space<hbm>>
      %dma_start3A_1075 = tpu.memref_squeeze %dma_start3A_1074 : memref<1x16xf32, #tpu.memory_space<hbm>> -> memref<16xf32, #tpu.memory_space<hbm>>
      tpu.enqueue_dma source(%arg8 : memref<16xf32, #tpu.memory_space<vmem>>) target(%dma_start3A_1075 : memref<16xf32, #tpu.memory_space<hbm>>) target_semaphore(%run_scoped3A : memref<!tpu.dma_semaphore, #tpu.memory_space<semaphore_mem>>)
      %dma_wait3A = arith.constant 0 : i32
      %dma_wait3A_1076 = tpu.memref_slice %arg4[%add3A, %dma_wait3A] : memref<32x16xf32, #tpu.memory_space<hbm>> -> memref<1x16xf32, #tpu.memory_space<hbm>>
      %dma_wait3A_1077 = tpu.memref_squeeze %dma_wait3A_1076 : memref<1x16xf32, #tpu.memory_space<hbm>> -> memref<16xf32, #tpu.memory_space<hbm>>
      %dma_wait3A_1078 = arith.constant 0 : i32
      %dma_wait3A_1079 = tpu.memref_slice %arg4[%add3A, %dma_wait3A_1078] : memref<32x16xf32, #tpu.memory_space<hbm>> -> memref<1x16xf32, #tpu.memory_space<hbm>>
      %dma_wait3A_1080 = tpu.memref_squeeze %dma_wait3A_1079 : memref<1x16xf32, #tpu.memory_space<hbm>> -> memref<16xf32, #tpu.memory_space<hbm>>
      tpu.wait_dma2 semaphore(%run_scoped3A : memref<!tpu.dma_semaphore, #tpu.memory_space<semaphore_mem>>) src(%arg8 : memref<16xf32, #tpu.memory_space<vmem>>) dst(%dma_wait3A_1080 : memref<16xf32, #tpu.memory_space<hbm>>)
      tpu.yield
    }) : () -> ()
    "tpu.region"() ({
      %run_scoped3A = tpu.sem_alloc : memref<!tpu.dma_semaphore, #tpu.memory_space<semaphore_mem>>
      %dma_start3A = arith.constant 0 : i32
      %dma_start3A_1071 = tpu.memref_slice %arg5[%add3A, %dma_start3A] : memref<32x16xf32, #tpu.memory_space<hbm>> -> memref<1x16xf32, #tpu.memory_space<hbm>>
      %dma_start3A_1072 = tpu.memref_squeeze %dma_start3A_1071 : memref<1x16xf32, #tpu.memory_space<hbm>> -> memref<16xf32, #tpu.memory_space<hbm>>
      %dma_start3A_1073 = arith.constant 0 : i32
      %dma_start3A_1074 = tpu.memref_slice %arg5[%add3A, %dma_start3A_1073] : memref<32x16xf32, #tpu.memory_space<hbm>> -> memref<1x16xf32, #tpu.memory_space<hbm>>
      %dma_start3A_1075 = tpu.memref_squeeze %dma_start3A_1074 : memref<1x16xf32, #tpu.memory_space<hbm>> -> memref<16xf32, #tpu.memory_space<hbm>>
      tpu.enqueue_dma source(%arg9 : memref<16xf32, #tpu.memory_space<vmem>>) target(%dma_start3A_1075 : memref<16xf32, #tpu.memory_space<hbm>>) target_semaphore(%run_scoped3A : memref<!tpu.dma_semaphore, #tpu.memory_space<semaphore_mem>>)
      %dma_wait3A = arith.constant 0 : i32
      %dma_wait3A_1076 = tpu.memref_slice %arg5[%add3A, %dma_wait3A] : memref<32x16xf32, #tpu.memory_space<hbm>> -> memref<1x16xf32, #tpu.memory_space<hbm>>
      %dma_wait3A_1077 = tpu.memref_squeeze %dma_wait3A_1076 : memref<1x16xf32, #tpu.memory_space<hbm>> -> memref<16xf32, #tpu.memory_space<hbm>>
      %dma_wait3A_1078 = arith.constant 0 : i32
      %dma_wait3A_1079 = tpu.memref_slice %arg5[%add3A, %dma_wait3A_1078] : memref<32x16xf32, #tpu.memory_space<hbm>> -> memref<1x16xf32, #tpu.memory_space<hbm>>
      %dma_wait3A_1080 = tpu.memref_squeeze %dma_wait3A_1079 : memref<1x16xf32, #tpu.memory_space<hbm>> -> memref<16xf32, #tpu.memory_space<hbm>>
      tpu.wait_dma2 semaphore(%run_scoped3A : memref<!tpu.dma_semaphore, #tpu.memory_space<semaphore_mem>>) src(%arg9 : memref<16xf32, #tpu.memory_space<vmem>>) dst(%dma_wait3A_1080 : memref<16xf32, #tpu.memory_space<hbm>>)
      tpu.yield
    }) : () -> ()
    return
  }
}

module attributes {stable_mosaic.version = 14 : i64} {
  func.func @_proj_body(%arg0: i32, %arg1: memref<16384x128xf32, #tpu.memory_space<vmem>>, %arg2: memref<16x128xf32, #tpu.memory_space<vmem>>, %arg3: memref<8x16384xf32, #tpu.memory_space<vmem>>, %arg4: memref<16384xf32, #tpu.memory_space<vmem>>) attributes {dimension_semantics = [#tpu.dimension_semantics<arbitrary>], iteration_bounds = array<i64: 2>, scalar_prefetch = 0 : i64, scratch_operands = 0 : i64, tpu.core_type = #tpu.core_type<tc>, window_params = [{transform_indices = @transform_0, window_bounds = array<i64: 16384, 128>}, {pipeline_mode = #tpu.pipeline_mode<synchronous>, transform_indices = @transform_1, window_bounds = array<i64: 16, 128>}, {transform_indices = @transform_2, window_bounds = array<i64: 8, 16384>}, {transform_indices = @transform_3, window_bounds = array<i64: 16384>}]} {
    %get3A = arith.constant 0 : index
    %get3A_0 = arith.constant 0 : index
    %get3A_1 = vector.load %arg2[%get3A, %get3A_0] : memref<16x128xf32, #tpu.memory_space<vmem>>, vector<16x128xf32>
    %get3A_2 = arith.constant 0 : index
    %get3A_3 = arith.constant 0 : index
    %get3A_4 = vector.load %arg1[%get3A_2, %get3A_3] : memref<16384x128xf32, #tpu.memory_space<vmem>>, vector<16384x128xf32>
    %dot_general3A = arith.constant dense<0.000000e+00> : vector<16x16384xf32>
    %dot_general3A_5 = tpu.matmul %get3A_1, %get3A_4, %dot_general3A {dimension_numbers = #tpu.dot_dimension_numbers<[1], [1], [0], [0], [0, 0, 1, 0], [], []>, transpose_lhs_hint = false} : vector<16x128xf32>, vector<16384x128xf32>, vector<16x16384xf32> -> vector<16x16384xf32>
    %mul3A = arith.constant 7.812500e-03 : f32
    %mul3A_6 = vector.broadcast %mul3A : f32 to vector<16x16384xf32>
    %mul3A_7 = arith.mulf %dot_general3A_5, %mul3A_6 : vector<16x16384xf32>
    %slice3A = vector.extract_strided_slice %mul3A_7 {offsets = [8, 0], sizes = [1, 16384], strides = [1, 1]} : vector<16x16384xf32> to vector<1x16384xf32>
    %squeeze3A = vector.shape_cast %slice3A : vector<1x16384xf32> to vector<16384xf32>
    %swap3A = arith.constant 0 : index
    %swap3A_8 = vector.load %arg4[%swap3A] : memref<16384xf32, #tpu.memory_space<vmem>>, vector<16384xf32>
    tpu.vector_store %arg4[%swap3A], %squeeze3A {strides = array<i32>} : memref<16384xf32, #tpu.memory_space<vmem>>, vector<16384xf32>,
    %slice3A_9 = vector.extract_strided_slice %mul3A_7 {offsets = [0, 0], sizes = [8, 16384], strides = [1, 1]} : vector<16x16384xf32> to vector<8x16384xf32>
    %reduce_max3A = arith.constant dense<0xFF800000> : vector<16384xf32>
    %reduce_max3A_10 = vector.multi_reduction <maximumf>, %slice3A_9, %reduce_max3A [0] : vector<8x16384xf32> to vector<16384xf32>
    %broadcast_in_dim3A = vector.shape_cast %reduce_max3A_10 : vector<16384xf32> to vector<1x16384xf32>
    %sub3A = vector.broadcast %broadcast_in_dim3A : vector<1x16384xf32> to vector<8x16384xf32>
    %sub3A_11 = arith.subf %slice3A_9, %sub3A : vector<8x16384xf32>
    %exp3A = math.exp %sub3A_11 : vector<8x16384xf32>
    %reduce_sum3A = arith.constant dense<0.000000e+00> : vector<16384xf32>
    %reduce_sum3A_12 = vector.multi_reduction <add>, %exp3A, %reduce_sum3A [0] : vector<8x16384xf32> to vector<16384xf32>
    %broadcast_in_dim3A_13 = vector.shape_cast %reduce_sum3A_12 : vector<16384xf32> to vector<1x16384xf32>
    %log3A = math.log %broadcast_in_dim3A_13 : vector<1x16384xf32>
    %sub3A_14 = vector.broadcast %broadcast_in_dim3A : vector<1x16384xf32> to vector<8x16384xf32>
    %sub3A_15 = arith.subf %slice3A_9, %sub3A_14 : vector<8x16384xf32>
    %sub3A_16 = vector.broadcast %log3A : vector<1x16384xf32> to vector<8x16384xf32>
    %sub3A_17 = arith.subf %sub3A_15, %sub3A_16 : vector<8x16384xf32>
    %swap3A_18 = arith.constant 0 : index
    %swap3A_19 = arith.constant 0 : index
    %swap3A_20 = vector.load %arg3[%swap3A_18, %swap3A_19] : memref<8x16384xf32, #tpu.memory_space<vmem>>, vector<8x16384xf32>
    tpu.vector_store %arg3[%swap3A_18, %swap3A_19], %sub3A_17 {strides = array<i32>} : memref<8x16384xf32, #tpu.memory_space<vmem>>, vector<8x16384xf32>,
    return
  }
  func.func @transform_0(%arg0: i32) -> (i32, i32) {
    %c0_i32 = arith.constant 0 : i32
    %c0_i32_0 = arith.constant 0 : i32
    return %arg0, %c0_i32 : i32, i32
  }
  func.func @transform_1(%arg0: i32) -> (i32, i32) {
    %c0_i32 = arith.constant 0 : i32
    %c0_i32_0 = arith.constant 0 : i32
    %c0_i32_1 = arith.constant 0 : i32
    return %c0_i32, %c0_i32_0 : i32, i32
  }
  func.func @transform_2(%arg0: i32) -> (i32, i32) {
    %c0_i32 = arith.constant 0 : i32
    %c0_i32_0 = arith.constant 0 : i32
    return %c0_i32, %arg0 : i32, i32
  }
  func.func @transform_3(%arg0: i32) -> i32 {
    %c0_i32 = arith.constant 0 : i32
    return %arg0 : i32
  }
}

module attributes {stable_mosaic.version = 14 : i64} {
  func.func @_apply_body(%arg0: i32, %arg1: memref<8x16384xf32, #tpu.memory_space<vmem>>, %arg2: memref<16384xf32, #tpu.memory_space<vmem>>, %arg3: memref<1x1x16384xi32, #tpu.memory_space<vmem>>, %arg4: memref<32x16xf32, #tpu.memory_space<vmem>>, %arg5: memref<32x16xf32, #tpu.memory_space<vmem>>, %arg6: memref<16384x8xf32, #tpu.memory_space<vmem>>) attributes {dimension_semantics = [#tpu.dimension_semantics<arbitrary>], iteration_bounds = array<i64: 2>, scalar_prefetch = 0 : i64, scratch_operands = 0 : i64, tpu.core_type = #tpu.core_type<tc>, window_params = [{transform_indices = @transform_0, window_bounds = array<i64: 8, 16384>}, {transform_indices = @transform_1, window_bounds = array<i64: 16384>}, {transform_indices = @transform_2, window_bounds = array<i64: 1, 1, 16384>}, {pipeline_mode = #tpu.pipeline_mode<synchronous>, transform_indices = @transform_3, window_bounds = array<i64: 32, 16>}, {pipeline_mode = #tpu.pipeline_mode<synchronous>, transform_indices = @transform_4, window_bounds = array<i64: 32, 16>}, {transform_indices = @transform_5, window_bounds = array<i64: 16384, 8>}]} {
    %get3A = arith.constant 0 : index
    %get3A_0 = arith.constant 0 : index
    %get3A_1 = vector.load %arg4[%get3A, %get3A_0] : memref<32x16xf32, #tpu.memory_space<vmem>>, vector<32x16xf32>
    %get3A_2 = arith.constant 0 : index
    %get3A_3 = arith.constant 0 : index
    %get3A_4 = vector.load %arg5[%get3A_2, %get3A_3] : memref<32x16xf32, #tpu.memory_space<vmem>>, vector<32x16xf32>
    %reduce_max3A = arith.constant dense<0xFF800000> : vector<16xf32>
    %reduce_max3A_5 = vector.multi_reduction <maximumf>, %get3A_1, %reduce_max3A [0] : vector<32x16xf32> to vector<16xf32>
    %broadcast_in_dim3A = vector.shape_cast %reduce_max3A_5 : vector<16xf32> to vector<1x16xf32>
    %eq3A = vector.broadcast %broadcast_in_dim3A : vector<1x16xf32> to vector<32x16xf32>
    %eq3A_6 = arith.cmpf oeq, %get3A_1, %eq3A : vector<32x16xf32>
    %sub3A = vector.broadcast %broadcast_in_dim3A : vector<1x16xf32> to vector<32x16xf32>
    %sub3A_7 = arith.subf %get3A_1, %sub3A : vector<32x16xf32>
    %exp3A = math.exp %sub3A_7 : vector<32x16xf32>
    %jit3A = arith.constant 1.000000e+00 : f32
    %broadcast_in_dim3A_8 = vector.broadcast %jit3A : f32 to vector<32x16xf32>
    %select_n3A = arith.select %eq3A_6, %broadcast_in_dim3A_8, %exp3A : vector<32x16xi1>, vector<32x16xf32>
    %mul3A = arith.mulf %get3A_4, %select_n3A : vector<32x16xf32>
    %reduce_sum3A = arith.constant dense<0.000000e+00> : vector<16xf32>
    %reduce_sum3A_9 = vector.multi_reduction <add>, %mul3A, %reduce_sum3A [0] : vector<32x16xf32> to vector<16xf32>
    %broadcast_in_dim3A_10 = vector.shape_cast %reduce_sum3A_9 : vector<16xf32> to vector<1x16xf32>
    %eq3A_11 = arith.constant 0xFF800000 : f32
    %eq3A_12 = vector.broadcast %eq3A_11 : f32 to vector<1x16xf32>
    %eq3A_13 = arith.cmpf oeq, %broadcast_in_dim3A, %eq3A_12 : vector<1x16xf32>
    %jit3A_14 = arith.constant 0.000000e+00 : f32
    %broadcast_in_dim3A_15 = vector.broadcast %jit3A_14 : f32 to vector<1x16xf32>
    %select_n3A_16 = arith.select %eq3A_13, %broadcast_in_dim3A_15, %broadcast_in_dim3A : vector<1x16xi1>, vector<1x16xf32>
    %add3A = arith.constant 9.99999996E-13 : f32
    %add3A_17 = vector.broadcast %add3A : f32 to vector<1x16xf32>
    %add3A_18 = arith.addf %broadcast_in_dim3A_10, %add3A_17 : vector<1x16xf32>
    %log3A = math.log %add3A_18 : vector<1x16xf32>
    %add3A_19 = arith.addf %select_n3A_16, %log3A : vector<1x16xf32>
    %get3A_20 = arith.constant 0 : index
    %get3A_21 = arith.constant 0 : index
    %get3A_22 = arith.constant 0 : index
    %get3A_23 = vector.load %arg3[%get3A_20, %get3A_21, %get3A_22] : memref<1x1x16384xi32, #tpu.memory_space<vmem>>, vector<1x1x16384xi32>
    %get3A_24 = vector.shape_cast %get3A_23 : vector<1x1x16384xi32> to vector<1x16384xi32>
    %iota3A = tpu.iota {dimensions = array<i32: 0>} : vector<16x16384xi32>
    %eq3A_25 = vector.broadcast %get3A_24 : vector<1x16384xi32> to vector<16x16384xi32>
    %eq3A_26 = arith.cmpi eq, %iota3A, %eq3A_25 : vector<16x16384xi32>
    %reshape3A = vector.shape_cast %add3A_19 : vector<1x16xf32> to vector<16x1xf32>
    %broadcast_in_dim3A_27 = vector.shape_cast %reshape3A : vector<16x1xf32> to vector<16x1xf32>
    %broadcast_in_dim3A_28 = vector.broadcast %broadcast_in_dim3A_27 : vector<16x1xf32> to vector<16x16384xf32>
    %jit3A_29 = arith.constant 0.000000e+00 : f32
    %broadcast_in_dim3A_30 = vector.broadcast %jit3A_29 : f32 to vector<16x16384xf32>
    %select_n3A_31 = arith.select %eq3A_26, %broadcast_in_dim3A_28, %broadcast_in_dim3A_30 : vector<16x16384xi1>, vector<16x16384xf32>
    %reduce_sum3A_32 = arith.constant dense<0.000000e+00> : vector<16384xf32>
    %reduce_sum3A_33 = vector.multi_reduction <add>, %select_n3A_31, %reduce_sum3A_32 [0] : vector<16x16384xf32> to vector<16384xf32>
    %broadcast_in_dim3A_34 = vector.shape_cast %reduce_sum3A_33 : vector<16384xf32> to vector<1x16384xf32>
    %get3A_35 = arith.constant 0 : index
    %get3A_36 = vector.load %arg2[%get3A_35] : memref<16384xf32, #tpu.memory_space<vmem>>, vector<16384xf32>
    %reshape3A_37 = vector.shape_cast %get3A_36 : vector<16384xf32> to vector<1x16384xf32>
    %sub3A_38 = arith.subf %reshape3A_37, %broadcast_in_dim3A_34 : vector<1x16384xf32>
    %get3A_39 = arith.constant 0 : index
    %get3A_40 = arith.constant 0 : index
    %get3A_41 = vector.load %arg1[%get3A_39, %get3A_40] : memref<8x16384xf32, #tpu.memory_space<vmem>>, vector<8x16384xf32>
    %add3A_42 = vector.broadcast %sub3A_38 : vector<1x16384xf32> to vector<8x16384xf32>
    %add3A_43 = arith.addf %get3A_41, %add3A_42 : vector<8x16384xf32>
    %transpose3A = tpu.transpose %add3A_43, [1, 0] : vector<8x16384xf32> -> vector<16384x8xf32>
    %swap3A = arith.constant 0 : index
    %swap3A_44 = arith.constant 0 : index
    %swap3A_45 = vector.load %arg6[%swap3A, %swap3A_44] : memref<16384x8xf32, #tpu.memory_space<vmem>>, vector<16384x8xf32>
    tpu.vector_store %arg6[%swap3A, %swap3A_44], %transpose3A {strides = array<i32>} : memref<16384x8xf32, #tpu.memory_space<vmem>>, vector<16384x8xf32>,
    return
  }
  func.func @transform_0(%arg0: i32) -> (i32, i32) {
    %c0_i32 = arith.constant 0 : i32
    %c0_i32_0 = arith.constant 0 : i32
    return %c0_i32, %arg0 : i32, i32
  }
  func.func @transform_1(%arg0: i32) -> i32 {
    %c0_i32 = arith.constant 0 : i32
    return %arg0 : i32
  }
  func.func @transform_2(%arg0: i32) -> (i32, i32, i32) {
    %c0_i32 = arith.constant 0 : i32
    %c0_i32_0 = arith.constant 0 : i32
    %c0_i32_1 = arith.constant 0 : i32
    return %arg0, %c0_i32, %c0_i32_0 : i32, i32, i32
  }
  func.func @transform_3(%arg0: i32) -> (i32, i32) {
    %c0_i32 = arith.constant 0 : i32
    %c0_i32_0 = arith.constant 0 : i32
    %c0_i32_1 = arith.constant 0 : i32
    return %c0_i32, %c0_i32_0 : i32, i32
  }
  func.func @transform_4(%arg0: i32) -> (i32, i32) {
    %c0_i32 = arith.constant 0 : i32
    %c0_i32_0 = arith.constant 0 : i32
    %c0_i32_1 = arith.constant 0 : i32
    return %c0_i32, %c0_i32_0 : i32, i32
  }
  func.func @transform_5(%arg0: i32) -> (i32, i32) {
    %c0_i32 = arith.constant 0 : i32
    %c0_i32_0 = arith.constant 0 : i32
    return %arg0, %c0_i32 : i32, i32
  }
}

</mosaic_0001>

<sc_bundles>
// kernel: kernel.5.cloned.1.call-start
scs
__scs_entry_jumppad:
0x0: {  	(pc) =	sbr.rel $0x88, $3  }
0x1: {  	(tag) =	ssettag $0x0;
	lr =	simm.s32 $0x1  }
0x2: {  	[smem:$0x3F9D] =	sst lr;
	_ =	strace $0xD0000000  }
0x3: {  	_ = 	snop  }
0x4: {  	_ = 	snop  }
0x5: {  	_ = 	snop  }
0x6: {  	_ = 	snop  }
0x7: {  	_ = 	snop  }
__scs_overlays_trampoline_lowered:
0x8: {  	[smem:$0x3FAC] =	sst s0  }
0x9: {  	[smem:$0x3FAD] =	sst s1  }
0xa: {  	[smem:$0x3FAE] =	sst s2  }
0xb: {  	[smem:$0x3FAF] =	sst s3  }
0xc: {  	[smem:$0x3FB0] =	sst s4  }
0xd: {  	[smem:$0x3FB1] =	sst s5  }
0xe: {  	[smem:$0x3FB2] =	sst s6  }
0xf: {  	[smem:$0x3FB3] =	sst s7  }
0x10: {  	[smem:$0x3FB4] =	sst s8  }
0x11: {  	[smem:$0x3FB5] =	sst s9;
	s0 =	simm.s32 @!p0 $0x0  }
0x12: {  	s1 =	sld [smem:$0x3F9B];
	s0 =	simm.s32 @p0 $0x1  }
0x13: {  	[smem:$0x3FB6] =	sst s0;
	s0 =	simm.s32 @!p1 $0x0  }
0x14: {  	s2 =	sld [smem:$0x3F9A];
	s0 =	simm.s32 @p1 $0x1  }
0x15: {  	[smem:$0x3FB7] =	sst s0;
	s0 =	simm.s32 @!p2 $0x0  }
0x16: {  	s3 =	sld [smem:$0x3FDB];
	s0 =	simm.s32 @p2 $0x1  }
0x17: {  	s4 =	simm.s32 $0x1BF5;
	[smem:$0x3FB9] =	sst s0  }
0x18: {  	s0 =	sld [smem:$0x3F9C];
	_ =	swait.ge [sflag:s4], $0x0  }
0x19: {  	s7 =	sld [smem:$0x3F9D]  }
0x1a: {  	s8 =	sadd.s32 $0xFFFFE003, lr  }
0x1b: {  	s9 =	sadd.s32 $0xFFFFFEF7, lr;
	s5 =	simm.s32 $0xFFFFFFFF;
	p2 =	slt.u32 s8, $0xFFFFF086  }
0x1c: {  	p1 =	slt.u32 s9, $0xF7A;
	s5 =	simm.s32 @!p2 $0x0  }
0x1d: {  	s5 =	simm.s32 @p1 $0x1;
	p0 =	seq.s32 s7, s2  }
0x1e: {  	s7 =	smul.u32 @!p0 $0xF7A, s2;
	p2 =	seq.s32 @!p0 s5, $0x0  }
0x1f: {  	s9 =	smul.u32 $0xF7A, s1;
	s8 =	simm.s32 @!p0 $0x1BF5;
	p2 =	por !p2, p0  }
0x20: {  	[sflag:s8] =	ssyncset.s32 @!p0 $0xFFFFF086;
	s6 =	sadd.s32 @!p0 s3, s7;
	s7 =	simm.s32 @!p0 $0x108  }
0x21: {  	s3 =	sadd.s32 s3, s9;
	s6 =	sadd.s32 @!p0 $0x88, s6;
	s7 =	simm.s32 @p2 $0x1082  }
0x22: {  	[simem:s7], [sflag:s8] =	dma.local @!p0 [hbm:s6], $0xF7A  }
0x23: {  	s9 =	sor.u32 $0xD0000000, s2;
	s6 =	simm.s32 $0x108;
	_ =	swait.ge @!p0 [sflag:s8], $0x0  }
0x24: {  	s3 =	sadd.s32 $0x88, s3;
	s6 =	simm.s32 @!p1 $0x1082;
	[sflag:s4] =	ssyncset.s32 $0xFFFFF086  }
0x25: {  	[simem:s6], [sflag:s4] =	dma.local [hbm:s3], $0xF7A  }
0x26: {  	[smem:$0x3F9D] =	sst s1;
	(tag) =	ssettag s2;
	_ =	strace s9  }
0x27: {  	s1 =	sld [smem:$0x3FAD]  }
0x28: {  	s2 =	sld [smem:$0x3FAE]  }
0x29: {  	s4 =	sld [smem:$0x3FB0]  }
0x2a: {  	p0 =	seq.s32 s5, $0x0;
	s5 =	sld [smem:$0x3FB1]  }
0x2b: {  	s6 =	sld [smem:$0x3FB2]  }
0x2c: {  	s7 =	sld [smem:$0x3FB3]  }
0x2d: {  	s3 =	simm.s32 $0x108;
	s8 =	sld [smem:$0x3FB4]  }
0x2e: {  	s3 =	simm.s32 @!p0 $0x1082;
	s9 =	sld [smem:$0x3FB5]  }
0x2f: {  	lr =	sadd.s32 s0, s3;
	s0 =	sld [smem:$0x3FAC]  }
0x30: {  	s3 =	sld [smem:$0x3FAF]  }
0x31: {  	[smem:$0x3FB8] =	sst s10  }
0x32: {  	s10 =	sld [smem:$0x3FB6];
	_ =	sdelay $0x3  }
0x33: {  	p0 =	seq.s32 s10, $0x1;
	s10 =	sld [smem:$0x3FB8];
	_ =	sdelay $0x3  }
0x34: {  	[smem:$0x3FB8] =	sst s10  }
0x35: {  	s10 =	sld [smem:$0x3FB7];
	_ =	sdelay $0x3  }
0x36: {  	p1 =	seq.s32 s10, $0x1;
	s10 =	sld [smem:$0x3FB8];
	_ =	sdelay $0x3  }
0x37: {  	[smem:$0x3FB8] =	sst s10  }
0x38: {  	s10 =	sld [smem:$0x3FB9]  }
0x39: {  	_ = 	snop;
	(pc) =	sbr.ind lr, $3  }
0x3a: {  	_ = 	snop  }
0x3b: {  	_ = 	snop  }
0x3c: {  	p2 =	seq.s32 s10, $0x1;
	s10 =	sld [smem:$0x3FB8]  }
0x3d: {  	_ =	shalt  }
0x3e: {  	_ =	shalt  }
0x3f: {  	_ =	shalt  }
0x40: {  	_ =	shalt  }
0x41: {  	_ =	shalt  }
0x42: {  	_ =	shalt  }
0x43: {  	_ =	shalt  }
0x44: {  	_ =	shalt  }
0x45: {  	_ =	shalt  }
0x46: {  	_ =	shalt  }
0x47: {  	_ =	shalt  }
0x48: {  	_ =	shalt  }
0x49: {  	_ =	shalt  }
0x4a: {  	_ =	shalt  }
0x4b: {  	_ =	shalt  }
0x4c: {  	_ =	shalt  }
0x4d: {  	_ =	shalt  }
0x4e: {  	_ =	shalt  }
0x4f: {  	_ =	shalt  }
0x50: {  	_ =	shalt  }
0x51: {  	_ =	shalt  }
0x52: {  	_ =	shalt  }
0x53: {  	_ =	shalt  }
0x54: {  	_ =	shalt  }
0x55: {  	_ =	shalt  }
0x56: {  	_ =	shalt  }
0x57: {  	_ =	shalt  }
0x58: {  	_ =	shalt  }
0x59: {  	_ =	shalt  }
0x5a: {  	_ =	shalt  }
0x5b: {  	_ =	shalt  }
0x5c: {  	_ =	shalt  }
0x5d: {  	_ =	shalt  }
0x5e: {  	_ =	shalt  }
0x5f: {  	_ =	shalt  }
0x60: {  	_ =	shalt  }
0x61: {  	_ =	shalt  }
0x62: {  	_ =	shalt  }
0x63: {  	_ =	shalt  }
0x64: {  	_ =	shalt  }
0x65: {  	_ =	shalt  }
0x66: {  	_ =	shalt  }
0x67: {  	_ =	shalt  }
0x68: {  	_ =	shalt  }
0x69: {  	_ =	shalt  }
0x6a: {  	_ =	shalt  }
0x6b: {  	_ =	shalt  }
0x6c: {  	_ =	shalt  }
0x6d: {  	_ =	shalt  }
0x6e: {  	_ =	shalt  }
0x6f: {  	_ =	shalt  }
0x70: {  	_ =	shalt  }
0x71: {  	_ =	shalt  }
0x72: {  	_ =	shalt  }
0x73: {  	_ =	shalt  }
0x74: {  	_ =	shalt  }
0x75: {  	_ =	shalt  }
0x76: {  	_ =	shalt  }
0x77: {  	_ =	shalt  }
0x78: {  	_ =	shalt  }
0x79: {  	_ =	shalt  }
0x7a: {  	_ =	shalt  }
0x7b: {  	_ =	shalt  }
0x7c: {  	_ =	shalt  }
0x7d: {  	_ =	shalt  }
0x7e: {  	_ =	shalt  }
0x7f: {  	_ =	shalt  }
0x80: {  	_ =	shalt  }
0x81: {  	_ =	shalt  }
0x82: {  	_ =	shalt  }
0x83: {  	_ =	shalt  }
0x84: {  	_ =	shalt  }
0x85: {  	_ =	shalt  }
0x86: {  	_ =	shalt  }
0x87: {  	_ =	shalt  }
.Lfunc_end0:
.L_simem_size_0:
called_computation_lowered:
.L_overlay_start_0:
0x88: {  	s2 =	sld [smem:$0x3FD9]  }
0x89: {  	s3 =	sld [smem:$0x3FFE];
	_ =	sdelay $0x1  }
0x8a: {  	s1 =	srdreg.scid  }
0x8b: {  	s0 =	sand.u32 $0x1, s1  }
0x8c: {  	s17 =	sshll.u32 s0, $0xA;
	s2 =	sadd.s32 s3, s2  }
0x8d: {  	s2 =	sadd.s32 s2, s17  }
0x8e: {  	[smem:$0x3FC4] =	sst s2  }
0x8f: {  	_ = 	snop  }
0x90: {  	s2 =	sld [smem:$0x3FC8]  }
0x91: {  	s18 =	sld [smem:$0x3FD0];
	(tm) =	ssettm $0x1  }
0x92: {  	s4 =	sld [smem:$0x3FFB];
	_ =	sdelay $0x3  }
0x93: {  	_ =	strace s4  }
0x94: {  	s4 =	sld [smem:$0x3FFC];
	_ =	sdelay $0x3  }
0x95: {  	_ =	strace s4  }
0x96: {  	s4 =	sld [smem:$0x3FFD];
	_ =	sdelay $0x3  }
0x97: {  	_ =	strace s4  }
0x98: {  	_ =	strace $0x8FFFFFFF  }
0x99: {  	s19 =	sld [smem:$0x3FDB];
	_ =	sdelay $0x1  }
0x9a: {  	s5 =	simm.s32 $_scs_section_size  }
0x9b: {  	s6 =	simm.s32 $_size__tile_overlayer_lowered;
	s7 =	simm.s32 $_tile_overlayer_lowered  }
0x9c: {  	s22 =	simm.s32 $0x1BFF;
	s21 =	sshll.u32 s7, $0x1;
	s4 =	sadd.s32 s5, s19  }
0x9d: {  	s8 =	simm.s32 $0x0;
	s20 =	sshll.u32 s6, $0x1;
	s6 =	sadd.s32 s21, s4  }
0x9e: {  	[timem:s8], [sflag:s22] =	dma.local [hbm:s6], s20  }
0x9f: {  	_ =	swait.ge [sflag:s22], s20  }
0xa0: {  	s5 =	ssub.s32 $0x0, s20;
	[sflag:s22] =	ssyncset.done $0x0  }
0xa1: {  	[sflag:s22] =	ssyncadd.s32 s5;
	_ =	sdelay $0x1  }
0xa2: {  	s23 =	simm.s32 $0x1B8B  }
0xa3: {  	_ =	swait.ge [sflag:s23], $0x1  }
0xa4: {  	[sflag:s23] =	ssyncset.done $0x0  }
0xa5: {  	s25 =	simm.s32 $0x1B8E;
	s24 =	sld [smem:$0x3FFE];
	[sflag:s23] =	ssyncadd.s32 $0xFFFFFFFF  }
0xa6: {  	s26 =	simm.s32 $execute0_lowered;
	[smem:$0x3FD2] =	sst s25  }
0xa7: {  	s6 =	sshll.u32 s26, $0x1;
	_ =	strace $0x80000046;
	[dreg:$0x1] =	wrdreg $0xFFFFFFFF  }
0xa8: {  	s28 =	simm.s32 $_size_execute0_lowered;
	s4 =	sadd.s32 s4, s6;
	[dreg:$0x0] =	wrdreg $0x0  }
0xa9: {  	s6 =	sshll.u32 s28, $0x1;
	[dreg:$0x2] =	wrdreg s4  }
0xaa: {  	[dreg:$0x3] =	wrdreg s6  }
0xab: {  	[dreg:$0x4] =	wrdreg $0xC0  }
0xac: {  	_ =	task [dreg:s8], $0x5FFFF  }
0xad: {  	[dreg:$0x1] =	wrdreg $0xFFFFFFFF  }
0xae: {  	[dreg:$0x0] =	wrdreg $0x60  }
0xaf: {  	[dreg:$0x2] =	wrdreg s18  }
0xb0: {  	[dreg:$0x3] =	wrdreg s2  }
0xb1: {  	[dreg:$0x4] =	wrdreg s24  }
0xb2: {  	[dreg:$0x5] =	wrdreg $0x9  }
0xb3: {  	_ =	task.clear_ibuf [dreg:s8], $0x6FFFF;
	_ =	strace $0x90000046  }
0xb4: {  	s29 =	simm.s32 $0x9;
	_ =	strace $0x80000048  }
0xb5: {  	_ =	swait.ge [sflag:s29], $0x1  }
0xb6: {  	[sflag:s29] =	ssyncadd.s32 $0xFFFFFFFF  }
0xb7: {  	_ =	strace $0x90000048  }
0xb8: {  	_ =	sfence  }
0xb9: {  	s30 =	sld [smem:$0x0];
	_ =	sdelay $0x2  }
0xba: {  	s31 =	sshll.u32 s1, $0xD;
	s1 =	sshrl.u32 s1, $0x2  }
0xbb: {  	s3 =	sand.u32 $0x4000, s31;
	s1 =	sadd.s32 s1, s30  }
0xbc: {  	s0 =	sor.u32 s3, s0;
	s1 =	sshll.u32 s1, $0x11  }
0xbd: {  	s0 =	sor.u32 s1, s0  }
0xbe: {  	s0 =	sadd.s32 $0x8F2B, s0  }
0xbf: {  	[sflag:s0] =	ssyncadd.remote.s32 $0x1  }
0xc0: {  	_ =	sfence.sel $0xFFFF  }
0xc1: {  	[dreg:$0x0] =	wrdreg $0xFFFFFFFF;
	(pc) =	sbr.abs _section_cstart, $3  }
0xc2: {  	[dreg:$0x1] =	wrdreg $0xFFFFFFFF  }
0xc3: {  	_ =	task.clear_ibuf [dreg:s8], $0x2FFFF;
	_ =	strace $0x9FFFFFFF  }
0xc4: {  	(tm) =	ssettm $0x7FFFFFFF  }
0xc5: {  	_ =	shalt  }
tec
execute0_lowered:
.L_overlay_start_1:
0x0: {  	(tag) =	ssettag $0x1  }
0x1: {  	v0 =	vimm.s32 $0xFEDCBA98;
	v1 =	vimm.s32 $0x76543210  }
0x2: {  	v2 =	vimm.s32 $0xBA98FEDC;
	v3 =	vimm.s32 $0x32107654;
	v4 =	vimm.s32 $0xDCFE98BA  }
0x3: {  	v5 =	vimm.s32 $0x54761032;
	v6 =	vimm.s32 $0xEFCDAB89;
	v7 =	vimm.s32 $0x67452301  }
0x4: {  	v0 =	vunpack.c.l.s4.s8 v0;
	v1 =	vunpack.c.l.s4.s8 v1;
	v2 =	vunpack.c.l.s4.s8 v2  }
0x5: {  	v3 =	vunpack.c.l.s4.s8 v3;
	v4 =	vunpack.c.l.s4.s8 v4;
	v5 =	vunpack.c.l.s4.s8 v5  }
0x6: {  	v6 =	vunpack.c.l.s4.s8 v6;
	v7 =	vunpack.c.l.s4.s8 v7;
	v0 =	vunpack.c.0.s8.s32 v0  }
0x7: {  	v2 =	vunpack.c.0.s8.s32 v2;
	v3 =	vunpack.c.0.s8.s32 v3;
	v4 =	vunpack.c.0.s8.s32 v4  }
0x8: {  	s3 =	rddreg [dreg:$0x0];
	v5 =	vunpack.c.0.s8.s32 v5;
	v6 =	vunpack.c.0.s8.s32 v6;
	v7 =	vunpack.c.0.s8.s32 v7  }
0x9: {  	s1 =	srdreg.scid;
	s4 =	rddreg [dreg:$0x1];
	v1 =	vunpack.c.0.s8.s32 v1;
	v2 =	vcombine.low v3, v2  }
0xa: {  	s0 =	stileid.u32;
	s6 =	rddreg [dreg:$0x2];
	v3 =	vcombine.low v5, v4;
	v4 =	vcombine.low v7, v6;
	v0 =	vand.u32 $0xF, v0  }
0xb: {  	s2 =	simm.s32 $0x0;
	s9 =	simm.s32 $0x400;
	s10 =	simm.s32 $0x900;
	vm0 =	vmmov $0x1;
	v0 =	vcombine.low v0, v1;
	v1 =	vand.u32 $0xF, v2  }
0xc: {  	s11 =	simm.s32 $0x800;
	s12 =	simm.s32 $0x880;
	s5 =	sand.u32 $0x1, s1;
	v2 =	vand.u32 $0xF, v3;
	v3 =	vand.u32 $0xF, v4;
	v4 =	vimm.s32 $0x0  }
0xd: {  	s7 =	sshll.u32 s0, $0x8;
	[smem:$0x7FF] =	sst s2;
	s8 =	sshll.u32 s5, $0x7;
	v4 =	vsel vm0, $0xFFFFFFFF, v4  }
0xe: {  	vm14 =	vmmov $0x3;
	s1 =	rddreg [dreg:$0x3];
	_ =	strace $0x80000047;
	s7 =	sor.u32 s8, s7;
	[tilespmem:$0x1FFD0] =	vst v4;
	v4 =	vimm.s32 $0x0  }
0xf: {  	s13 =	simm.s32 $0x0;
	s5 =	ssub.s32 $0x2, s5;
	s8 =	sshrl.u32 s7, $0x3;
	v4 =	vsel vm14, $0xFFFFFFFF, v4  }
0x10: {  	vm15 =	vmmov $0x7;
	s31 =	sshrl.u32 s5, $0x1;
	s3 =	sadd.s32 s3, s7;
	s6 =	sadd.s32 s8, s6;
	[tilespmem:$0x1FFE0] =	vst v4;
	v4 =	vimm.s32 $0x0  }
0x11: {  	s4 =	sadd.s32 s4, s7;
	s8 =	ssub.s32 s5, s31;
	s5 =	sadd.s32 $0x1600, s6;
	v4 =	vsel vm15, $0xFFFFFFFF, v4  }
0x12: {  	s6 =	sadd.s32 $0x1800, s6;
	s7 =	smax.u32 s8, $0x1;
	s8 =	simm.s32 $0x1;
	[tilespmem:$0x1FFF0] =	vst v4  }
.LBB2_1:
0x13: {  	[tilespmem:s2], [sflag:$0x1] =	stream.linear.gather [hbm4b:s3+s2], $0x400, $0x38;
	[tilespmem:$0x980] =	vst v63  }
0x14: {  	_ =	swait.ge [sflag:s8], $0x400  }
0x15: {  	[sflag:s8] =	ssyncset.done $0x0  }
0x16: {  	[sflag:s8] =	ssyncadd.s32 $0xFFFFFC00  }
0x17: {  	[tilespmem:s9], [sflag:$0x1] =	stream.linear.gather [hbm4b:s4+s2], $0x400, $0x38;
	[tilespmem:$0x980] =	vst v63  }
0x18: {  	_ =	swait.ge [sflag:s8], $0x400  }
0x19: {  	[sflag:s8] =	ssyncset.done $0x0  }
0x1a: {  	s15 =	simm.s32 $0x420;
	[sflag:s8] =	ssyncadd.s32 $0xFFFFFC00  }
0x1b: {  	s14 =	simm.s32 $0x20;
	v8 =	vld [tilespmem:s15+$0x10]  }
0x1c: {  	v5 =	vld [tilespmem:s14+$0xFFFFFFE0]  }
0x1d: {  	v19 =	vld [tilespmem:s15+$0xFFFFFFE0];
	_ =	sdelay $0x1  }
0x1e: {  	v21 =	vld [tilespmem:s15+$0xFFFFFFF0]  }
0x1f: {  	v20 =	vld [tilespmem:s14+$0xFFFFFFF0]  }
0x20: {  	v23 =	vimm.f32 $-Inf;
	v9 =	vld [tilespmem:s15+$0x0]  }
0x21: {  	v4 =	vld [tilespmem:s14+$0x0];
	vm0 =	veq.s32 v19, $0x0;
	v24 =	vmax.f32 v23, v5;
	vm2 =	veq.s32 v8, $0x0  }
0x22: {  	vm1 =	veq.s32 v8, $0x1;
	vm4 =	veq.s32 v8, $0x2;
	vm5 =	veq.s32 v8, $0x3  }
0x23: {  	v5 =	vld [tilespmem:s14+$0x10];
	vm8 =	veq.s32 v8, $0x4;
	vm6 =	veq.s32 v8, $0x5;
	v6 =	vsel vm0, v24, v23  }
0x24: {  	vm7 =	veq.s32 v8, $0x6;
	vm0 =	veq.s32 v21, $0x0;
	v7 =	vmax.f32 v6, v20  }
0x25: {  	vm3 =	veq.s32 v19, $0x1;
	vm9 =	veq.s32 v9, $0x6;
	v6 =	vsel vm0, v7, v6  }
0x26: {  	vm12 =	veq.s32 v8, $0xD;
	vm0 =	veq.s32 v9, $0x0;
	v7 =	vmax.f32 v6, v4  }
0x27: {  	vm14 =	veq.s32 v8, $0xE;
	vm10 =	veq.s32 v9, $0xD;
	v6 =	vsel vm0, v7, v6  }
0x28: {  	vm15 =	veq.s32 v9, $0xE;
	vm0 =	veq.s32 v8, $0x7;
	v7 =	vmax.f32 v6, v5  }
0x29: {  	v10 =	vsel vm2, v7, v6;
	vm2 =	veq.s32 v19, $0x2;
	v6 =	vsel vm3, v24, v23  }
0x2a: {  	vm3 =	veq.s32 v19, $0x3;
	v7 =	vsel vm2, v24, v23;
	vm2 =	veq.s32 v21, $0x1  }
0x2b: {  	v11 =	vsel vm3, v24, v23;
	v12 =	vmax.f32 v6, v20;
	vm3 =	veq.s32 v21, $0x2  }
0x2c: {  	v13 =	vmax.f32 v7, v20;
	v6 =	vsel vm2, v12, v6;
	vm2 =	veq.s32 v21, $0x3  }
0x2d: {  	v12 =	vmax.f32 v11, v20;
	v7 =	vsel vm3, v13, v7;
	vm3 =	veq.s32 v9, $0x1  }
0x2e: {  	v11 =	vsel vm2, v12, v11;
	v12 =	vmax.f32 v6, v4;
	vm2 =	veq.s32 v9, $0x2  }
0x2f: {  	v13 =	vmax.f32 v7, v4;
	v6 =	vsel vm3, v12, v6;
	vm3 =	veq.s32 v9, $0x3  }
0x30: {  	v12 =	vmax.f32 v11, v4;
	v7 =	vsel vm2, v13, v7;
	vm2 =	veq.s32 v8, $0x8  }
0x31: {  	v12 =	vsel vm3, v12, v11;
	v11 =	vmax.f32 v6, v5;
	vm3 =	veq.s32 v8, $0x9  }
0x32: {  	v13 =	vmax.f32 v7, v5;
	v15 =	vsel vm1, v11, v6;
	vm1 =	veq.s32 v8, $0xA  }
0x33: {  	v6 =	vmax.f32 v12, v5;
	v11 =	vsel vm4, v13, v7;
	vm4 =	veq.s32 v19, $0x4  }
0x34: {  	v6 =	vsel vm5, v6, v12;
	vm5 =	veq.s32 v19, $0x5;
	v7 =	vsel vm4, v24, v23  }
0x35: {  	vm4 =	veq.s32 v19, $0x6;
	v12 =	vsel vm5, v24, v23;
	vm5 =	veq.s32 v21, $0x4  }
0x36: {  	v13 =	vsel vm4, v24, v23;
	v14 =	vmax.f32 v7, v20;
	vm4 =	veq.s32 v21, $0x5  }
0x37: {  	v16 =	vmax.f32 v12, v20;
	v7 =	vsel vm5, v14, v7;
	vm5 =	veq.s32 v21, $0x6  }
0x38: {  	v14 =	vmax.f32 v13, v20;
	v12 =	vsel vm4, v16, v12;
	vm4 =	veq.s32 v9, $0x4  }
0x39: {  	v13 =	vsel vm5, v14, v13;
	v14 =	vmax.f32 v7, v4;
	vm5 =	veq.s32 v9, $0x5  }
0x3a: {  	v16 =	vmax.f32 v12, v4;
	v7 =	vsel vm4, v14, v7;
	v14 =	vmax.f32 v13, v4  }
0x3b: {  	v12 =	vsel vm5, v16, v12;
	vm4 =	veq.s32 v8, $0xB;
	vm5 =	veq.s32 v8, $0xC  }
0x3c: {  	v13 =	vsel vm9, v14, v13;
	v14 =	vmax.f32 v7, v5;
	v17 =	vmax.f32 v12, v5  }
0x3d: {  	v16 =	vsel vm8, v14, v7;
	v7 =	vmax.f32 v13, v5;
	v12 =	vsel vm6, v17, v12  }
0x3e: {  	vm6 =	veq.s32 v19, $0x7;
	v7 =	vsel vm7, v7, v13;
	vm7 =	veq.s32 v19, $0x8  }
0x3f: {  	v13 =	vsel vm6, v24, v23;
	vm6 =	veq.s32 v19, $0x9;
	v14 =	vsel vm7, v24, v23  }
0x40: {  	vm7 =	veq.s32 v21, $0x7;
	v17 =	vsel vm6, v24, v23;
	v18 =	vmax.f32 v13, v20  }
0x41: {  	vm6 =	veq.s32 v21, $0x8;
	v22 =	vmax.f32 v14, v20;
	v13 =	vsel vm7, v18, v13  }
0x42: {  	vm7 =	veq.s32 v21, $0x9;
	v18 =	vmax.f32 v17, v20;
	v14 =	vsel vm6, v22, v14  }
0x43: {  	vm6 =	veq.s32 v9, $0x7;
	v17 =	vsel vm7, v18, v17;
	v18 =	vmax.f32 v13, v4  }
0x44: {  	vm7 =	veq.s32 v9, $0x8;
	v22 =	vmax.f32 v14, v4;
	v13 =	vsel vm6, v18, v13  }
0x45: {  	vm6 =	veq.s32 v9, $0x9;
	v18 =	vmax.f32 v17, v4;
	v14 =	vsel vm7, v22, v14  }
0x46: {  	v18 =	vsel vm6, v18, v17;
	v17 =	vmax.f32 v13, v5;
	vm6 =	veq.s32 v8, $0xF  }
0x47: {  	v8 =	vmax.f32 v14, v5;
	v17 =	vsel vm0, v17, v13;
	vm0 =	veq.s32 v9, $0xA  }
0x48: {  	v22 =	vmax.f32 v18, v5;
	v13 =	vsel vm2, v8, v14;
	vm2 =	veq.s32 v19, $0xA  }
0x49: {  	v8 =	vsel vm3, v22, v18;
	vm3 =	veq.s32 v19, $0xB;
	v14 =	vsel vm2, v24, v23  }
0x4a: {  	vm2 =	veq.s32 v19, $0xC;
	v18 =	vsel vm3, v24, v23;
	vm3 =	veq.s32 v21, $0xA  }
0x4b: {  	v22 =	vsel vm2, v24, v23;
	v25 =	vmax.f32 v14, v20;
	vm2 =	veq.s32 v21, $0xB  }
0x4c: {  	v14 =	vsel vm3, v25, v14;
	v25 =	vmax.f32 v18, v20;
	vm3 =	veq.s32 v21, $0xC  }
0x4d: {  	v18 =	vsel vm2, v25, v18;
	v25 =	vmax.f32 v22, v20;
	vm2 =	veq.s32 v9, $0xB  }
0x4e: {  	v22 =	vsel vm3, v25, v22;
	v25 =	vmax.f32 v14, v4;
	vm3 =	veq.s32 v9, $0xC  }
0x4f: {  	v14 =	vsel vm0, v25, v14;
	v25 =	vmax.f32 v18, v4;
	vm0 =	veq.s32 v19, $0xD  }
0x50: {  	v25 =	vsel vm2, v25, v18;
	v18 =	vmax.f32 v22, v4;
	vm2 =	veq.s32 v9, $0xF  }
0x51: {  	v22 =	vsel vm3, v18, v22;
	v18 =	vmax.f32 v14, v5;
	v9 =	vmax.f32 v25, v5  }
0x52: {  	vm3 =	veq.s32 v21, $0xD;
	v18 =	vsel vm1, v18, v14;
	v14 =	vsel vm4, v9, v25  }
0x53: {  	v9 =	vmax.f32 v22, v5;
	vm1 =	veq.s32 v19, $0xE;
	v25 =	vsel vm0, v24, v23  }
0x54: {  	vm0 =	veq.s32 v19, $0xF;
	v9 =	vsel vm5, v9, v22;
	v22 =	vsel vm1, v24, v23  }
0x55: {  	vm1 =	veq.s32 v21, $0xE;
	v19 =	vsel vm0, v24, v23;
	vm0 =	veq.s32 v21, $0xF  }
0x56: {  	s16 =	simm.s32 $0x460;
	s15 =	simm.s32 $0x0;
	v27 =	vmax.f32 v25, v20;
	v24 =	vmax.f32 v22, v20;
	v20 =	vmax.f32 v19, v20  }
.LBB2_2:
0x57: {  	v23 =	vld [tilespmem:s16+$0x10];
	v21 =	vsel vm3, v27, v25;
	v22 =	vsel vm1, v24, v22  }
0x58: {  	v19 =	vsel vm0, v20, v19;
	v20 =	vmax.f32 v21, v4;
	v24 =	vmax.f32 v22, v4  }
0x59: {  	v4 =	vmax.f32 v19, v4;
	v20 =	vsel vm10, v20, v21;
	v21 =	vsel vm15, v24, v22  }
0x5a: {  	v4 =	vsel vm2, v4, v19;
	v19 =	vmax.f32 v20, v5;
	v22 =	vmax.f32 v21, v5  }
0x5b: {  	v5 =	vmax.f32 v4, v5;
	v19 =	vsel vm12, v19, v20;
	v20 =	vsel vm14, v22, v21  }
0x5c: {  	v21 =	vsel vm6, v5, v4;
	v5 =	vimm.s32 $0x0;
	vm0 =	veq.s32 v23, $0x0  }
0x5d: {  	v5 =	vsel vm0, $0xFFFFFFFF, v5  }
0x5e: {  	vm0 =	veq.s32 v23, $0x1;
	[tilespmem:$0x1FCD0] =	vst v5;
	v5 =	vimm.s32 $0x0  }
0x5f: {  	v5 =	vsel vm0, $0xFFFFFFFF, v5  }
0x60: {  	vm0 =	veq.s32 v23, $0x2;
	[tilespmem:$0x1FD50] =	vst v5;
	v5 =	vimm.s32 $0x0  }
0x61: {  	v5 =	vsel vm0, $0xFFFFFFFF, v5  }
0x62: {  	vm0 =	veq.s32 v23, $0x3;
	[tilespmem:$0x1FD60] =	vst v5;
	v5 =	vimm.s32 $0x0  }
0x63: {  	v5 =	vsel vm0, $0xFFFFFFFF, v5  }
0x64: {  	vm0 =	veq.s32 v23, $0x4;
	[tilespmem:$0x1FD70] =	vst v5;
	v5 =	vimm.s32 $0x0  }
0x65: {  	v5 =	vsel vm0, $0xFFFFFFFF, v5  }
0x66: {  	vm0 =	veq.s32 v23, $0x5;
	[tilespmem:$0x1FDE0] =	vst v5;
	v5 =	vimm.s32 $0x0  }
0x67: {  	v5 =	vsel vm0, $0xFFFFFFFF, v5  }
0x68: {  	vm0 =	veq.s32 v23, $0x6;
	[tilespmem:$0x1FDF0] =	vst v5;
	v5 =	vimm.s32 $0x0  }
0x69: {  	v5 =	vsel vm0, $0xFFFFFFFF, v5  }
0x6a: {  	vm0 =	veq.s32 v23, $0x7;
	[tilespmem:$0x1FE00] =	vst v5;
	v5 =	vimm.s32 $0x0  }
0x6b: {  	v5 =	vsel vm0, $0xFFFFFFFF, v5  }
0x6c: {  	vm0 =	veq.s32 v23, $0x8;
	[tilespmem:$0x1FEB0] =	vst v5;
	v5 =	vimm.s32 $0x0  }
0x6d: {  	v5 =	vsel vm0, $0xFFFFFFFF, v5  }
0x6e: {  	vm0 =	veq.s32 v23, $0x9;
	[tilespmem:$0x1FEC0] =	vst v5;
	v5 =	vimm.s32 $0x0  }
0x6f: {  	v5 =	vsel vm0, $0xFFFFFFFF, v5  }
0x70: {  	vm0 =	veq.s32 v23, $0xA;
	[tilespmem:$0x1FED0] =	vst v5;
	v5 =	vimm.s32 $0x0  }
0x71: {  	v5 =	vsel vm0, $0xFFFFFFFF, v5  }
0x72: {  	vm0 =	veq.s32 v23, $0xB;
	[tilespmem:$0x1FF70] =	vst v5;
	v5 =	vimm.s32 $0x0  }
0x73: {  	v5 =	vsel vm0, $0xFFFFFFFF, v5  }
0x74: {  	v4 =	vld [tilespmem:s16+$0x0];
	vm0 =	veq.s32 v23, $0xC;
	[tilespmem:$0x1FF80] =	vst v5;
	v5 =	vimm.s32 $0x0  }
0x75: {  	v5 =	vsel vm0, $0xFFFFFFFF, v5  }
0x76: {  	vm0 =	veq.s32 v23, $0xD;
	[tilespmem:$0x1FF90] =	vst v5;
	v5 =	vimm.s32 $0x0  }
0x77: {  	v5 =	vsel vm0, $0xFFFFFFFF, v5  }
0x78: {  	vm0 =	veq.s32 v23, $0xE;
	[tilespmem:$0x1FD00] =	vst v5;
	v5 =	vimm.s32 $0x0  }
0x79: {  	v22 =	vimm.s32 $0x0;
	v5 =	vsel vm0, $0xFFFFFFFF, v5;
	vm0 =	veq.s32 v4, $0x1  }
0x7a: {  	v22 =	vsel vm0, $0xFFFFFFFF, v22  }
0x7b: {  	vm0 =	veq.s32 v23, $0xF;
	[tilespmem:$0x1FD20] =	vst v22;
	v22 =	vimm.s32 $0x0  }
0x7c: {  	v22 =	vsel vm0, $0xFFFFFFFF, v22  }
0x7d: {  	vm0 =	veq.s32 v4, $0x2;
	[tilespmem:$0x1FE30] =	vst v22;
	v22 =	vimm.s32 $0x0  }
0x7e: {  	v22 =	vsel vm0, $0xFFFFFFFF, v22  }
0x7f: {  	vm0 =	veq.s32 v4, $0x3;
	[tilespmem:$0x1FD30] =	vst v22;
	v22 =	vimm.s32 $0x0  }
0x80: {  	v22 =	vsel vm0, $0xFFFFFFFF, v22  }
0x81: {  	vm0 =	veq.s32 v4, $0x4;
	[tilespmem:$0x1FD40] =	vst v22;
	v22 =	vimm.s32 $0x0  }
0x82: {  	v22 =	vsel vm0, $0xFFFFFFFF, v22  }
0x83: {  	vm0 =	veq.s32 v4, $0x5;
	[tilespmem:$0x1FDB0] =	vst v22;
	v22 =	vimm.s32 $0x0  }
0x84: {  	v22 =	vsel vm0, $0xFFFFFFFF, v22  }
0x85: {  	vm0 =	veq.s32 v4, $0x6;
	[tilespmem:$0x1FDC0] =	vst v22;
	v22 =	vimm.s32 $0x0  }
0x86: {  	v22 =	vsel vm0, $0xFFFFFFFF, v22  }
0x87: {  	vm0 =	veq.s32 v4, $0x7;
	[tilespmem:$0x1FDD0] =	vst v22;
	v22 =	vimm.s32 $0x0  }
0x88: {  	v22 =	vsel vm0, $0xFFFFFFFF, v22  }
0x89: {  	vm0 =	veq.s32 v4, $0x8;
	[tilespmem:$0x1FE80] =	vst v22;
	v22 =	vimm.s32 $0x0  }
0x8a: {  	v22 =	vsel vm0, $0xFFFFFFFF, v22  }
0x8b: {  	vm0 =	veq.s32 v4, $0x9;
	[tilespmem:$0x1FE90] =	vst v22;
	v22 =	vimm.s32 $0x0  }
0x8c: {  	v22 =	vsel vm0, $0xFFFFFFFF, v22  }
0x8d: {  	vm0 =	veq.s32 v4, $0xA;
	[tilespmem:$0x1FEA0] =	vst v22;
	v22 =	vimm.s32 $0x0  }
0x8e: {  	v22 =	vsel vm0, $0xFFFFFFFF, v22  }
0x8f: {  	vm0 =	veq.s32 v4, $0xB;
	[tilespmem:$0x1FF40] =	vst v22;
	v22 =	vimm.s32 $0x0  }
0x90: {  	[tilespmem:$0x1FCF0] =	vst v5;
	v5 =	vld [tilespmem:s16+$0xFFFFFFF0];
	v22 =	vsel vm0, $0xFFFFFFFF, v22  }
0x91: {  	vm0 =	veq.s32 v4, $0xC;
	[tilespmem:$0x1FF50] =	vst v22;
	v22 =	vimm.s32 $0x0  }
0x92: {  	vm15 =	veq.s32 v4, $0x0;
	v22 =	vsel vm0, $0xFFFFFFFF, v22  }
0x93: {  	vm10 =	veq.s32 v4, $0xF;
	vm0 =	veq.s32 v4, $0xD;
	[tilespmem:$0x1FF60] =	vst v22;
	v22 =	vimm.s32 $0x0  }
0x94: {  	v23 =	vimm.s32 $0x0;
	v22 =	vsel vm0, $0xFFFFFFFF, v22;
	vm0 =	veq.s32 v4, $0xE  }
0x95: {  	v4 =	vimm.s32 $0x0;
	v23 =	vsel vm0, $0xFFFFFFFF, v23;
	vm0 =	veq.s32 v5, $0x4  }
0x96: {  	v4 =	vsel vm0, $0xFFFFFFFF, v4  }
0x97: {  	vm0 =	veq.s32 v5, $0x5;
	[tilespmem:$0x1FD80] =	vst v4;
	v4 =	vimm.s32 $0x0  }
0x98: {  	v4 =	vsel vm0, $0xFFFFFFFF, v4  }
0x99: {  	vm0 =	veq.s32 v5, $0x6;
	[tilespmem:$0x1FD90] =	vst v4;
	v4 =	vimm.s32 $0x0  }
0x9a: {  	v4 =	vsel vm0, $0xFFFFFFFF, v4  }
0x9b: {  	vm0 =	veq.s32 v5, $0x7;
	[tilespmem:$0x1FDA0] =	vst v4;
	v4 =	vimm.s32 $0x0  }
0x9c: {  	v4 =	vsel vm0, $0xFFFFFFFF, v4  }
0x9d: {  	vm0 =	veq.s32 v5, $0x8;
	[tilespmem:$0x1FE50] =	vst v4;
	v4 =	vimm.s32 $0x0  }
0x9e: {  	v4 =	vsel vm0, $0xFFFFFFFF, v4  }
0x9f: {  	vm0 =	veq.s32 v5, $0x9;
	[tilespmem:$0x1FE60] =	vst v4;
	v4 =	vimm.s32 $0x0  }
0xa0: {  	s14 =	sadd.s32 $0x40, s14;
	v24 =	vld [tilespmem:s16+$0xFFFFFFE0];
	[tilespmem:$0x1FCE0] =	vst v22;
	v4 =	vsel vm0, $0xFFFFFFFF, v4  }
0xa1: {  	vm6 =	veq.s32 v5, $0x0;
	v22 =	vld [tilespmem:s14+$0xFFFFFFE0];
	vm0 =	veq.s32 v5, $0xA;
	[tilespmem:$0x1FE70] =	vst v4;
	v4 =	vimm.s32 $0x0  }
0xa2: {  	vm13 =	veq.s32 v5, $0x1;
	vm12 =	veq.s32 v5, $0x2;
	[tilespmem:$0x1FD10] =	vst v23;
	v4 =	vsel vm0, $0xFFFFFFFF, v4  }
0xa3: {  	vm11 =	veq.s32 v5, $0x3;
	v23 =	vld [tilespmem:s14+$0xFFFFFFF0];
	vm0 =	veq.s32 v5, $0xB;
	[tilespmem:$0x1FF10] =	vst v4;
	v4 =	vimm.s32 $0x0  }
0xa4: {  	vm5 =	veq.s32 v5, $0xD;
	vm4 =	veq.s32 v5, $0xE;
	v4 =	vsel vm0, $0xFFFFFFFF, v4  }
0xa5: {  	vm3 =	veq.s32 v5, $0xF;
	vm0 =	veq.s32 v5, $0xC;
	[tilespmem:$0x1FF20] =	vst v4;
	v4 =	vimm.s32 $0x0  }
0xa6: {  	v5 =	vmax.f32 v10, v22;
	v4 =	vsel vm0, $0xFFFFFFFF, v4;
	vm0 =	veq.s32 v24, $0x0  }
0xa7: {  	v10 =	vsel vm0, v5, v10  }
0xa8: {  	v26 =	vimm.s32 $0x0;
	vm2 =	veq.s32 v24, $0x1;
	[tilespmem:$0x1FF30] =	vst v4;
	v4 =	vld [tilespmem:s14+$0x0];
	v25 =	vmax.f32 v10, v23  }
0xa9: {  	v10 =	vsel vm6, v25, v10;
	vm6 =	veq.s32 v24, $0x8;
	v25 =	vimm.s32 $0x0  }
0xaa: {  	vm1 =	veq.s32 v24, $0x3;
	vm14 =	veq.s32 v24, $0x7;
	v25 =	vsel vm6, $0xFFFFFFFF, v25  }
0xab: {  	v26 =	vsel vm14, $0xFFFFFFFF, v26;
	vm6 =	veq.s32 v24, $0x9;
	[tilespmem:$0x1FE20] =	vst v25;
	v25 =	vimm.s32 $0x0  }
0xac: {  	[tilespmem:$0x1FE10] =	vst v26;
	v26 =	vimm.s32 $0x0;
	v25 =	vsel vm6, $0xFFFFFFFF, v25;
	vm6 =	veq.s32 v24, $0xA  }
0xad: {  	vm9 =	veq.s32 v24, $0x4;
	[tilespmem:$0x1FE40] =	vst v25;
	v25 =	vmax.f32 v10, v4;
	v26 =	vsel vm6, $0xFFFFFFFF, v26  }
0xae: {  	vm6 =	veq.s32 v24, $0xB;
	[tilespmem:$0x1FEE0] =	vst v26;
	v26 =	vimm.s32 $0x0;
	v10 =	vsel vm15, v25, v10  }
0xaf: {  	v25 =	vimm.s32 $0x0;
	v26 =	vsel vm6, $0xFFFFFFFF, v26;
	vm6 =	veq.s32 v24, $0xC  }
0xb0: {  	vm8 =	veq.s32 v24, $0x5;
	vm7 =	veq.s32 v24, $0x6;
	v25 =	vsel vm6, $0xFFFFFFFF, v25  }
0xb1: {  	vm14 =	veq.s32 v24, $0xD;
	vm0 =	veq.s32 v24, $0x2;
	[tilespmem:$0x1FF00] =	vst v25;
	v25 =	vimm.s32 $0x0  }
0xb2: {  	[tilespmem:$0x1FEF0] =	vst v26;
	v26 =	vimm.s32 $0x0;
	v25 =	vsel vm14, $0xFFFFFFFF, v25;
	vm14 =	veq.s32 v24, $0xE  }
0xb3: {  	v26 =	vsel vm14, $0xFFFFFFFF, v26;
	vm14 =	veq.s32 v24, $0xF;
	v24 =	vimm.s32 $0x0  }
0xb4: {  	v24 =	vsel vm14, $0xFFFFFFFF, v24  }
0xb5: {  	[tilespmem:$0x1FFC0] =	vst v24;
	v24 =	vld [tilespmem:$0x1FCD0];
	_ =	sdelay $0x4  }
0xb6: {  	vm6 =	vnez.u8 v24;
	v24 =	vmax.f32 v15, v22  }
0xb7: {  	v15 =	vsel vm2, v24, v15  }
0xb8: {  	v24 =	vmax.f32 v15, v23  }
0xb9: {  	v15 =	vsel vm13, v24, v15;
	v24 =	vld [tilespmem:$0x1FCE0];
	_ =	sdelay $0x4  }
0xba: {  	vm2 =	vmmov vm10;
	vm10 =	vnez.u8 v24;
	v24 =	vld [tilespmem:$0x1FCF0]  }
0xbb: {  	v5 =	vld [tilespmem:s14+$0x10];
	_ =	sdelay $0x3  }
0xbc: {  	vm14 =	vnez.u8 v24;
	v24 =	vld [tilespmem:$0x1FD00]  }
0xbd: {  	[tilespmem:$0x1FFA0] =	vst v25;
	v25 =	vmax.f32 v10, v5  }
0xbe: {  	v10 =	vsel vm6, v25, v10;
	v25 =	vmax.f32 v11, v22  }
0xbf: {  	v11 =	vsel vm0, v25, v11  }
0xc0: {  	v27 =	vld [tilespmem:$0x1FD20];
	v25 =	vmax.f32 v11, v23  }
0xc1: {  	v11 =	vsel vm12, v25, v11;
	vm12 =	vnez.u8 v24;
	v24 =	vld [tilespmem:$0x1FD10];
	_ =	sdelay $0x2  }
0xc2: {  	[tilespmem:$0x1FFB0] =	vst v26;
	v26 =	vmax.f32 v6, v22  }
0xc3: {  	v6 =	vsel vm1, v26, v6;
	vm1 =	vmmov vm4  }
0xc4: {  	vm4 =	vnez.u8 v27;
	vm15 =	vnez.u8 v24;
	v24 =	vmax.f32 v15, v4  }
0xc5: {  	v15 =	vsel vm4, v24, v15;
	v24 =	vld [tilespmem:$0x1FD30];
	_ =	sdelay $0x4  }
0xc6: {  	vm4 =	vnez.u8 v24;
	v24 =	vld [tilespmem:$0x1FD40]  }
0xc7: {  	v27 =	vld [tilespmem:$0x1FD50];
	_ =	sdelay $0x1  }
0xc8: {  	v26 =	vmax.f32 v6, v23  }
0xc9: {  	v6 =	vsel vm11, v26, v6;
	v25 =	vmax.f32 v11, v4  }
0xca: {  	v26 =	vmax.f32 v6, v4;
	v11 =	vsel vm4, v25, v11;
	vm4 =	vnez.u8 v24  }
0xcb: {  	v24 =	vmax.f32 v15, v5;
	v6 =	vsel vm4, v26, v6;
	vm4 =	vnez.u8 v27  }
0xcc: {  	v15 =	vsel vm4, v24, v15;
	v24 =	vld [tilespmem:$0x1FD60];
	_ =	sdelay $0x4  }
0xcd: {  	vm4 =	vnez.u8 v24;
	v24 =	vld [tilespmem:$0x1FD70];
	_ =	sdelay $0x1  }
0xce: {  	v27 =	vld [tilespmem:$0x1FD80];
	_ =	sdelay $0x1  }
0xcf: {  	v25 =	vmax.f32 v11, v5  }
0xd0: {  	v11 =	vsel vm4, v25, v11;
	vm4 =	vnez.u8 v24;
	v24 =	vmax.f32 v16, v22  }
0xd1: {  	v26 =	vmax.f32 v6, v5;
	v16 =	vsel vm9, v24, v16  }
0xd2: {  	v6 =	vsel vm4, v26, v6;
	vm4 =	vnez.u8 v27;
	v24 =	vmax.f32 v16, v23  }
0xd3: {  	v16 =	vsel vm4, v24, v16;
	v24 =	vld [tilespmem:$0x1FD90];
	_ =	sdelay $0x4  }
0xd4: {  	vm4 =	vnez.u8 v24;
	v24 =	vld [tilespmem:$0x1FDA0]  }
0xd5: {  	v27 =	vld [tilespmem:$0x1FDB0]  }
0xd6: {  	v25 =	vmax.f32 v12, v22  }
0xd7: {  	v12 =	vsel vm8, v25, v12;
	v26 =	vmax.f32 v7, v22  }
0xd8: {  	v25 =	vmax.f32 v12, v23;
	v7 =	vsel vm7, v26, v7  }
0xd9: {  	v26 =	vmax.f32 v7, v23;
	v12 =	vsel vm4, v25, v12;
	vm4 =	vnez.u8 v24  }
0xda: {  	v24 =	vmax.f32 v16, v4;
	v7 =	vsel vm4, v26, v7;
	vm4 =	vnez.u8 v27  }
0xdb: {  	v16 =	vsel vm4, v24, v16;
	v24 =	vld [tilespmem:$0x1FDC0];
	_ =	sdelay $0x4  }
0xdc: {  	vm4 =	vnez.u8 v24;
	v24 =	vld [tilespmem:$0x1FDD0]  }
0xdd: {  	v27 =	vld [tilespmem:$0x1FDE0];
	_ =	sdelay $0x2  }
0xde: {  	v25 =	vmax.f32 v12, v4  }
0xdf: {  	v26 =	vmax.f32 v7, v4;
	v12 =	vsel vm4, v25, v12;
	vm4 =	vnez.u8 v24  }
0xe0: {  	v24 =	vmax.f32 v16, v5;
	v7 =	vsel vm4, v26, v7;
	vm4 =	vnez.u8 v27  }
0xe1: {  	v16 =	vsel vm4, v24, v16;
	v24 =	vld [tilespmem:$0x1FDF0];
	_ =	sdelay $0x4  }
0xe2: {  	vm4 =	vnez.u8 v24;
	v24 =	vld [tilespmem:$0x1FE00]  }
0xe3: {  	v27 =	vld [tilespmem:$0x1FE10];
	_ =	sdelay $0x2  }
0xe4: {  	v25 =	vmax.f32 v12, v5  }
0xe5: {  	v26 =	vmax.f32 v7, v5;
	v12 =	vsel vm4, v25, v12;
	vm4 =	vnez.u8 v24  }
0xe6: {  	v24 =	vmax.f32 v17, v22;
	v7 =	vsel vm4, v26, v7;
	vm4 =	vnez.u8 v27  }
0xe7: {  	v17 =	vsel vm4, v24, v17;
	v24 =	vld [tilespmem:$0x1FE20];
	_ =	sdelay $0x4  }
0xe8: {  	vm4 =	vnez.u8 v24;
	v24 =	vld [tilespmem:$0x1FE30];
	_ =	sdelay $0x4  }
0xe9: {  	vm6 =	vnez.u8 v24;
	v24 =	vld [tilespmem:$0x1FE40]  }
0xea: {  	v27 =	vld [tilespmem:$0x1FE50];
	_ =	sdelay $0x2  }
0xeb: {  	v25 =	vmax.f32 v13, v22  }
0xec: {  	v26 =	vmax.f32 v8, v22;
	v13 =	vsel vm4, v25, v13;
	vm4 =	vnez.u8 v24  }
0xed: {  	v24 =	vmax.f32 v17, v23;
	v8 =	vsel vm4, v26, v8;
	vm4 =	vnez.u8 v27  }
0xee: {  	v17 =	vsel vm4, v24, v17;
	v24 =	vld [tilespmem:$0x1FE60];
	_ =	sdelay $0x4  }
0xef: {  	vm4 =	vnez.u8 v24;
	v24 =	vld [tilespmem:$0x1FE70]  }
0xf0: {  	v27 =	vld [tilespmem:$0x1FE80];
	_ =	sdelay $0x2  }
0xf1: {  	v25 =	vmax.f32 v13, v23  }
0xf2: {  	v26 =	vmax.f32 v8, v23;
	v13 =	vsel vm4, v25, v13;
	vm4 =	vnez.u8 v24  }
0xf3: {  	v24 =	vmax.f32 v17, v4;
	v8 =	vsel vm4, v26, v8;
	vm4 =	vnez.u8 v27  }
0xf4: {  	v17 =	vsel vm4, v24, v17;
	v24 =	vld [tilespmem:$0x1FE90];
	_ =	sdelay $0x4  }
0xf5: {  	vm4 =	vnez.u8 v24;
	v24 =	vld [tilespmem:$0x1FEA0]  }
0xf6: {  	v27 =	vld [tilespmem:$0x1FEB0];
	_ =	sdelay $0x2  }
0xf7: {  	v25 =	vmax.f32 v13, v4  }
0xf8: {  	v26 =	vmax.f32 v8, v4;
	v13 =	vsel vm4, v25, v13;
	vm4 =	vnez.u8 v24  }
0xf9: {  	v24 =	vmax.f32 v17, v5;
	v8 =	vsel vm4, v26, v8;
	vm4 =	vnez.u8 v27  }
0xfa: {  	v17 =	vsel vm4, v24, v17;
	v24 =	vld [tilespmem:$0x1FEC0];
	_ =	sdelay $0x4  }
0xfb: {  	vm4 =	vnez.u8 v24;
	v24 =	vld [tilespmem:$0x1FED0]  }
0xfc: {  	v27 =	vld [tilespmem:$0x1FEE0];
	_ =	sdelay $0x2  }
0xfd: {  	v25 =	vmax.f32 v13, v5  }
0xfe: {  	v26 =	vmax.f32 v8, v5;
	v13 =	vsel vm4, v25, v13;
	vm4 =	vnez.u8 v24  }
0xff: {  	v24 =	vmax.f32 v18, v22;
	v8 =	vsel vm4, v26, v8;
	vm4 =	vnez.u8 v27  }
0x100: {  	v18 =	vsel vm4, v24, v18;
	v24 =	vld [tilespmem:$0x1FEF0];
	_ =	sdelay $0x4  }
0x101: {  	vm4 =	vnez.u8 v24;
	v24 =	vld [tilespmem:$0x1FF00]  }
0x102: {  	v27 =	vld [tilespmem:$0x1FF10];
	_ =	sdelay $0x2  }
0x103: {  	v25 =	vmax.f32 v14, v22  }
0x104: {  	v26 =	vmax.f32 v9, v22;
	v14 =	vsel vm4, v25, v14;
	vm4 =	vnez.u8 v24  }
0x105: {  	v24 =	vmax.f32 v18, v23;
	v9 =	vsel vm4, v26, v9;
	vm4 =	vnez.u8 v27  }
0x106: {  	v18 =	vsel vm4, v24, v18;
	v24 =	vld [tilespmem:$0x1FF20];
	_ =	sdelay $0x4  }
0x107: {  	vm4 =	vnez.u8 v24;
	v24 =	vld [tilespmem:$0x1FF30]  }
0x108: {  	v27 =	vld [tilespmem:$0x1FF40];
	_ =	sdelay $0x2  }
0x109: {  	v25 =	vmax.f32 v14, v23  }
0x10a: {  	v26 =	vmax.f32 v9, v23;
	v14 =	vsel vm4, v25, v14;
	vm4 =	vnez.u8 v24  }
0x10b: {  	v24 =	vmax.f32 v18, v4;
	v9 =	vsel vm4, v26, v9;
	vm4 =	vnez.u8 v27  }
0x10c: {  	v18 =	vsel vm4, v24, v18;
	v24 =	vld [tilespmem:$0x1FF50];
	_ =	sdelay $0x4  }
0x10d: {  	vm4 =	vnez.u8 v24;
	v24 =	vld [tilespmem:$0x1FF60]  }
0x10e: {  	v27 =	vld [tilespmem:$0x1FF70];
	_ =	sdelay $0x2  }
0x10f: {  	v25 =	vmax.f32 v14, v4  }
0x110: {  	v26 =	vmax.f32 v9, v4;
	v14 =	vsel vm4, v25, v14;
	vm4 =	vnez.u8 v24  }
0x111: {  	v24 =	vmax.f32 v18, v5;
	v9 =	vsel vm4, v26, v9;
	vm4 =	vnez.u8 v27  }
0x112: {  	v18 =	vsel vm4, v24, v18;
	v24 =	vld [tilespmem:$0x1FF80];
	_ =	sdelay $0x4  }
0x113: {  	vm4 =	vnez.u8 v24;
	v24 =	vld [tilespmem:$0x1FF90];
	_ =	sdelay $0x3  }
0x114: {  	v25 =	vmax.f32 v14, v5;
	v27 =	vmax.f32 v21, v22  }
0x115: {  	v26 =	vmax.f32 v9, v5;
	v14 =	vsel vm4, v25, v14;
	vm4 =	vnez.u8 v24  }
0x116: {  	v24 =	vmax.f32 v19, v22;
	v9 =	vsel vm4, v26, v9;
	v26 =	vmax.f32 v20, v22;
	v22 =	vld [tilespmem:$0x1FFA0];
	_ =	sdelay $0x4  }
0x117: {  	vm4 =	vnez.u8 v22  }
0x118: {  	v25 =	vsel vm4, v24, v19;
	v19 =	vld [tilespmem:$0x1FFB0];
	_ =	sdelay $0x4  }
0x119: {  	vm4 =	vnez.u8 v19;
	v19 =	vld [tilespmem:$0x1FFC0]  }
0x11a: {  	s15 =	sadd.s32 $0x4, s15  }
0x11b: {  	p0 =	slt.u32 s15, $0x3C  }
.Ltmp0:
0x11c: {  	_ = 	snop;
	(pc) =	sbr.rel @p0 .LBB2_2-.Ltmp0, $4  }
0x11d: {  	_ = 	snop  }
0x11e: {  	v22 =	vsel vm4, v26, v20;
	vm4 =	vnez.u8 v19  }
0x11f: {  	vm0 =	vmmov vm3;
	vm3 =	vmmov vm5;
	v19 =	vsel vm4, v27, v21  }
0x120: {  	s16 =	sadd.s32 $0x40, s16;
	v24 =	vmax.f32 v22, v23;
	v27 =	vmax.f32 v25, v23;
	v20 =	vmax.f32 v19, v23  }
0x121: {  	_ =	sdelay $0x2  }
0x122: {  	[tilespmem:$0x900] =	vst v10  }
0x123: {  	v21 =	vld.idx.msk [tilespmem:v0+s10+$0x0], $0xffff;
	_ =	sdelay $0x4  }
0x124: {  	v10 =	vmax.f32 v10, v21  }
0x125: {  	[tilespmem:$0x900] =	vst v10  }
0x126: {  	v21 =	vld.idx.msk [tilespmem:v1+s10+$0x0], $0xffff;
	_ =	sdelay $0x4  }
0x127: {  	v10 =	vmax.f32 v10, v21  }
0x128: {  	[tilespmem:$0x900] =	vst v10  }
0x129: {  	v21 =	vld.idx.msk [tilespmem:v2+s10+$0x0], $0xffff;
	_ =	sdelay $0x4  }
0x12a: {  	v10 =	vmax.f32 v10, v21  }
0x12b: {  	[tilespmem:$0x900] =	vst v10  }
0x12c: {  	v21 =	vld.idx.msk [tilespmem:v3+s10+$0x0], $0xffff;
	[tilespmem:$0x900] =	vst v15  }
0x12d: {  	v23 =	vld.idx.msk [tilespmem:v0+s10+$0x0], $0xffff;
	_ =	sdelay $0x4  }
0x12e: {  	v15 =	vmax.f32 v15, v23  }
0x12f: {  	[tilespmem:$0x900] =	vst v15  }
0x130: {  	v23 =	vld.idx.msk [tilespmem:v1+s10+$0x0], $0xffff;
	_ =	sdelay $0x4  }
0x131: {  	v15 =	vmax.f32 v15, v23  }
0x132: {  	[tilespmem:$0x900] =	vst v15  }
0x133: {  	v23 =	vld.idx.msk [tilespmem:v2+s10+$0x0], $0xffff;
	_ =	sdelay $0x4  }
0x134: {  	v15 =	vmax.f32 v15, v23  }
0x135: {  	[tilespmem:$0x900] =	vst v15  }
0x136: {  	v23 =	vld.idx.msk [tilespmem:v3+s10+$0x0], $0xffff;
	[tilespmem:$0x900] =	vst v11  }
0x137: {  	v26 =	vld.idx.msk [tilespmem:v0+s10+$0x0], $0xffff;
	_ =	sdelay $0x4  }
0x138: {  	v11 =	vmax.f32 v11, v26  }
0x139: {  	[tilespmem:$0x900] =	vst v11  }
0x13a: {  	v26 =	vld.idx.msk [tilespmem:v1+s10+$0x0], $0xffff;
	_ =	sdelay $0x4  }
0x13b: {  	v11 =	vmax.f32 v11, v26  }
0x13c: {  	[tilespmem:$0x900] =	vst v11  }
0x13d: {  	v26 =	vld.idx.msk [tilespmem:v2+s10+$0x0], $0xffff;
	_ =	sdelay $0x4  }
0x13e: {  	v11 =	vmax.f32 v11, v26  }
0x13f: {  	[tilespmem:$0x900] =	vst v11  }
0x140: {  	v26 =	vld.idx.msk [tilespmem:v3+s10+$0x0], $0xffff;
	[tilespmem:$0x900] =	vst v6  }
0x141: {  	v28 =	vld.idx.msk [tilespmem:v0+s10+$0x0], $0xffff;
	_ =	sdelay $0x4  }
0x142: {  	v6 =	vmax.f32 v6, v28  }
0x143: {  	[tilespmem:$0x900] =	vst v6  }
0x144: {  	v28 =	vld.idx.msk [tilespmem:v1+s10+$0x0], $0xffff;
	_ =	sdelay $0x4  }
0x145: {  	v6 =	vmax.f32 v6, v28  }
0x146: {  	[tilespmem:$0x900] =	vst v6  }
0x147: {  	v28 =	vld.idx.msk [tilespmem:v2+s10+$0x0], $0xffff;
	_ =	sdelay $0x4  }
0x148: {  	v6 =	vmax.f32 v6, v28  }
0x149: {  	[tilespmem:$0x900] =	vst v6  }
0x14a: {  	v28 =	vld.idx.msk [tilespmem:v3+s10+$0x0], $0xffff;
	[tilespmem:$0x900] =	vst v16  }
0x14b: {  	v29 =	vld.idx.msk [tilespmem:v0+s10+$0x0], $0xffff;
	_ =	sdelay $0x4  }
0x14c: {  	v16 =	vmax.f32 v16, v29  }
0x14d: {  	[tilespmem:$0x900] =	vst v16  }
0x14e: {  	v29 =	vld.idx.msk [tilespmem:v1+s10+$0x0], $0xffff;
	_ =	sdelay $0x4  }
0x14f: {  	v16 =	vmax.f32 v16, v29  }
0x150: {  	[tilespmem:$0x900] =	vst v16  }
0x151: {  	v29 =	vld.idx.msk [tilespmem:v2+s10+$0x0], $0xffff;
	_ =	sdelay $0x4  }
0x152: {  	v16 =	vmax.f32 v16, v29  }
0x153: {  	[tilespmem:$0x900] =	vst v16  }
0x154: {  	v29 =	vld.idx.msk [tilespmem:v3+s10+$0x0], $0xffff;
	[tilespmem:$0x900] =	vst v12  }
0x155: {  	v30 =	vld.idx.msk [tilespmem:v0+s10+$0x0], $0xffff;
	_ =	sdelay $0x4  }
0x156: {  	v12 =	vmax.f32 v12, v30  }
0x157: {  	[tilespmem:$0x900] =	vst v12  }
0x158: {  	v30 =	vld.idx.msk [tilespmem:v1+s10+$0x0], $0xffff;
	_ =	sdelay $0x4  }
0x159: {  	v12 =	vmax.f32 v12, v30  }
0x15a: {  	[tilespmem:$0x900] =	vst v12  }
0x15b: {  	v30 =	vld.idx.msk [tilespmem:v2+s10+$0x0], $0xffff;
	_ =	sdelay $0x4  }
0x15c: {  	v12 =	vmax.f32 v12, v30  }
0x15d: {  	[tilespmem:$0x900] =	vst v12  }
0x15e: {  	v30 =	vld.idx.msk [tilespmem:v3+s10+$0x0], $0xffff;
	[tilespmem:$0x900] =	vst v7  }
0x15f: {  	v31 =	vld.idx.msk [tilespmem:v0+s10+$0x0], $0xffff;
	_ =	sdelay $0x4  }
0x160: {  	v7 =	vmax.f32 v7, v31  }
0x161: {  	[tilespmem:$0x900] =	vst v7  }
0x162: {  	v31 =	vld.idx.msk [tilespmem:v1+s10+$0x0], $0xffff;
	_ =	sdelay $0x4  }
0x163: {  	v7 =	vmax.f32 v7, v31  }
0x164: {  	[tilespmem:$0x900] =	vst v7  }
0x165: {  	v31 =	vld.idx.msk [tilespmem:v2+s10+$0x0], $0xffff;
	_ =	sdelay $0x4  }
0x166: {  	v7 =	vmax.f32 v7, v31  }
0x167: {  	[tilespmem:$0x900] =	vst v7  }
0x168: {  	v31 =	vld.idx.msk [tilespmem:v3+s10+$0x0], $0xffff;
	[tilespmem:$0x900] =	vst v17  }
0x169: {  	v32 =	vld.idx.msk [tilespmem:v0+s10+$0x0], $0xffff;
	_ =	sdelay $0x4  }
0x16a: {  	v17 =	vmax.f32 v17, v32  }
0x16b: {  	[tilespmem:$0x900] =	vst v17  }
0x16c: {  	v61 =	vld.idx.msk [tilespmem:v1+s10+$0x0], $0xffff;
	_ =	sdelay $0x4  }
0x16d: {  	v17 =	vmax.f32 v17, v61  }
0x16e: {  	[tilespmem:$0x900] =	vst v17  }
0x16f: {  	v62 =	vld.idx.msk [tilespmem:v2+s10+$0x0], $0xffff;
	_ =	sdelay $0x4  }
0x170: {  	v17 =	vmax.f32 v17, v62  }
0x171: {  	[tilespmem:$0x900] =	vst v17  }
0x172: {  	v63 =	vld.idx.msk [tilespmem:v3+s10+$0x0], $0xffff;
	[tilespmem:$0x900] =	vst v13  }
0x173: {  	v33 =	vld.idx.msk [tilespmem:v0+s10+$0x0], $0xffff;
	_ =	sdelay $0x4  }
0x174: {  	v13 =	vmax.f32 v13, v33  }
0x175: {  	[tilespmem:$0x900] =	vst v13  }
0x176: {  	v40 =	vld.idx.msk [tilespmem:v1+s10+$0x0], $0xffff;
	_ =	sdelay $0x4  }
0x177: {  	v13 =	vmax.f32 v13, v40  }
0x178: {  	[tilespmem:$0x900] =	vst v13  }
0x179: {  	v41 =	vld.idx.msk [tilespmem:v2+s10+$0x0], $0xffff;
	_ =	sdelay $0x4  }
0x17a: {  	v13 =	vmax.f32 v13, v41  }
0x17b: {  	[tilespmem:$0x900] =	vst v13  }
0x17c: {  	v42 =	vld.idx.msk [tilespmem:v3+s10+$0x0], $0xffff;
	[tilespmem:$0x900] =	vst v8  }
0x17d: {  	v34 =	vld.idx.msk [tilespmem:v0+s10+$0x0], $0xffff;
	_ =	sdelay $0x4  }
0x17e: {  	v8 =	vmax.f32 v8, v34  }
0x17f: {  	[tilespmem:$0x900] =	vst v8  }
0x180: {  	v43 =	vld.idx.msk [tilespmem:v1+s10+$0x0], $0xffff;
	_ =	sdelay $0x4  }
0x181: {  	v8 =	vmax.f32 v8, v43  }
0x182: {  	[tilespmem:$0x900] =	vst v8  }
0x183: {  	v44 =	vld.idx.msk [tilespmem:v2+s10+$0x0], $0xffff;
	_ =	sdelay $0x4  }
0x184: {  	v8 =	vmax.f32 v8, v44  }
0x185: {  	[tilespmem:$0x900] =	vst v8  }
0x186: {  	v45 =	vld.idx.msk [tilespmem:v3+s10+$0x0], $0xffff;
	[tilespmem:$0x900] =	vst v18  }
0x187: {  	v35 =	vld.idx.msk [tilespmem:v0+s10+$0x0], $0xffff;
	_ =	sdelay $0x4  }
0x188: {  	v18 =	vmax.f32 v18, v35  }
0x189: {  	[tilespmem:$0x900] =	vst v18  }
0x18a: {  	v46 =	vld.idx.msk [tilespmem:v1+s10+$0x0], $0xffff;
	_ =	sdelay $0x4  }
0x18b: {  	v18 =	vmax.f32 v18, v46  }
0x18c: {  	[tilespmem:$0x900] =	vst v18  }
0x18d: {  	v47 =	vld.idx.msk [tilespmem:v2+s10+$0x0], $0xffff;
	_ =	sdelay $0x4  }
0x18e: {  	v18 =	vmax.f32 v18, v47  }
0x18f: {  	[tilespmem:$0x900] =	vst v18  }
0x190: {  	v48 =	vld.idx.msk [tilespmem:v3+s10+$0x0], $0xffff;
	[tilespmem:$0x900] =	vst v14  }
0x191: {  	v36 =	vld.idx.msk [tilespmem:v0+s10+$0x0], $0xffff;
	_ =	sdelay $0x4  }
0x192: {  	v14 =	vmax.f32 v14, v36  }
0x193: {  	[tilespmem:$0x900] =	vst v14  }
0x194: {  	v49 =	vld.idx.msk [tilespmem:v1+s10+$0x0], $0xffff;
	_ =	sdelay $0x4  }
0x195: {  	v14 =	vmax.f32 v14, v49  }
0x196: {  	[tilespmem:$0x900] =	vst v14  }
0x197: {  	v50 =	vld.idx.msk [tilespmem:v2+s10+$0x0], $0xffff;
	_ =	sdelay $0x4  }
0x198: {  	v14 =	vmax.f32 v14, v50  }
0x199: {  	[tilespmem:$0x900] =	vst v14  }
0x19a: {  	v51 =	vld.idx.msk [tilespmem:v3+s10+$0x0], $0xffff;
	[tilespmem:$0x900] =	vst v9  }
0x19b: {  	v37 =	vld.idx.msk [tilespmem:v0+s10+$0x0], $0xffff;
	_ =	sdelay $0x4  }
0x19c: {  	v9 =	vmax.f32 v9, v37  }
0x19d: {  	[tilespmem:$0x900] =	vst v9  }
0x19e: {  	v52 =	vld.idx.msk [tilespmem:v1+s10+$0x0], $0xffff;
	_ =	sdelay $0x4  }
0x19f: {  	v9 =	vmax.f32 v9, v52  }
0x1a0: {  	[tilespmem:$0x900] =	vst v9  }
0x1a1: {  	v53 =	vld.idx.msk [tilespmem:v2+s10+$0x0], $0xffff;
	_ =	sdelay $0x1  }
0x1a2: {  	v25 =	vsel vm3, v27, v25  }
0x1a3: {  	v27 =	vmax.f32 v25, v4  }
0x1a4: {  	v25 =	vsel vm10, v27, v25  }
0x1a5: {  	v27 =	vmax.f32 v25, v5;
	v9 =	vmax.f32 v9, v53  }
0x1a6: {  	v25 =	vsel vm12, v27, v25;
	[tilespmem:$0x900] =	vst v9  }
0x1a7: {  	v27 =	vld.idx.msk [tilespmem:v3+s10+$0x0], $0xffff;
	[tilespmem:$0x900] =	vst v25  }
0x1a8: {  	v54 =	vld.idx.msk [tilespmem:v0+s10+$0x0], $0xffff;
	_ =	sdelay $0x4  }
0x1a9: {  	v25 =	vmax.f32 v25, v54  }
0x1aa: {  	[tilespmem:$0x900] =	vst v25  }
0x1ab: {  	v55 =	vld.idx.msk [tilespmem:v1+s10+$0x0], $0xffff;
	_ =	sdelay $0x4  }
0x1ac: {  	v25 =	vmax.f32 v25, v55  }
0x1ad: {  	[tilespmem:$0x900] =	vst v25  }
0x1ae: {  	v56 =	vld.idx.msk [tilespmem:v2+s10+$0x0], $0xffff;
	_ =	sdelay $0x1  }
0x1af: {  	v22 =	vsel vm1, v24, v22  }
0x1b0: {  	v24 =	vmax.f32 v22, v4  }
0x1b1: {  	v22 =	vsel vm15, v24, v22  }
0x1b2: {  	v24 =	vmax.f32 v25, v56;
	v25 =	vmax.f32 v22, v5  }
0x1b3: {  	[tilespmem:$0x900] =	vst v24;
	v22 =	vsel vm14, v25, v22  }
0x1b4: {  	v25 =	vld.idx.msk [tilespmem:v3+s10+$0x0], $0xffff;
	[tilespmem:$0x900] =	vst v22  }
0x1b5: {  	v57 =	vld.idx.msk [tilespmem:v0+s10+$0x0], $0xffff;
	_ =	sdelay $0x4  }
0x1b6: {  	v22 =	vmax.f32 v22, v57  }
0x1b7: {  	v10 =	vmax.f32 v10, v21;
	v21 =	vld [tilespmem:$0x1FFD0];
	[tilespmem:$0x900] =	vst v22  }
0x1b8: {  	v58 =	vld.idx.msk [tilespmem:v1+s10+$0x0], $0xffff;
	_ =	sdelay $0x3  }
0x1b9: {  	v19 =	vsel vm0, v20, v19;
	vm0 =	vnez.u8 v21;
	v15 =	vmax.f32 v15, v23  }
0x1ba: {  	v10 =	vsel vm0, v10, v15;
	v15 =	vld [tilespmem:$0x1FFE0];
	v22 =	vmax.f32 v22, v58  }
0x1bb: {  	[tilespmem:$0x900] =	vst v22  }
0x1bc: {  	v59 =	vld.idx.msk [tilespmem:v2+s10+$0x0], $0xffff;
	_ =	sdelay $0x2  }
0x1bd: {  	v4 =	vmax.f32 v19, v4;
	vm0 =	vnez.u8 v15;
	v11 =	vmax.f32 v11, v26  }
0x1be: {  	v4 =	vsel vm2, v4, v19;
	v10 =	vsel vm0, v10, v11;
	v11 =	vld [tilespmem:$0x1FFF0]  }
0x1bf: {  	v5 =	vmax.f32 v4, v5;
	v19 =	vmax.f32 v22, v59  }
0x1c0: {  	v4 =	vsel vm6, v5, v4;
	[tilespmem:$0x900] =	vst v19  }
0x1c1: {  	v5 =	vld.idx.msk [tilespmem:v3+s10+$0x0], $0xffff;
	[tilespmem:$0x900] =	vst v4  }
0x1c2: {  	v20 =	vld.idx.msk [tilespmem:v0+s10+$0x0], $0xffff  }
0x1c3: {  	v15 =	vimm.s32 $0x0;
	vm0 =	vnez.u8 v11;
	v6 =	vmax.f32 v6, v28  }
0x1c4: {  	v6 =	vsel vm0, v10, v6;
	vm0 =	vmmov $0xf;
	v10 =	vmax.f32 v16, v29  }
0x1c5: {  	v15 =	vsel vm0, $0xFFFFFFFF, v15;
	v6 =	vsel vm0, v6, v10  }
0x1c6: {  	vm0 =	vmmov $0x1f;
	v10 =	vmax.f32 v12, v30;
	v12 =	vimm.s32 $0x0  }
0x1c7: {  	v12 =	vsel vm0, $0xFFFFFFFF, v12;
	v4 =	vmax.f32 v4, v20  }
0x1c8: {  	v6 =	vsel vm0, v6, v10;
	vm0 =	vmmov $0x3f;
	v10 =	vimm.s32 $0x0;
	[tilespmem:$0x900] =	vst v4  }
0x1c9: {  	v10 =	vsel vm0, $0xFFFFFFFF, v10;
	v7 =	vmax.f32 v7, v31;
	v20 =	vld.idx.msk [tilespmem:v1+s10+$0x0], $0xffff  }
0x1ca: {  	[tilespmem:$0x1FC30] =	vst v10;
	v10 =	vimm.s32 $0x0;
	v6 =	vsel vm0, v6, v7;
	vm0 =	vmmov $0x7f  }
0x1cb: {  	v10 =	vsel vm0, $0xFFFFFFFF, v10;
	v7 =	vmax.f32 v17, v63  }
0x1cc: {  	[tilespmem:$0x1FC40] =	vst v10;
	v10 =	vimm.s32 $0x0;
	v6 =	vsel vm0, v6, v7;
	vm0 =	vmmov $0xff  }
0x1cd: {  	v10 =	vsel vm0, $0xFFFFFFFF, v10  }
0x1ce: {  	[tilespmem:$0x1FC50] =	vst v10;
	v7 =	vmax.f32 v13, v42;
	v4 =	vmax.f32 v4, v20  }
0x1cf: {  	v10 =	vimm.s32 $0x0;
	v6 =	vsel vm0, v6, v7;
	[tilespmem:$0x900] =	vst v4  }
0x1d0: {  	vm0 =	vmmov $0x1ff;
	v7 =	vmax.f32 v8, v45;
	v8 =	vimm.s32 $0x0;
	v11 =	vld.idx.msk [tilespmem:v2+s10+$0x0], $0xffff  }
0x1d1: {  	v8 =	vsel vm0, $0xFFFFFFFF, v8;
	v6 =	vsel vm0, v6, v7;
	vm0 =	vmmov $0x3ff  }
0x1d2: {  	v10 =	vsel vm0, $0xFFFFFFFF, v10  }
0x1d3: {  	[tilespmem:$0x1FC70] =	vst v10;
	v10 =	vimm.s32 $0x0;
	v7 =	vmax.f32 v18, v48  }
0x1d4: {  	v6 =	vsel vm0, v6, v7;
	vm0 =	vmmov $0x7ff;
	v7 =	vmax.f32 v14, v51  }
0x1d5: {  	v10 =	vsel vm0, $0xFFFFFFFF, v10;
	v6 =	vsel vm0, v6, v7;
	v4 =	vmax.f32 v4, v11  }
0x1d6: {  	vm0 =	vmmov $0xfff;
	v7 =	vmax.f32 v9, v27;
	v9 =	vimm.s32 $0x0;
	[tilespmem:$0x900] =	vst v4  }
0x1d7: {  	[tilespmem:$0x1FC60] =	vst v8;
	v9 =	vsel vm0, $0xFFFFFFFF, v9;
	v8 =	vld.idx.msk [tilespmem:v3+s10+$0x0], $0xffff  }
0x1d8: {  	v6 =	vsel vm0, v6, v7;
	vm0 =	vmmov $0x1fff;
	[tilespmem:$0x1FC90] =	vst v9;
	v9 =	vimm.s32 $0x0  }
0x1d9: {  	v9 =	vsel vm0, $0xFFFFFFFF, v9;
	v7 =	vmax.f32 v24, v25  }
0x1da: {  	v6 =	vsel vm0, v6, v7;
	vm0 =	vmmov $0x3fff;
	v7 =	vimm.s32 $0x0  }
0x1db: {  	v7 =	vsel vm0, $0xFFFFFFFF, v7;
	v5 =	vmax.f32 v19, v5  }
0x1dc: {  	v5 =	vsel vm0, v6, v5;
	vm0 =	vmmov $0x7fff;
	v4 =	vmax.f32 v4, v8  }
0x1dd: {  	v6 =	vimm.s32 $0x0;
	v4 =	vsel vm0, v5, v4  }
0x1de: {  	s15 =	simm.s32 $0x420;
	v6 =	vsel vm0, $0xFFFFFFFF, v6;
	[tilespmem:$0x800] =	vst v4  }
0x1df: {  	[tilespmem:$0x1FCC0] =	vst v6;
	v6 =	vld [tilespmem:s15+$0x10];
	_ =	sdelay $0x5  }
0x1e0: {  	s14 =	simm.s32 $0x20;
	v23 =	vld [tilespmem:s15+$0x0]  }
0x1e1: {  	v4 =	vld [tilespmem:s14+$0x10]  }
0x1e2: {  	v5 =	vld.idx.msk [tilespmem:v6+s11+$0x0], $0xffff;
	_ =	sdelay $0x1  }
0x1e3: {  	[tilespmem:$0x1FCA0] =	vst v9;
	v9 =	vld [tilespmem:s15+$0xFFFFFFE0];
	_ =	sdelay $0x1  }
0x1e4: {  	v24 =	vld [tilespmem:s15+$0xFFFFFFF0]  }
0x1e5: {  	[tilespmem:$0x1FCB0] =	vst v7;
	v7 =	vld [tilespmem:s14+$0x0];
	v4 =	vsub.f32 v4, v5  }
0x1e6: {  	v5 =	vld.idx.msk [tilespmem:v23+s11+$0x0], $0xffff  }
0x1e7: {  	v4 =	vmul.f32 $1.442695020e+00, v4;
	_ =	sdelay $0x1  }
0x1e8: {  	[tilespmem:$0x1FC20] =	vst v12;
	v12 =	vld [tilespmem:s14+$0xFFFFFFE0];
	(erf) = vpow2.f32 v4  }
0x1e9: {  	v8 =	vld.idx.msk [tilespmem:v9+s11+$0x0], $0xffff  }
0x1ea: {  	v4 =	vsub.f32 v7, v5;
	v5 =	vld [tilespmem:s14+$0xFFFFFFF0]  }
0x1eb: {  	v7 =	vld.idx.msk [tilespmem:v24+s11+$0x0], $0xffff;
	_ =	sdelay $0x1  }
0x1ec: {  	v4 =	vmul.f32 $1.442695020e+00, v4;
	_ =	sdelay $0x1  }
0x1ed: {  	v25 =	vimm.f32 $0.0e+00;
	vm0 =	veq.s32 v6, $0x0;
	vm1 =	veq.s32 v6, $0x1  }
0x1ee: {  	vm2 =	veq.s32 v6, $0x2;
	v5 =	vsub.f32 v5, v7;
	v7 =	vsub.f32 v12, v8  }
0x1ef: {  	vm3 =	veq.s32 v6, $0x3;
	vm4 =	veq.s32 v23, $0xE;
	(erf) = vpow2.f32 v4;
	v4 =	vpop (erf)  }
0x1f0: {  	v8 =	vmul.f32 $1.442695020e+00, v5;
	v7 =	vmul.f32 $1.442695020e+00, v7;
	v13 =	vnsel vm0, $0x0, v4  }
0x1f1: {  	vm0 =	veq.s32 v6, $0x4;
	v16 =	vnsel vm1, $0x0, v4;
	vm1 =	veq.s32 v6, $0x5  }
0x1f2: {  	v21 =	vnsel vm2, $0x0, v4;
	vm2 =	veq.s32 v6, $0x6;
	v27 =	vnsel vm3, $0x0, v4  }
0x1f3: {  	vm3 =	veq.s32 v6, $0x7;
	(erf) = vpow2.f32 v8;
	v17 =	vnsel vm0, $0x0, v4  }
0x1f4: {  	vm0 =	veq.s32 v6, $0x8;
	v14 =	vnsel vm1, $0x0, v4;
	vm1 =	veq.s32 v6, $0x9  }
0x1f5: {  	[tilespmem:$0x1FC10] =	vst v15;
	v11 =	vnsel vm2, $0x0, v4;
	vm2 =	veq.s32 v6, $0xA;
	v15 =	vnsel vm3, $0x0, v4  }
0x1f6: {  	[tilespmem:$0x1FC80] =	vst v10;
	vm3 =	veq.s32 v6, $0xB;
	v10 =	vnsel vm0, $0x0, v4;
	vm0 =	veq.s32 v6, $0xC  }
0x1f7: {  	v12 =	vnsel vm1, $0x0, v4;
	vm1 =	veq.s32 v6, $0xD;
	v26 =	vnsel vm2, $0x0, v4  }
0x1f8: {  	vm2 =	veq.s32 v23, $0x0;
	v29 =	vnsel vm3, $0x0, v4;
	vm3 =	veq.s32 v6, $0xE  }
0x1f9: {  	v5 =	vpop (erf);
	(erf) = vpow2.f32 v7;
	v7 =	vnsel vm0, $0x0, v4;
	vm0 =	veq.s32 v23, $0x1  }
0x1fa: {  	v19 =	vnsel vm2, $0x0, v5;
	vm2 =	veq.s32 v6, $0xF;
	v6 =	vnsel vm1, $0x0, v4  }
0x1fb: {  	vm1 =	veq.s32 v23, $0x2;
	v22 =	vnsel vm0, $0x0, v5;
	vm0 =	veq.s32 v23, $0x3  }
0x1fc: {  	v28 =	vnsel vm1, $0x0, v5;
	vm1 =	veq.s32 v23, $0x4;
	v30 =	vnsel vm0, $0x0, v5  }
0x1fd: {  	vm0 =	veq.s32 v23, $0x5;
	v31 =	vnsel vm1, $0x0, v5;
	vm1 =	veq.s32 v23, $0x6  }
0x1fe: {  	v60 =	vnsel vm0, $0x0, v5;
	vm0 =	veq.s32 v23, $0x7;
	v61 =	vnsel vm1, $0x0, v5  }
0x1ff: {  	vm1 =	veq.s32 v23, $0x8;
	v62 =	vnsel vm0, $0x0, v5;
	vm0 =	veq.s32 v23, $0x9  }
0x200: {  	v35 =	vnsel vm1, $0x0, v5;
	vm1 =	veq.s32 v23, $0xA;
	v36 =	vnsel vm0, $0x0, v5  }
0x201: {  	vm0 =	veq.s32 v23, $0xB;
	v8 =	vpop (erf);
	v37 =	vnsel vm1, $0x0, v5;
	vm1 =	veq.s32 v24, $0x0  }
0x202: {  	v38 =	vnsel vm0, $0x0, v5;
	vm0 =	veq.s32 v24, $0x1;
	v18 =	vnsel vm1, $0x0, v8  }
0x203: {  	vm1 =	veq.s32 v9, $0x0;
	v20 =	vnsel vm0, $0x0, v8;
	vm0 =	veq.s32 v9, $0x1;
	v39 =	vpop (erf)  }
0x204: {  	v40 =	vnsel vm1, $0x0, v39;
	v41 =	vnsel vm0, $0x0, v39;
	vm0 =	veq.s32 v9, $0x2  }
0x205: {  	v42 =	vnsel vm0, $0x0, v39;
	vm0 =	veq.s32 v9, $0x3;
	v40 =	vadd.f32 v40, v25  }
0x206: {  	vm1 =	veq.s32 v23, $0xC;
	v41 =	vadd.f32 v41, v25;
	v43 =	vnsel vm0, $0x0, v39  }
0x207: {  	vm0 =	veq.s32 v24, $0x2;
	v42 =	vadd.f32 v42, v25;
	v40 =	vadd.f32 v18, v40  }
0x208: {  	v18 =	vnsel vm0, $0x0, v8;
	vm0 =	veq.s32 v24, $0x3;
	v43 =	vadd.f32 v43, v25  }
0x209: {  	v41 =	vadd.f32 v20, v41;
	v20 =	vnsel vm1, $0x0, v5;
	vm1 =	veq.s32 v24, $0x4  }
0x20a: {  	v44 =	vnsel vm0, $0x0, v8;
	vm0 =	veq.s32 v23, $0xD;
	v42 =	vadd.f32 v18, v42  }
0x20b: {  	v63 =	vnsel vm1, $0x0, v8;
	vm1 =	veq.s32 v24, $0x6;
	v43 =	vadd.f32 v44, v43  }
0x20c: {  	v18 =	vnsel vm0, $0x0, v5;
	vm0 =	veq.s32 v24, $0x5;
	v19 =	vadd.f32 v19, v40  }
0x20d: {  	v41 =	vadd.f32 v22, v41;
	v48 =	vnsel vm0, $0x0, v8;
	vm0 =	veq.s32 v9, $0x4  }
0x20e: {  	v28 =	vadd.f32 v28, v42;
	v49 =	vnsel vm0, $0x0, v39;
	v30 =	vadd.f32 v30, v43  }
0x20f: {  	vm0 =	veq.s32 v9, $0x5;
	v22 =	vadd.f32 v13, v19;
	v19 =	vadd.f32 v16, v41  }
0x210: {  	v50 =	vnsel vm0, $0x0, v39;
	vm0 =	veq.s32 v9, $0x6;
	v16 =	vadd.f32 v21, v28  }
0x211: {  	v21 =	vnsel vm1, $0x0, v8;
	vm1 =	veq.s32 v24, $0x8;
	v28 =	vadd.f32 v49, v25  }
0x212: {  	v45 =	vnsel vm0, $0x0, v39;
	vm0 =	veq.s32 v9, $0x7;
	v13 =	vadd.f32 v27, v30  }
0x213: {  	v27 =	vadd.f32 v50, v25;
	v52 =	vnsel vm1, $0x0, v8;
	v51 =	vnsel vm0, $0x0, v39  }
0x214: {  	vm0 =	veq.s32 v24, $0x7;
	v28 =	vadd.f32 v63, v28;
	v53 =	vadd.f32 v45, v25  }
0x215: {  	v30 =	vnsel vm0, $0x0, v8;
	vm0 =	veq.s32 v24, $0x9;
	v27 =	vadd.f32 v48, v27  }
0x216: {  	v41 =	vadd.f32 v51, v25;
	v54 =	vnsel vm0, $0x0, v8;
	vm0 =	veq.s32 v9, $0x8  }
0x217: {  	v21 =	vadd.f32 v21, v53;
	v28 =	vadd.f32 v31, v28;
	v55 =	vnsel vm0, $0x0, v39  }
0x218: {  	vm0 =	veq.s32 v9, $0x9;
	v30 =	vadd.f32 v30, v41;
	v27 =	vadd.f32 v60, v27  }
0x219: {  	v56 =	vnsel vm0, $0x0, v39;
	vm0 =	veq.s32 v9, $0xA;
	v33 =	vadd.f32 v61, v21  }
0x21a: {  	v21 =	vadd.f32 v17, v28;
	v31 =	vnsel vm0, $0x0, v39;
	v30 =	vadd.f32 v62, v30  }
0x21b: {  	vm0 =	veq.s32 v9, $0xB;
	v17 =	vadd.f32 v14, v27;
	v60 =	vadd.f32 v56, v25  }
0x21c: {  	v57 =	vnsel vm0, $0x0, v39;
	vm0 =	veq.s32 v24, $0xA;
	v14 =	vadd.f32 v11, v33  }
0x21d: {  	v31 =	vadd.f32 v31, v25;
	v58 =	vnsel vm0, $0x0, v8;
	v11 =	vadd.f32 v15, v30  }
0x21e: {  	vm0 =	veq.s32 v24, $0xB;
	v15 =	vadd.f32 v55, v25;
	v32 =	vadd.f32 v57, v25  }
0x21f: {  	v33 =	vadd.f32 v54, v60;
	v59 =	vnsel vm0, $0x0, v8;
	vm0 =	veq.s32 v24, $0xC  }
0x220: {  	v31 =	vadd.f32 v58, v31;
	v28 =	vnsel vm0, $0x0, v8;
	v15 =	vadd.f32 v52, v15  }
0x221: {  	vm0 =	veq.s32 v24, $0xD;
	v32 =	vadd.f32 v59, v32;
	v33 =	vadd.f32 v36, v33  }
0x222: {  	v27 =	vnsel vm0, $0x0, v8;
	vm0 =	veq.s32 v9, $0xC;
	v31 =	vadd.f32 v37, v31  }
0x223: {  	v30 =	vnsel vm0, $0x0, v39;
	vm0 =	veq.s32 v9, $0xD;
	v32 =	vadd.f32 v38, v32  }
0x224: {  	v12 =	vadd.f32 v12, v33;
	v61 =	vnsel vm0, $0x0, v39;
	vm0 =	veq.s32 v9, $0xE  }
0x225: {  	v62 =	vnsel vm0, $0x0, v39;
	vm0 =	veq.s32 v9, $0xF;
	v9 =	vadd.f32 v35, v15  }
0x226: {  	vm1 =	veq.s32 v24, $0xF;
	v33 =	vadd.f32 v30, v25;
	v30 =	vadd.f32 v61, v25  }
0x227: {  	v63 =	vnsel vm0, $0x0, v39;
	vm0 =	veq.s32 v24, $0xE;
	v15 =	vadd.f32 v10, v9  }
0x228: {  	v10 =	vadd.f32 v26, v31;
	v9 =	vadd.f32 v29, v32;
	v26 =	vnsel vm0, $0x0, v8  }
0x229: {  	s16 =	simm.s32 $0x460;
	s15 =	simm.s32 $0x0;
	vm0 =	veq.s32 v23, $0xF;
	v29 =	vadd.f32 v62, v25;
	v23 =	vadd.f32 v63, v25  }
.LBB2_4:
0x22a: {  	v31 =	vld [tilespmem:s16+$0x10];
	v24 =	vadd.f32 v28, v33;
	v25 =	vadd.f32 v27, v30;
	v8 =	vnsel vm1, $0x0, v8  }
0x22b: {  	v26 =	vadd.f32 v26, v29;
	v8 =	vadd.f32 v8, v23;
	v23 =	vnsel vm4, $0x0, v5  }
0x22c: {  	v5 =	vnsel vm0, $0x0, v5;
	v20 =	vadd.f32 v20, v24;
	v18 =	vadd.f32 v18, v25  }
0x22d: {  	v25 =	vadd.f32 v23, v26;
	v5 =	vadd.f32 v5, v8  }
0x22e: {  	v8 =	vnsel vm3, $0x0, v4;
	v4 =	vnsel vm2, $0x0, v4;
	v24 =	vadd.f32 v6, v18  }
0x22f: {  	v6 =	vimm.s32 $0x0;
	vm0 =	veq.s32 v31, $0x0;
	v26 =	vadd.f32 v4, v5  }
0x230: {  	v5 =	vimm.s32 $0x0;
	v6 =	vsel vm0, $0xFFFFFFFF, v6;
	vm0 =	veq.s32 v31, $0x1  }
0x231: {  	v5 =	vsel vm0, $0xFFFFFFFF, v5  }
0x232: {  	vm0 =	veq.s32 v31, $0x2;
	[tilespmem:$0x1F910] =	vst v5;
	v5 =	vimm.s32 $0x0  }
0x233: {  	v5 =	vsel vm0, $0xFFFFFFFF, v5  }
0x234: {  	vm0 =	veq.s32 v31, $0x3;
	[tilespmem:$0x1F920] =	vst v5;
	v5 =	vimm.s32 $0x0  }
0x235: {  	v5 =	vsel vm0, $0xFFFFFFFF, v5  }
0x236: {  	vm0 =	veq.s32 v31, $0x4;
	[tilespmem:$0x1F930] =	vst v5;
	v5 =	vimm.s32 $0x0  }
0x237: {  	v5 =	vsel vm0, $0xFFFFFFFF, v5  }
0x238: {  	vm0 =	veq.s32 v31, $0x5;
	[tilespmem:$0x1F940] =	vst v5;
	v5 =	vimm.s32 $0x0  }
0x239: {  	v5 =	vsel vm0, $0xFFFFFFFF, v5  }
0x23a: {  	vm0 =	veq.s32 v31, $0x6;
	[tilespmem:$0x1F950] =	vst v5;
	v5 =	vimm.s32 $0x0  }
0x23b: {  	v5 =	vsel vm0, $0xFFFFFFFF, v5  }
0x23c: {  	vm0 =	veq.s32 v31, $0x7;
	[tilespmem:$0x1F960] =	vst v5;
	v5 =	vimm.s32 $0x0  }
0x23d: {  	v5 =	vsel vm0, $0xFFFFFFFF, v5  }
0x23e: {  	vm0 =	veq.s32 v31, $0x8;
	[tilespmem:$0x1F970] =	vst v5;
	v5 =	vimm.s32 $0x0  }
0x23f: {  	v5 =	vsel vm0, $0xFFFFFFFF, v5  }
0x240: {  	vm0 =	veq.s32 v31, $0x9;
	[tilespmem:$0x1F980] =	vst v5;
	v5 =	vimm.s32 $0x0  }
0x241: {  	[tilespmem:$0x1F900] =	vst v6;
	v6 =	vimm.s32 $0x0;
	v5 =	vsel vm0, $0xFFFFFFFF, v5;
	vm0 =	veq.s32 v31, $0xA  }
0x242: {  	v6 =	vsel vm0, $0xFFFFFFFF, v6  }
0x243: {  	vm0 =	veq.s32 v31, $0xB;
	[tilespmem:$0x1F9A0] =	vst v6;
	v6 =	vimm.s32 $0x0  }
0x244: {  	v6 =	vsel vm0, $0xFFFFFFFF, v6  }
0x245: {  	v23 =	vadd.f32 v7, v20;
	vm0 =	veq.s32 v31, $0xC;
	[tilespmem:$0x1F9B0] =	vst v6;
	v6 =	vimm.s32 $0x0  }
0x246: {  	v7 =	vimm.s32 $0x0;
	v6 =	vsel vm0, $0xFFFFFFFF, v6;
	vm0 =	veq.s32 v31, $0xD  }
0x247: {  	v4 =	vld [tilespmem:s16+$0x0];
	v7 =	vsel vm0, $0xFFFFFFFF, v7  }
0x248: {  	vm0 =	veq.s32 v31, $0xE;
	[tilespmem:$0x1F9D0] =	vst v7;
	v7 =	vimm.s32 $0x0  }
0x249: {  	v7 =	vsel vm0, $0xFFFFFFFF, v7  }
0x24a: {  	vm0 =	veq.s32 v31, $0xF;
	[tilespmem:$0x1FAA0] =	vst v7;
	v7 =	vimm.s32 $0x0  }
0x24b: {  	v7 =	vsel vm0, $0xFFFFFFFF, v7  }
0x24c: {  	vm0 =	veq.s32 v4, $0x1;
	[tilespmem:$0x1FA80] =	vst v7;
	v7 =	vimm.s32 $0x0  }
0x24d: {  	v7 =	vsel vm0, $0xFFFFFFFF, v7  }
0x24e: {  	vm0 =	veq.s32 v4, $0x2;
	[tilespmem:$0x1F9E0] =	vst v7;
	v7 =	vimm.s32 $0x0  }
0x24f: {  	v18 =	vimm.s32 $0x0;
	v7 =	vsel vm0, $0xFFFFFFFF, v7;
	vm0 =	veq.s32 v4, $0x4  }
0x250: {  	v18 =	vsel vm0, $0xFFFFFFFF, v18  }
0x251: {  	vm0 =	veq.s32 v4, $0x5;
	[tilespmem:$0x1FA00] =	vst v18;
	v18 =	vimm.s32 $0x0  }
0x252: {  	v18 =	vsel vm0, $0xFFFFFFFF, v18  }
0x253: {  	vm0 =	veq.s32 v4, $0x7;
	[tilespmem:$0x1FA10] =	vst v18;
	v18 =	vimm.s32 $0x0  }
0x254: {  	v18 =	vsel vm0, $0xFFFFFFFF, v18  }
0x255: {  	vm0 =	veq.s32 v4, $0x8;
	[tilespmem:$0x1FA20] =	vst v18;
	v18 =	vimm.s32 $0x0  }
0x256: {  	v18 =	vsel vm0, $0xFFFFFFFF, v18  }
0x257: {  	vm0 =	veq.s32 v4, $0xA;
	[tilespmem:$0x1FA30] =	vst v18;
	v18 =	vimm.s32 $0x0  }
0x258: {  	v18 =	vsel vm0, $0xFFFFFFFF, v18  }
0x259: {  	vm0 =	veq.s32 v4, $0xB;
	[tilespmem:$0x1FA40] =	vst v18;
	v18 =	vimm.s32 $0x0  }
0x25a: {  	v20 =	vimm.s32 $0x0;
	v18 =	vsel vm0, $0xFFFFFFFF, v18;
	vm0 =	veq.s32 v4, $0xC  }
0x25b: {  	[tilespmem:$0x1F9C0] =	vst v6;
	v20 =	vsel vm0, $0xFFFFFFFF, v20  }
0x25c: {  	vm12 =	veq.s32 v4, $0x0;
	v6 =	vld [tilespmem:s16+$0xFFFFFFF0];
	vm0 =	veq.s32 v4, $0xD;
	[tilespmem:$0x1FA60] =	vst v20;
	v20 =	vimm.s32 $0x0  }
0x25d: {  	s14 =	sadd.s32 $0x40, s14;
	vm9 =	veq.s32 v4, $0x3;
	vm10 =	veq.s32 v4, $0x6;
	[tilespmem:$0x1F990] =	vst v5;
	v20 =	vsel vm0, $0xFFFFFFFF, v20  }
0x25e: {  	vm11 =	veq.s32 v4, $0x9;
	v5 =	vld [tilespmem:s14+$0x10];
	vm0 =	veq.s32 v4, $0xE;
	[tilespmem:$0x1FA70] =	vst v20;
	v20 =	vimm.s32 $0x0  }
0x25f: {  	[tilespmem:$0x1FA50] =	vst v18;
	v18 =	vld.idx.msk [tilespmem:v4+s11+$0x0], $0xffff;
	v20 =	vsel vm0, $0xFFFFFFFF, v20;
	vm0 =	veq.s32 v4, $0xF;
	v4 =	vimm.s32 $0x0  }
0x260: {  	[tilespmem:$0x1F9F0] =	vst v7;
	v7 =	vld.idx.msk [tilespmem:v31+s11+$0x0], $0xffff;
	v4 =	vsel vm0, $0xFFFFFFFF, v4  }
0x261: {  	vm0 =	veq.s32 v6, $0x2;
	[tilespmem:$0x1FA90] =	vst v4;
	v4 =	vimm.s32 $0x0  }
0x262: {  	v4 =	vsel vm0, $0xFFFFFFFF, v4  }
0x263: {  	vm0 =	veq.s32 v6, $0x3;
	[tilespmem:$0x1FAB0] =	vst v4;
	v4 =	vimm.s32 $0x0  }
0x264: {  	v4 =	vsel vm0, $0xFFFFFFFF, v4  }
0x265: {  	vm0 =	veq.s32 v6, $0x4;
	[tilespmem:$0x1FAC0] =	vst v4;
	v4 =	vsub.f32 v5, v7;
	v7 =	vimm.s32 $0x0  }
0x266: {  	v7 =	vsel vm0, $0xFFFFFFFF, v7  }
0x267: {  	vm0 =	veq.s32 v6, $0x5;
	[tilespmem:$0x1FAD0] =	vst v7;
	v7 =	vimm.s32 $0x0  }
0x268: {  	v7 =	vsel vm0, $0xFFFFFFFF, v7  }
0x269: {  	v25 =	vadd.f32 v8, v25;
	v8 =	vld [tilespmem:s16+$0xFFFFFFE0];
	vm0 =	veq.s32 v6, $0x6;
	[tilespmem:$0x1FAE0] =	vst v7;
	v7 =	vimm.s32 $0x0  }
0x26a: {  	v27 =	vimm.s32 $0x0;
	v7 =	vsel vm0, $0xFFFFFFFF, v7;
	vm0 =	veq.s32 v6, $0x7  }
0x26b: {  	v27 =	vsel vm0, $0xFFFFFFFF, v27  }
0x26c: {  	vm0 =	veq.s32 v6, $0x8;
	[tilespmem:$0x1FB10] =	vst v27;
	v27 =	vimm.s32 $0x0  }
0x26d: {  	v28 =	vimm.s32 $0x0;
	v27 =	vsel vm0, $0xFFFFFFFF, v27;
	vm0 =	veq.s32 v6, $0x9  }
0x26e: {  	v29 =	vimm.s32 $0x0;
	vm13 =	veq.s32 v8, $0x8;
	v28 =	vsel vm0, $0xFFFFFFFF, v28  }
0x26f: {  	vm14 =	veq.s32 v6, $0x0;
	vm0 =	veq.s32 v6, $0xA;
	[tilespmem:$0x1FB30] =	vst v28;
	v28 =	vimm.s32 $0x0  }
0x270: {  	vm15 =	veq.s32 v6, $0x1;
	v4 =	vmul.f32 $1.442695020e+00, v4;
	v28 =	vsel vm0, $0xFFFFFFFF, v28  }
0x271: {  	vm4 =	veq.s32 v6, $0xF;
	vm0 =	veq.s32 v6, $0xB;
	[tilespmem:$0x1FB80] =	vst v28;
	v28 =	vimm.s32 $0x0  }
0x272: {  	[tilespmem:$0x1FAF0] =	vst v20;
	v20 =	vld [tilespmem:s14+$0x0];
	(erf) = vpow2.f32 v4;
	v28 =	vsel vm0, $0xFFFFFFFF, v28;
	vm0 =	veq.s32 v6, $0xC  }
0x273: {  	v5 =	vld [tilespmem:s14+$0xFFFFFFF0];
	v4 =	vimm.s32 $0x0;
	v29 =	vsel vm0, $0xFFFFFFFF, v29;
	vm0 =	veq.s32 v6, $0xD  }
0x274: {  	[tilespmem:$0x1FB00] =	vst v7;
	v7 =	vld.idx.msk [tilespmem:v6+s11+$0x0], $0xffff;
	v4 =	vsel vm0, $0xFFFFFFFF, v4;
	vm0 =	veq.s32 v6, $0xE;
	v6 =	vimm.s32 $0x0  }
0x275: {  	v6 =	vsel vm13, $0xFFFFFFFF, v6  }
0x276: {  	vm13 =	veq.s32 v8, $0x9;
	[tilespmem:$0x1FB40] =	vst v6;
	v6 =	vimm.s32 $0x0  }
0x277: {  	v6 =	vsel vm13, $0xFFFFFFFF, v6  }
0x278: {  	v18 =	vsub.f32 v20, v18;
	vm13 =	veq.s32 v8, $0xA;
	[tilespmem:$0x1FB50] =	vst v6;
	v6 =	vimm.s32 $0x0  }
0x279: {  	v5 =	vsub.f32 v5, v7;
	[tilespmem:$0x1FBB0] =	vst v4;
	v4 =	vimm.s32 $0x0;
	v6 =	vsel vm13, $0xFFFFFFFF, v6  }
0x27a: {  	v4 =	vsel vm0, $0xFFFFFFFF, v4;
	vm13 =	veq.s32 v8, $0xB;
	[tilespmem:$0x1FB60] =	vst v6;
	v6 =	vimm.s32 $0x0  }
0x27b: {  	[tilespmem:$0x1FC00] =	vst v4;
	v4 =	vmul.f32 $1.442695020e+00, v18;
	v6 =	vsel vm13, $0xFFFFFFFF, v6  }
0x27c: {  	v5 =	vmul.f32 $1.442695020e+00, v5;
	vm13 =	veq.s32 v8, $0xC;
	[tilespmem:$0x1FB70] =	vst v6;
	v6 =	vimm.s32 $0x0  }
0x27d: {  	(erf) = vpow2.f32 v4;
	v6 =	vsel vm13, $0xFFFFFFFF, v6  }
0x27e: {  	(erf) = vpow2.f32 v5;
	vm13 =	veq.s32 v8, $0xD;
	[tilespmem:$0x1FBC0] =	vst v6;
	v6 =	vimm.s32 $0x0  }
0x27f: {  	v5 =	vimm.s32 $0x0;
	v6 =	vsel vm13, $0xFFFFFFFF, v6;
	vm13 =	veq.s32 v8, $0xE  }
0x280: {  	[tilespmem:$0x1FB20] =	vst v27;
	v5 =	vsel vm13, $0xFFFFFFFF, v5  }
0x281: {  	v27 =	vld.idx.msk [tilespmem:v8+s11+$0x0], $0xffff;
	vm13 =	veq.s32 v8, $0xF;
	[tilespmem:$0x1FBE0] =	vst v5;
	v5 =	vimm.s32 $0x0  }
0x282: {  	[tilespmem:$0x1FB90] =	vst v28;
	v28 =	vld [tilespmem:s14+$0xFFFFFFE0];
	v5 =	vsel vm13, $0xFFFFFFFF, v5  }
0x283: {  	[tilespmem:$0x1FBF0] =	vst v5;
	v5 =	vld [tilespmem:$0x1F900];
	_ =	sdelay $0x4  }
0x284: {  	v4 =	vsub.f32 v28, v27;
	vm13 =	vnez.u8 v5;
	v5 =	vld [tilespmem:$0x1F910];
	_ =	sdelay $0x3  }
0x285: {  	v7 =	vmul.f32 $1.442695020e+00, v4;
	v4 =	vpop (erf)  }
0x286: {  	v27 =	vnsel vm13, $0x0, v4;
	vm13 =	vnez.u8 v5;
	v5 =	vld [tilespmem:$0x1F920];
	_ =	sdelay $0x4  }
0x287: {  	v28 =	vnsel vm13, $0x0, v4;
	vm13 =	vnez.u8 v5;
	v5 =	vld [tilespmem:$0x1F930];
	_ =	sdelay $0x4  }
0x288: {  	v31 =	vnsel vm13, $0x0, v4;
	vm13 =	vnez.u8 v5;
	v5 =	vld [tilespmem:$0x1F940];
	_ =	sdelay $0x4  }
0x289: {  	v32 =	vnsel vm13, $0x0, v4;
	vm13 =	vnez.u8 v5;
	v5 =	vld [tilespmem:$0x1F950];
	_ =	sdelay $0x4  }
0x28a: {  	v33 =	vnsel vm13, $0x0, v4;
	vm13 =	vnez.u8 v5;
	v5 =	vld [tilespmem:$0x1F960];
	_ =	sdelay $0x4  }
0x28b: {  	v34 =	vnsel vm13, $0x0, v4;
	vm13 =	vnez.u8 v5;
	v5 =	vld [tilespmem:$0x1F970];
	_ =	sdelay $0x4  }
0x28c: {  	v35 =	vnsel vm13, $0x0, v4;
	vm13 =	vnez.u8 v5;
	v5 =	vld [tilespmem:$0x1F980];
	_ =	sdelay $0x4  }
0x28d: {  	v36 =	vnsel vm13, $0x0, v4;
	vm13 =	vnez.u8 v5;
	v5 =	vld [tilespmem:$0x1F990];
	_ =	sdelay $0x4  }
0x28e: {  	v37 =	vnsel vm13, $0x0, v4;
	vm13 =	vnez.u8 v5;
	v5 =	vld [tilespmem:$0x1F9A0];
	_ =	sdelay $0x4  }
0x28f: {  	v38 =	vnsel vm13, $0x0, v4;
	vm13 =	vnez.u8 v5;
	v5 =	vld [tilespmem:$0x1F9B0]  }
0x290: {  	[tilespmem:$0x1FBD0] =	vst v6;
	v6 =	vld [tilespmem:$0x1F9C0];
	_ =	sdelay $0x2  }
0x291: {  	vm2 =	veq.s32 v8, $0x0;
	vm1 =	veq.s32 v8, $0x1;
	vm3 =	veq.s32 v8, $0x3  }
0x292: {  	vm5 =	veq.s32 v8, $0x4;
	[tilespmem:$0x1FBA0] =	vst v29;
	v29 =	vnsel vm13, $0x0, v4;
	vm13 =	vnez.u8 v5;
	v5 =	vpop (erf)  }
0x293: {  	vm7 =	veq.s32 v8, $0x5;
	v39 =	vnsel vm12, $0x0, v5;
	vm12 =	vnez.u8 v6;
	v6 =	vld [tilespmem:$0x1F9D0]  }
0x294: {  	vm6 =	veq.s32 v8, $0x6;
	vm8 =	veq.s32 v8, $0x7;
	vm0 =	veq.s32 v8, $0x2;
	v8 =	vld [tilespmem:$0x1F9E0];
	_ =	sdelay $0x3  }
0x295: {  	(erf) = vpow2.f32 v7;
	v7 =	vnsel vm12, $0x0, v4;
	vm12 =	vnez.u8 v6  }
0x296: {  	v6 =	vnsel vm12, $0x0, v4;
	vm12 =	vnez.u8 v8;
	v8 =	vld [tilespmem:$0x1F9F0];
	_ =	sdelay $0x4  }
0x297: {  	v40 =	vnsel vm12, $0x0, v5;
	vm12 =	vnez.u8 v8;
	v8 =	vld [tilespmem:$0x1FA00];
	_ =	sdelay $0x4  }
0x298: {  	v30 =	vnsel vm13, $0x0, v4;
	vm13 =	vnez.u8 v8;
	v8 =	vld [tilespmem:$0x1FA10];
	_ =	sdelay $0x4  }
0x299: {  	v41 =	vnsel vm12, $0x0, v5;
	vm12 =	vnez.u8 v8;
	v8 =	vld [tilespmem:$0x1FA20];
	_ =	sdelay $0x4  }
0x29a: {  	v43 =	vnsel vm13, $0x0, v5;
	vm13 =	vnez.u8 v8;
	v8 =	vld [tilespmem:$0x1FA30];
	_ =	sdelay $0x4  }
0x29b: {  	v44 =	vnsel vm12, $0x0, v5;
	vm12 =	vnez.u8 v8;
	v8 =	vpop (erf)  }
0x29c: {  	v51 =	vpop (erf)  }
0x29d: {  	v54 =	vnsel vm2, $0x0, v51  }
0x29e: {  	v63 =	vnsel vm1, $0x0, v51;
	v22 =	vadd.f32 v54, v22  }
0x29f: {  	v52 =	vnsel vm14, $0x0, v8;
	v19 =	vadd.f32 v63, v19  }
0x2a0: {  	v53 =	vnsel vm15, $0x0, v8;
	v22 =	vadd.f32 v52, v22  }
0x2a1: {  	v19 =	vadd.f32 v53, v19  }
0x2a2: {  	v22 =	vadd.f32 v39, v22  }
0x2a3: {  	v60 =	vld [tilespmem:$0x1FAB0];
	v19 =	vadd.f32 v40, v19  }
0x2a4: {  	v22 =	vadd.f32 v27, v22;
	v27 =	vnsel vm6, $0x0, v51  }
0x2a5: {  	v19 =	vadd.f32 v28, v19;
	v28 =	vnsel vm8, $0x0, v51;
	v14 =	vadd.f32 v27, v14;
	v27 =	vld [tilespmem:$0x1FB00]  }
0x2a6: {  	v11 =	vadd.f32 v28, v11;
	v28 =	vld [tilespmem:$0x1FB10]  }
0x2a7: {  	v56 =	vnsel vm0, $0x0, v51  }
0x2a8: {  	vm1 =	vmmov vm4;
	vm4 =	vnez.u8 v60;
	v16 =	vadd.f32 v56, v16  }
0x2a9: {  	v54 =	vnsel vm4, $0x0, v8  }
0x2aa: {  	v59 =	vld [tilespmem:$0x1FAA0];
	v56 =	vnsel vm5, $0x0, v51;
	v16 =	vadd.f32 v54, v16;
	vm5 =	vnez.u8 v27  }
0x2ab: {  	v61 =	vld [tilespmem:$0x1FAC0];
	v27 =	vnsel vm5, $0x0, v8;
	vm5 =	vnez.u8 v28  }
0x2ac: {  	v16 =	vadd.f32 v41, v16;
	v28 =	vnsel vm5, $0x0, v8;
	v14 =	vadd.f32 v27, v14;
	v27 =	vld [tilespmem:$0x1FB20]  }
0x2ad: {  	v11 =	vadd.f32 v28, v11;
	v28 =	vld [tilespmem:$0x1FB30]  }
0x2ae: {  	v16 =	vadd.f32 v31, v16;
	v31 =	vld [tilespmem:$0x1FB40]  }
0x2af: {  	v62 =	vld [tilespmem:$0x1FAD0]  }
0x2b0: {  	v58 =	vnsel vm3, $0x0, v51  }
0x2b1: {  	vm3 =	vnez.u8 v59;
	v13 =	vadd.f32 v58, v13;
	vm5 =	vnez.u8 v27  }
0x2b2: {  	vm4 =	vnez.u8 v61;
	v27 =	vnsel vm5, $0x0, v8;
	vm5 =	vnez.u8 v28  }
0x2b3: {  	v59 =	vld [tilespmem:$0x1FB50];
	v21 =	vadd.f32 v56, v21;
	v28 =	vnsel vm5, $0x0, v8;
	vm5 =	vnez.u8 v31  }
0x2b4: {  	v60 =	vld [tilespmem:$0x1FB60];
	v52 =	vnsel vm4, $0x0, v8;
	vm4 =	vnez.u8 v62;
	v31 =	vnsel vm5, $0x0, v51  }
0x2b5: {  	v13 =	vadd.f32 v52, v13;
	v52 =	vnsel vm4, $0x0, v8;
	v15 =	vadd.f32 v31, v15;
	v31 =	vld [tilespmem:$0x1FB70]  }
0x2b6: {  	v42 =	vnsel vm9, $0x0, v5;
	v21 =	vadd.f32 v52, v21  }
0x2b7: {  	v13 =	vadd.f32 v42, v13  }
0x2b8: {  	v21 =	vadd.f32 v43, v21;
	vm5 =	vnez.u8 v59  }
0x2b9: {  	v13 =	vadd.f32 v32, v13;
	v32 =	vnsel vm5, $0x0, v51;
	vm5 =	vnez.u8 v60  }
0x2ba: {  	v21 =	vadd.f32 v33, v21;
	v33 =	vnsel vm5, $0x0, v51;
	vm5 =	vnez.u8 v31  }
0x2bb: {  	v18 =	vld [tilespmem:$0x1FA40];
	v31 =	vnsel vm5, $0x0, v51  }
0x2bc: {  	v9 =	vadd.f32 v31, v9;
	v31 =	vld [tilespmem:$0x1FB80]  }
0x2bd: {  	v15 =	vadd.f32 v27, v15;
	v27 =	vld [tilespmem:$0x1FB90];
	_ =	sdelay $0x3  }
0x2be: {  	v46 =	vnsel vm13, $0x0, v5;
	vm13 =	vnez.u8 v18;
	v18 =	vld [tilespmem:$0x1FA50];
	vm5 =	vnez.u8 v31  }
0x2bf: {  	v63 =	vld [tilespmem:$0x1FAE0];
	v31 =	vnsel vm5, $0x0, v8;
	vm5 =	vnez.u8 v27  }
0x2c0: {  	v27 =	vnsel vm5, $0x0, v8  }
0x2c1: {  	v9 =	vadd.f32 v27, v9;
	v27 =	vld [tilespmem:$0x1FBA0];
	_ =	sdelay $0x1  }
0x2c2: {  	v55 =	vld [tilespmem:$0x1FA80];
	v47 =	vnsel vm12, $0x0, v5;
	v58 =	vnsel vm7, $0x0, v51  }
0x2c3: {  	vm12 =	vnez.u8 v18;
	v18 =	vld [tilespmem:$0x1FA60];
	v17 =	vadd.f32 v58, v17;
	vm4 =	vnez.u8 v63  }
0x2c4: {  	v57 =	vld [tilespmem:$0x1FA90];
	v53 =	vnsel vm4, $0x0, v8;
	v10 =	vadd.f32 v33, v10  }
0x2c5: {  	v17 =	vadd.f32 v53, v17;
	vm5 =	vnez.u8 v27;
	v27 =	vld [tilespmem:$0x1FBB0]  }
0x2c6: {  	v45 =	vnsel vm10, $0x0, v5;
	v48 =	vnsel vm11, $0x0, v5;
	v10 =	vadd.f32 v31, v10;
	v31 =	vld [tilespmem:$0x1FBC0]  }
0x2c7: {  	v49 =	vnsel vm13, $0x0, v5;
	v50 =	vnsel vm12, $0x0, v5;
	v61 =	vld [tilespmem:$0x1FBD0];
	v17 =	vadd.f32 v44, v17  }
0x2c8: {  	vm2 =	vnez.u8 v55;
	vm13 =	vnez.u8 v18;
	v12 =	vadd.f32 v32, v12  }
0x2c9: {  	vm0 =	vnez.u8 v57;
	v57 =	vld [tilespmem:$0x1FAF0];
	v20 =	vnsel vm13, $0x0, v5;
	v17 =	vadd.f32 v34, v17  }
0x2ca: {  	v18 =	vld [tilespmem:$0x1FA70];
	v12 =	vadd.f32 v28, v12;
	v28 =	vnsel vm5, $0x0, v8;
	vm5 =	vnez.u8 v27  }
0x2cb: {  	v14 =	vadd.f32 v45, v14;
	v27 =	vnsel vm5, $0x0, v8;
	vm5 =	vnez.u8 v31  }
0x2cc: {  	v62 =	vld [tilespmem:$0x1FBE0];
	v9 =	vadd.f32 v50, v9;
	v31 =	vnsel vm5, $0x0, v51;
	vm5 =	vnez.u8 v61  }
0x2cd: {  	v11 =	vadd.f32 v46, v11;
	v32 =	vnsel vm5, $0x0, v51;
	v33 =	vadd.f32 v31, v23;
	v23 =	vld [tilespmem:$0x1FBF0]  }
0x2ce: {  	s15 =	sadd.s32 $0x4, s15;
	vm4 =	vnez.u8 v57;
	v9 =	vadd.f32 v30, v9;
	v30 =	vadd.f32 v32, v24;
	v24 =	vld [tilespmem:$0x1FC00]  }
0x2cf: {  	p0 =	slt.u32 s15, $0x3C;
	vm15 =	vnez.u8 v18;
	v14 =	vadd.f32 v35, v14;
	v15 =	vadd.f32 v47, v15  }
.Ltmp1:
0x2d0: {  	v18 =	vnsel vm15, $0x0, v5;
	v11 =	vadd.f32 v36, v11;
	v12 =	vadd.f32 v48, v12;
	(pc) =	sbr.rel @p0 .LBB2_4-.Ltmp1, $4  }
0x2d1: {  	v15 =	vadd.f32 v37, v15;
	v10 =	vadd.f32 v49, v10;
	vm5 =	vnez.u8 v62  }
0x2d2: {  	v12 =	vadd.f32 v38, v12;
	v63 =	vnsel vm5, $0x0, v51;
	vm5 =	vnez.u8 v23  }
0x2d3: {  	v10 =	vadd.f32 v29, v10;
	v23 =	vnsel vm5, $0x0, v51;
	vm5 =	vnez.u8 v24  }
0x2d4: {  	s16 =	sadd.s32 $0x40, s16;
	v29 =	vadd.f32 v63, v25;
	v23 =	vadd.f32 v23, v26;
	v26 =	vnsel vm5, $0x0, v8  }
0x2d5: {  	_ =	sdelay $0x2  }
0x2d6: {  	[tilespmem:$0x900] =	vst v22  }
0x2d7: {  	v24 =	vld.idx.msk [tilespmem:v0+s10+$0x0], $0xffff;
	_ =	sdelay $0x4  }
0x2d8: {  	v41 =	vadd.f32 v24, v22;
	_ =	sdelay $0x1  }
0x2d9: {  	[tilespmem:$0x900] =	vst v41  }
0x2da: {  	v42 =	vld.idx.msk [tilespmem:v1+s10+$0x0], $0xffff;
	_ =	sdelay $0x4  }
0x2db: {  	v22 =	vadd.f32 v42, v41;
	_ =	sdelay $0x1  }
0x2dc: {  	[tilespmem:$0x900] =	vst v22  }
0x2dd: {  	v43 =	vld.idx.msk [tilespmem:v2+s10+$0x0], $0xffff;
	_ =	sdelay $0x4  }
0x2de: {  	v22 =	vadd.f32 v43, v22;
	_ =	sdelay $0x1  }
0x2df: {  	[tilespmem:$0x900] =	vst v22  }
0x2e0: {  	v24 =	vld.idx.msk [tilespmem:v3+s10+$0x0], $0xffff;
	[tilespmem:$0x900] =	vst v19  }
0x2e1: {  	v25 =	vld.idx.msk [tilespmem:v0+s10+$0x0], $0xffff;
	_ =	sdelay $0x4  }
0x2e2: {  	v44 =	vadd.f32 v25, v19;
	_ =	sdelay $0x1  }
0x2e3: {  	[tilespmem:$0x900] =	vst v44  }
0x2e4: {  	v45 =	vld.idx.msk [tilespmem:v1+s10+$0x0], $0xffff;
	_ =	sdelay $0x4  }
0x2e5: {  	v19 =	vadd.f32 v45, v44;
	_ =	sdelay $0x1  }
0x2e6: {  	[tilespmem:$0x900] =	vst v19  }
0x2e7: {  	v46 =	vld.idx.msk [tilespmem:v2+s10+$0x0], $0xffff;
	_ =	sdelay $0x4  }
0x2e8: {  	v19 =	vadd.f32 v46, v19;
	_ =	sdelay $0x1  }
0x2e9: {  	[tilespmem:$0x900] =	vst v19  }
0x2ea: {  	v25 =	vld.idx.msk [tilespmem:v3+s10+$0x0], $0xffff;
	[tilespmem:$0x900] =	vst v16  }
0x2eb: {  	v31 =	vld.idx.msk [tilespmem:v0+s10+$0x0], $0xffff;
	_ =	sdelay $0x4  }
0x2ec: {  	v47 =	vadd.f32 v31, v16;
	_ =	sdelay $0x1  }
0x2ed: {  	[tilespmem:$0x900] =	vst v47  }
0x2ee: {  	v48 =	vld.idx.msk [tilespmem:v1+s10+$0x0], $0xffff;
	_ =	sdelay $0x4  }
0x2ef: {  	v16 =	vadd.f32 v48, v47;
	_ =	sdelay $0x1  }
0x2f0: {  	[tilespmem:$0x900] =	vst v16  }
0x2f1: {  	v49 =	vld.idx.msk [tilespmem:v2+s10+$0x0], $0xffff;
	_ =	sdelay $0x4  }
0x2f2: {  	v16 =	vadd.f32 v49, v16;
	_ =	sdelay $0x1  }
0x2f3: {  	[tilespmem:$0x900] =	vst v16  }
0x2f4: {  	v31 =	vld.idx.msk [tilespmem:v3+s10+$0x0], $0xffff;
	[tilespmem:$0x900] =	vst v13  }
0x2f5: {  	v32 =	vld.idx.msk [tilespmem:v0+s10+$0x0], $0xffff;
	_ =	sdelay $0x4  }
0x2f6: {  	v50 =	vadd.f32 v32, v13;
	_ =	sdelay $0x1  }
0x2f7: {  	[tilespmem:$0x900] =	vst v50  }
0x2f8: {  	v51 =	vld.idx.msk [tilespmem:v1+s10+$0x0], $0xffff;
	_ =	sdelay $0x4  }
0x2f9: {  	v13 =	vadd.f32 v51, v50;
	_ =	sdelay $0x1  }
0x2fa: {  	[tilespmem:$0x900] =	vst v13  }
0x2fb: {  	v52 =	vld.idx.msk [tilespmem:v2+s10+$0x0], $0xffff;
	_ =	sdelay $0x4  }
0x2fc: {  	v13 =	vadd.f32 v52, v13;
	_ =	sdelay $0x1  }
0x2fd: {  	[tilespmem:$0x900] =	vst v13  }
0x2fe: {  	v32 =	vld.idx.msk [tilespmem:v3+s10+$0x0], $0xffff;
	[tilespmem:$0x900] =	vst v21  }
0x2ff: {  	v34 =	vld.idx.msk [tilespmem:v0+s10+$0x0], $0xffff;
	_ =	sdelay $0x4  }
0x300: {  	v53 =	vadd.f32 v34, v21;
	_ =	sdelay $0x1  }
0x301: {  	[tilespmem:$0x900] =	vst v53  }
0x302: {  	v54 =	vld.idx.msk [tilespmem:v1+s10+$0x0], $0xffff;
	_ =	sdelay $0x4  }
0x303: {  	v21 =	vadd.f32 v54, v53;
	_ =	sdelay $0x1  }
0x304: {  	[tilespmem:$0x900] =	vst v21  }
0x305: {  	v55 =	vld.idx.msk [tilespmem:v2+s10+$0x0], $0xffff;
	_ =	sdelay $0x4  }
0x306: {  	v21 =	vadd.f32 v55, v21;
	_ =	sdelay $0x1  }
0x307: {  	[tilespmem:$0x900] =	vst v21  }
0x308: {  	v34 =	vld.idx.msk [tilespmem:v3+s10+$0x0], $0xffff;
	[tilespmem:$0x900] =	vst v17  }
0x309: {  	v35 =	vld.idx.msk [tilespmem:v0+s10+$0x0], $0xffff;
	_ =	sdelay $0x4  }
0x30a: {  	v56 =	vadd.f32 v35, v17;
	_ =	sdelay $0x1  }
0x30b: {  	[tilespmem:$0x900] =	vst v56  }
0x30c: {  	v57 =	vld.idx.msk [tilespmem:v1+s10+$0x0], $0xffff;
	_ =	sdelay $0x4  }
0x30d: {  	v17 =	vadd.f32 v57, v56;
	_ =	sdelay $0x1  }
0x30e: {  	[tilespmem:$0x900] =	vst v17  }
0x30f: {  	v58 =	vld.idx.msk [tilespmem:v2+s10+$0x0], $0xffff;
	_ =	sdelay $0x4  }
0x310: {  	v17 =	vadd.f32 v58, v17;
	_ =	sdelay $0x1  }
0x311: {  	[tilespmem:$0x900] =	vst v17  }
0x312: {  	v35 =	vld.idx.msk [tilespmem:v3+s10+$0x0], $0xffff;
	[tilespmem:$0x900] =	vst v14  }
0x313: {  	v36 =	vld.idx.msk [tilespmem:v0+s10+$0x0], $0xffff;
	_ =	sdelay $0x4  }
0x314: {  	v59 =	vadd.f32 v36, v14;
	_ =	sdelay $0x1  }
0x315: {  	[tilespmem:$0x900] =	vst v59  }
0x316: {  	v60 =	vld.idx.msk [tilespmem:v1+s10+$0x0], $0xffff;
	_ =	sdelay $0x4  }
0x317: {  	v14 =	vadd.f32 v60, v59;
	_ =	sdelay $0x1  }
0x318: {  	[tilespmem:$0x900] =	vst v14  }
0x319: {  	v61 =	vld.idx.msk [tilespmem:v2+s10+$0x0], $0xffff;
	_ =	sdelay $0x4  }
0x31a: {  	v14 =	vadd.f32 v61, v14;
	_ =	sdelay $0x1  }
0x31b: {  	[tilespmem:$0x900] =	vst v14  }
0x31c: {  	v36 =	vld.idx.msk [tilespmem:v3+s10+$0x0], $0xffff;
	[tilespmem:$0x900] =	vst v11  }
0x31d: {  	v37 =	vld.idx.msk [tilespmem:v0+s10+$0x0], $0xffff;
	_ =	sdelay $0x4  }
0x31e: {  	v62 =	vadd.f32 v37, v11;
	_ =	sdelay $0x1  }
0x31f: {  	[tilespmem:$0x900] =	vst v62  }
0x320: {  	v63 =	vld.idx.msk [tilespmem:v1+s10+$0x0], $0xffff;
	_ =	sdelay $0x4  }
0x321: {  	v11 =	vadd.f32 v63, v62;
	_ =	sdelay $0x1  }
0x322: {  	[tilespmem:$0x900] =	vst v11  }
0x323: {  	v40 =	vld.idx.msk [tilespmem:v2+s10+$0x0], $0xffff;
	_ =	sdelay $0x4  }
0x324: {  	v11 =	vadd.f32 v40, v11;
	_ =	sdelay $0x1  }
0x325: {  	[tilespmem:$0x900] =	vst v11  }
0x326: {  	v37 =	vld.idx.msk [tilespmem:v3+s10+$0x0], $0xffff;
	[tilespmem:$0x900] =	vst v15  }
0x327: {  	v38 =	vld.idx.msk [tilespmem:v0+s10+$0x0], $0xffff;
	_ =	sdelay $0x4  }
0x328: {  	v41 =	vadd.f32 v38, v15;
	_ =	sdelay $0x1  }
0x329: {  	[tilespmem:$0x900] =	vst v41  }
0x32a: {  	v42 =	vld.idx.msk [tilespmem:v1+s10+$0x0], $0xffff;
	_ =	sdelay $0x4  }
0x32b: {  	v15 =	vadd.f32 v42, v41;
	_ =	sdelay $0x1  }
0x32c: {  	[tilespmem:$0x900] =	vst v15  }
0x32d: {  	v43 =	vld.idx.msk [tilespmem:v2+s10+$0x0], $0xffff;
	_ =	sdelay $0x4  }
0x32e: {  	v15 =	vadd.f32 v43, v15;
	_ =	sdelay $0x1  }
0x32f: {  	[tilespmem:$0x900] =	vst v15  }
0x330: {  	v38 =	vld.idx.msk [tilespmem:v3+s10+$0x0], $0xffff;
	[tilespmem:$0x900] =	vst v12  }
0x331: {  	v39 =	vld.idx.msk [tilespmem:v0+s10+$0x0], $0xffff;
	_ =	sdelay $0x4  }
0x332: {  	v44 =	vadd.f32 v39, v12;
	_ =	sdelay $0x1  }
0x333: {  	[tilespmem:$0x900] =	vst v44  }
0x334: {  	v45 =	vld.idx.msk [tilespmem:v1+s10+$0x0], $0xffff;
	_ =	sdelay $0x4  }
0x335: {  	v12 =	vadd.f32 v45, v44;
	_ =	sdelay $0x1  }
0x336: {  	[tilespmem:$0x900] =	vst v12  }
0x337: {  	v46 =	vld.idx.msk [tilespmem:v2+s10+$0x0], $0xffff;
	_ =	sdelay $0x4  }
0x338: {  	v12 =	vadd.f32 v46, v12;
	_ =	sdelay $0x1  }
0x339: {  	[tilespmem:$0x900] =	vst v12  }
0x33a: {  	v39 =	vld.idx.msk [tilespmem:v3+s10+$0x0], $0xffff;
	[tilespmem:$0x900] =	vst v10  }
0x33b: {  	v40 =	vld.idx.msk [tilespmem:v0+s10+$0x0], $0xffff;
	_ =	sdelay $0x4  }
0x33c: {  	v47 =	vadd.f32 v40, v10;
	_ =	sdelay $0x1  }
0x33d: {  	[tilespmem:$0x900] =	vst v47  }
0x33e: {  	v48 =	vld.idx.msk [tilespmem:v1+s10+$0x0], $0xffff;
	_ =	sdelay $0x4  }
0x33f: {  	v10 =	vadd.f32 v48, v47;
	_ =	sdelay $0x1  }
0x340: {  	[tilespmem:$0x900] =	vst v10  }
0x341: {  	v49 =	vld.idx.msk [tilespmem:v2+s10+$0x0], $0xffff;
	_ =	sdelay $0x4  }
0x342: {  	v10 =	vadd.f32 v49, v10;
	_ =	sdelay $0x1  }
0x343: {  	[tilespmem:$0x900] =	vst v10  }
0x344: {  	v40 =	vld.idx.msk [tilespmem:v3+s10+$0x0], $0xffff;
	[tilespmem:$0x900] =	vst v9  }
0x345: {  	v41 =	vld.idx.msk [tilespmem:v0+s10+$0x0], $0xffff;
	_ =	sdelay $0x4  }
0x346: {  	v50 =	vadd.f32 v41, v9;
	_ =	sdelay $0x1  }
0x347: {  	[tilespmem:$0x900] =	vst v50  }
0x348: {  	v51 =	vld.idx.msk [tilespmem:v1+s10+$0x0], $0xffff;
	_ =	sdelay $0x4  }
0x349: {  	v9 =	vadd.f32 v51, v50;
	_ =	sdelay $0x1  }
0x34a: {  	[tilespmem:$0x900] =	vst v9  }
0x34b: {  	v52 =	vld.idx.msk [tilespmem:v2+s10+$0x0], $0xffff;
	_ =	sdelay $0x1  }
0x34c: {  	v28 =	vadd.f32 v28, v33;
	_ =	sdelay $0x1  }
0x34d: {  	v20 =	vadd.f32 v20, v28  }
0x34e: {  	v9 =	vadd.f32 v52, v9  }
0x34f: {  	v7 =	vadd.f32 v7, v20  }
0x350: {  	[tilespmem:$0x900] =	vst v9  }
0x351: {  	v20 =	vld.idx.msk [tilespmem:v3+s10+$0x0], $0xffff;
	[tilespmem:$0x900] =	vst v7  }
0x352: {  	v53 =	vld.idx.msk [tilespmem:v0+s10+$0x0], $0xffff;
	_ =	sdelay $0x4  }
0x353: {  	v7 =	vadd.f32 v53, v7;
	_ =	sdelay $0x1  }
0x354: {  	[tilespmem:$0x900] =	vst v7  }
0x355: {  	v54 =	vld.idx.msk [tilespmem:v1+s10+$0x0], $0xffff;
	_ =	sdelay $0x4  }
0x356: {  	v7 =	vadd.f32 v54, v7;
	_ =	sdelay $0x1  }
0x357: {  	[tilespmem:$0x900] =	vst v7  }
0x358: {  	v55 =	vld.idx.msk [tilespmem:v2+s10+$0x0], $0xffff;
	_ =	sdelay $0x1  }
0x359: {  	v27 =	vadd.f32 v27, v30;
	_ =	sdelay $0x1  }
0x35a: {  	v18 =	vadd.f32 v18, v27  }
0x35b: {  	v7 =	vadd.f32 v55, v7  }
0x35c: {  	v6 =	vadd.f32 v6, v18  }
0x35d: {  	[tilespmem:$0x900] =	vst v7  }
0x35e: {  	v18 =	vld.idx.msk [tilespmem:v3+s10+$0x0], $0xffff;
	[tilespmem:$0x900] =	vst v6  }
0x35f: {  	v56 =	vld.idx.msk [tilespmem:v0+s10+$0x0], $0xffff;
	_ =	sdelay $0x4  }
0x360: {  	v6 =	vadd.f32 v56, v6;
	_ =	sdelay $0x1  }
0x361: {  	[tilespmem:$0x900] =	vst v6  }
0x362: {  	v57 =	vld.idx.msk [tilespmem:v1+s10+$0x0], $0xffff;
	_ =	sdelay $0x4  }
0x363: {  	v6 =	vadd.f32 v57, v6;
	_ =	sdelay $0x1  }
0x364: {  	[tilespmem:$0x900] =	vst v6  }
0x365: {  	v58 =	vld.idx.msk [tilespmem:v2+s10+$0x0], $0xffff;
	_ =	sdelay $0x1  }
0x366: {  	v26 =	vadd.f32 v26, v29  }
0x367: {  	v59 =	vnsel vm4, $0x0, v5  }
0x368: {  	v26 =	vadd.f32 v59, v26  }
0x369: {  	v60 =	vnsel vm3, $0x0, v4;
	v6 =	vadd.f32 v58, v6  }
0x36a: {  	v26 =	vadd.f32 v60, v26  }
0x36b: {  	[tilespmem:$0x900] =	vst v6  }
0x36c: {  	v61 =	vld.idx.msk [tilespmem:v3+s10+$0x0], $0xffff;
	[tilespmem:$0x900] =	vst v26  }
0x36d: {  	v62 =	vld.idx.msk [tilespmem:v0+s10+$0x0], $0xffff;
	_ =	sdelay $0x4  }
0x36e: {  	v26 =	vadd.f32 v62, v26;
	_ =	sdelay $0x1  }
0x36f: {  	[tilespmem:$0x900] =	vst v26  }
0x370: {  	v63 =	vld.idx.msk [tilespmem:v1+s10+$0x0], $0xffff;
	_ =	sdelay $0x4  }
0x371: {  	v26 =	vadd.f32 v63, v26;
	_ =	sdelay $0x1  }
0x372: {  	[tilespmem:$0x900] =	vst v26  }
0x373: {  	v33 =	vld.idx.msk [tilespmem:v2+s10+$0x0], $0xffff  }
0x374: {  	v8 =	vnsel vm1, $0x0, v8  }
0x375: {  	v8 =	vadd.f32 v8, v23  }
0x376: {  	v5 =	vnsel vm0, $0x0, v5  }
0x377: {  	v5 =	vadd.f32 v5, v8  }
0x378: {  	v4 =	vnsel vm2, $0x0, v4;
	v41 =	vadd.f32 v33, v26  }
0x379: {  	v4 =	vadd.f32 v4, v5  }
0x37a: {  	[tilespmem:$0x900] =	vst v41  }
0x37b: {  	v5 =	vld.idx.msk [tilespmem:v3+s10+$0x0], $0xffff;
	[tilespmem:$0x900] =	vst v4  }
0x37c: {  	v42 =	vld.idx.msk [tilespmem:v0+s10+$0x0], $0xffff;
	_ =	sdelay $0x4  }
0x37d: {  	v4 =	vadd.f32 v42, v4;
	_ =	sdelay $0x1  }
0x37e: {  	[tilespmem:$0x900] =	vst v4  }
0x37f: {  	v43 =	vld.idx.msk [tilespmem:v1+s10+$0x0], $0xffff  }
0x380: {  	v59 =	vld [tilespmem:$0x1FC80]  }
0x381: {  	v45 =	vld [tilespmem:$0x1FFD0]  }
0x382: {  	v46 =	vld [tilespmem:$0x1FFE0]  }
0x383: {  	v48 =	vld [tilespmem:$0x1FFF0]  }
0x384: {  	v50 =	vld [tilespmem:$0x1FC10];
	v4 =	vadd.f32 v43, v4  }
0x385: {  	v22 =	vadd.f32 v24, v22;
	v19 =	vadd.f32 v25, v19;
	v51 =	vld [tilespmem:$0x1FC20]  }
0x386: {  	v16 =	vadd.f32 v31, v16;
	vm13 =	vnez.u8 v45;
	v52 =	vld [tilespmem:$0x1FC30];
	[tilespmem:$0x900] =	vst v4  }
0x387: {  	v13 =	vadd.f32 v32, v13;
	v19 =	vsel vm13, v22, v19;
	vm14 =	vnez.u8 v46;
	v44 =	vld.idx.msk [tilespmem:v2+s10+$0x0], $0xffff  }
0x388: {  	v16 =	vsel vm14, v19, v16;
	v47 =	vadd.f32 v34, v21;
	vm15 =	vnez.u8 v48;
	v54 =	vld [tilespmem:$0x1FC40]  }
0x389: {  	v13 =	vsel vm15, v16, v13;
	v49 =	vadd.f32 v35, v17;
	vm4 =	vnez.u8 v50;
	v55 =	vld [tilespmem:$0x1FC50]  }
0x38a: {  	v14 =	vadd.f32 v36, v14;
	vm5 =	vnez.u8 v51;
	v13 =	vsel vm4, v13, v47;
	v57 =	vld [tilespmem:$0x1FC60]  }
0x38b: {  	v13 =	vsel vm5, v13, v49;
	vm6 =	vnez.u8 v52;
	v58 =	vld [tilespmem:$0x1FC70]  }
0x38c: {  	v60 =	vld [tilespmem:$0x1FC90];
	v11 =	vadd.f32 v37, v11;
	v13 =	vsel vm6, v13, v14;
	v4 =	vadd.f32 v44, v4  }
0x38d: {  	v53 =	vadd.f32 v38, v15;
	vm7 =	vnez.u8 v54;
	v6 =	vadd.f32 v61, v6;
	v61 =	vld [tilespmem:$0x1FCA0]  }
0x38e: {  	v12 =	vadd.f32 v39, v12;
	v11 =	vsel vm7, v13, v11;
	vm8 =	vnez.u8 v55;
	v62 =	vld [tilespmem:$0x1FCB0];
	[tilespmem:$0x900] =	vst v4  }
0x38f: {  	v10 =	vadd.f32 v40, v10;
	v11 =	vsel vm8, v11, v53;
	vm9 =	vnez.u8 v57;
	v56 =	vld.idx.msk [tilespmem:v3+s10+$0x0], $0xffff  }
0x390: {  	v9 =	vadd.f32 v20, v9;
	v11 =	vsel vm9, v11, v12;
	vm10 =	vnez.u8 v58;
	v63 =	vld [tilespmem:$0x1FCC0]  }
0x391: {  	vm11 =	vnez.u8 v59;
	v7 =	vadd.f32 v18, v7;
	v10 =	vsel vm10, v11, v10  }
0x392: {  	vm12 =	vnez.u8 v60;
	v9 =	vsel vm11, v10, v9  }
0x393: {  	v7 =	vsel vm12, v9, v7;
	vm13 =	vnez.u8 v61;
	v5 =	vadd.f32 v5, v41  }
0x394: {  	v6 =	vsel vm13, v7, v6;
	vm14 =	vnez.u8 v62;
	v4 =	vadd.f32 v56, v4  }
0x395: {  	vm15 =	vnez.u8 v63;
	v5 =	vsel vm14, v6, v5  }
0x396: {  	v4 =	vsel vm15, v5, v4  }
0x397: {  	[tilespmem:$0x880] =	vst v4  }
0x398: {  	[hbm4b:s5+s2] =	stream.linear.scatter [tilespmem:s11], [sflag:$0x1], $0x80, $0x38;
	[tilespmem:$0x980] =	vst v63  }
0x399: {  	s13 =	sadd.s32 $0x1, s13;
	_ =	swait.ge [sflag:s8], $0x80  }
0x39a: {  	p0 =	sne.s32 s13, s7;
	[sflag:s8] =	ssyncset.done $0x0  }
.Ltmp2:
0x39b: {  	[sflag:s8] =	ssyncadd.s32 $0xFFFFFF80;
	(pc) =	sbr.rel @p0 .LBB2_1-.Ltmp2, $4  }
0x39c: {  	[hbm4b:s6+s2] =	stream.linear.scatter [tilespmem:s12], [sflag:$0x1], $0x80, $0x38;
	[tilespmem:$0x980] =	vst v63  }
0x39d: {  	_ =	swait.ge [sflag:s8], $0x80  }
0x39e: {  	[sflag:s8] =	ssyncset.done $0x0  }
0x39f: {  	[sflag:s8] =	ssyncadd.s32 $0xFFFFFF80  }
0x3a0: {  	_ =	sfence.sel $0x180000  }
0x3a1: {  	[bflag:$0x0] =	sbarrier.arrive $0xFFFF  }
0x3a2: {  	p0 =	sne.s32 s0, $0x0;
	_ =	strace $0x90000047  }
0x3a3: {  	s0 =	sadd.s32 @!p0 $0x100000, s1;
	[bflag:$0x2] =	sbarrier.arrive $0xFFFF  }
0x3a4: {  	[sflag:s0] =	ssyncadd.tile.s32 @!p0 $0x1;
	_ =	shalt  }
.Lfunc_end2:
_tile_overlayer_lowered:
.L_overlay_start_2:
0x3a5: {  	(tag) =	ssettag $0x2  }
0x3a6: {  	s0 =	rddreg [dreg:$0x0];
	s2 =	stileid.u32  }
0x3a7: {  	s1 =	rddreg [dreg:$0x1];
	p0 =	sne.s32 s2, $0x0  }
0x3a8: {  	s3 =	rddreg [dreg:$0x2];
	[bflag:$0x3] =	sbarrier.arrive $0xFFFF;
	s2 =	simm.s32 @!p0 $0x1C01  }
0x3a9: {  	[timem:s3], [sflag:s2] =	dma.local @!p0 [hbm:s0], s1  }
0x3aa: {  	s0 =	simm.s32 @!p0 $0x1  }
0x3ab: {  	_ =	swait.ge @!p0 [sflag:s0], s1  }
0x3ac: {  	s1 =	ssub.s32 @!p0 $0x0, s1;
	[sflag:s0] =	ssyncset.done @!p0 $0x0  }
0x3ad: {  	[sflag:s0] =	ssyncadd.s32 @!p0 s1  }
0x3ae: {  	[bflag:$0x3] =	sbarrier.arrive $0xFFFF  }
0x3af: {  	_ =	shalt  }

</sc_bundles>
